<compile_context>
chip_gen: v7x
topology: tpu7x:2x2x1
jax: 0.10.2.dev20260603
libtpu: 0.0.44.dev20260713+nightly
codegen_flags: <defaults>
</compile_context>

<pallas_src>
import functools

import jax
import jax.numpy as jnp
from jax import lax
from jax.experimental import pallas as pl
from jax.experimental.pallas import tpu as pltpu
from jax.experimental.pallas import tpu_sc as plsc

N = 10000
NP = 10240
E = 320000
K = 100
NW = 32
EPW = E // NW
CPW = EPW // K
RPT = NP // 16
ZR = 64

K_BY_D = {128: 50, 64: 100, 32: 100}


def _mesh():
    return plsc.VectorSubcoreMesh(
        core_axis_name="c", subcore_axis_name="s", num_cores=2, num_subcores=16
    )


def _fill(ref, rows, cols, val):
    cv = cols // 16
    v = jnp.full((16,), val, jnp.float32)

    def body(i, carry):
        r = i // cv
        cc = (i % cv) * 16
        ref[r, pl.ds(cc, 16)] = v
        return carry

    lax.fori_loop(0, rows * cv, body, 0)


@functools.lru_cache(maxsize=None)
def _make_degree():
    @functools.partial(
        pl.kernel,
        out_type=jax.ShapeDtypeStruct((2, NP, 16), jnp.float32),
        mesh=_mesh(),
        scratch_types=[
            pltpu.VMEM((CPW, K), jnp.int32),
            pltpu.VMEM((K, 16), jnp.float32),
            pltpu.VMEM((RPT, 16), jnp.float32),
            pltpu.VMEM_SHARED((NP, 16), jnp.float32),
            pltpu.SemaphoreType.DMA,
        ],
        compiler_params=pltpu.CompilerParams(use_tc_tiling_on_sc=False),
    )
    def degree(dst3d, out, di_all, ones_v, z_v, acc, sem):
        c = lax.axis_index("c")
        s = lax.axis_index("s")
        wid = s * 2 + c
        _fill(z_v, RPT, 16, 0.0)
        _fill(ones_v, K, 16, 1.0)
        roff = pl.multiple_of(s * RPT, 8)
        pltpu.sync_copy(z_v, acc.at[pl.ds(roff, RPT)])
        pltpu.sync_copy(dst3d.at[wid], di_all)
        plsc.subcore_barrier()

        def grp(g, carry):
            cps = [
                pltpu.async_copy(
                    ones_v, acc.at[di_all.at[g * 4 + b]], sem, add=True
                )
                for b in range(4)
            ]
            for cp in cps:
                cp.wait()
            return carry

        lax.fori_loop(0, CPW // 4, grp, 0)
        plsc.subcore_barrier()
        pltpu.sync_copy(acc.at[pl.ds(roff, RPT)], out.at[c, pl.ds(roff, RPT)])

    return degree


@functools.lru_cache(maxsize=None)
def _make_prop(D):
    kd = K_BY_D[D]
    cpw = EPW // kd
    npair = cpw // 2

    @functools.partial(
        pl.kernel,
        out_type=jax.ShapeDtypeStruct((2, NP, D), jnp.float32),
        mesh=_mesh(),
        scratch_types=[
            pltpu.VMEM((cpw, kd), jnp.int32),
            pltpu.VMEM((cpw, kd), jnp.int32),
            pltpu.VMEM((kd, D), jnp.float32),
            pltpu.VMEM((kd, D), jnp.float32),
            pltpu.VMEM((ZR, D), jnp.float32),
            pltpu.VMEM_SHARED((NP, D), jnp.float32),
            pltpu.SemaphoreType.DMA,
            pltpu.SemaphoreType.DMA,
        ],
        compiler_params=pltpu.CompilerParams(use_tc_tiling_on_sc=False),
    )
    def prop(hp, src3d, dst3d, out, si_all, di_all, rows0, rows1, z_v, acc,
             sem0, sem1):
        c = lax.axis_index("c")
        s = lax.axis_index("s")
        wid = s * 2 + c
        _fill(z_v, ZR, D, 0.0)
        roff = pl.multiple_of(s * RPT, 8)
        for r in range(RPT // ZR):
            pltpu.sync_copy(z_v, acc.at[pl.ds(roff + r * ZR, ZR)])
        pltpu.sync_copy(src3d.at[wid], si_all)
        pltpu.sync_copy(dst3d.at[wid], di_all)
        plsc.subcore_barrier()

        pltpu.async_copy(hp.at[si_all.at[0]], rows0, sem0)

        def pair(g, carry):
            i0 = g * 2
            pltpu.make_async_copy(hp.at[si_all.at[i0]], rows0, sem0).wait()
            pltpu.async_copy(hp.at[si_all.at[i0 + 1]], rows1, sem1)
            pltpu.sync_copy(rows0, acc.at[di_all.at[i0]], add=True)
            pltpu.make_async_copy(
                hp.at[si_all.at[i0 + 1]], rows1, sem1
            ).wait()

            @pl.when(g + 1 < npair)
            def _():
                pltpu.async_copy(hp.at[si_all.at[i0 + 2]], rows0, sem0)

            pltpu.sync_copy(rows1, acc.at[di_all.at[i0 + 1]], add=True)
            return carry

        lax.fori_loop(0, npair, pair, 0)
        plsc.subcore_barrier()
        pltpu.sync_copy(acc.at[pl.ds(roff, RPT)], out.at[c, pl.ds(roff, RPT)])

    return prop



_B = 1000


def _tc_first_body(x_ref, w_ref, degp_ref, hp_ref, dinv_ref):
    deg = degp_ref[0, :, 0:1] + degp_ref[1, :, 0:1] + 1.0
    dinv = lax.rsqrt(deg)
    t = jnp.dot(x_ref[...], w_ref[...], preferred_element_type=jnp.float32)
    hp_ref[...] = t * dinv
    dinv_ref[...] = dinv


def _tc_first(x, W1, degp):
    Din, Dout = W1.shape
    return pl.pallas_call(
        _tc_first_body,
        grid=(N // _B,),
        in_specs=[
            pl.BlockSpec((_B, Din), lambda i: (i, 0)),
            pl.BlockSpec((Din, Dout), lambda i: (0, 0)),
            pl.BlockSpec((2, _B, 16), lambda i: (0, i, 0)),
        ],
        out_specs=[
            pl.BlockSpec((_B, Dout), lambda i: (i, 0)),
            pl.BlockSpec((_B, 1), lambda i: (i, 0)),
        ],
        out_shape=[
            jax.ShapeDtypeStruct((N, Dout), jnp.float32),
            jax.ShapeDtypeStruct((N, 1), jnp.float32),
        ],
    )(x, W1, degp)


def _tc_mid_body(p_ref, hp_ref, dinv_ref, b_ref, w_ref, hpn_ref):
    dinv = dinv_ref[...]
    sm = p_ref[0] + p_ref[1] + hp_ref[...]
    a = jnp.maximum(sm * dinv + b_ref[...], 0.0)
    t = jnp.dot(a, w_ref[...], preferred_element_type=jnp.float32)
    hpn_ref[...] = t * dinv


def _tc_mid(p, hp, dinv, b, W):
    Din, Dout = W.shape
    return pl.pallas_call(
        _tc_mid_body,
        grid=(N // _B,),
        in_specs=[
            pl.BlockSpec((2, _B, Din), lambda i: (0, i, 0)),
            pl.BlockSpec((_B, Din), lambda i: (i, 0)),
            pl.BlockSpec((_B, 1), lambda i: (i, 0)),
            pl.BlockSpec((1, Din), lambda i: (0, 0)),
            pl.BlockSpec((Din, Dout), lambda i: (0, 0)),
        ],
        out_specs=pl.BlockSpec((_B, Dout), lambda i: (i, 0)),
        out_shape=jax.ShapeDtypeStruct((N, Dout), jnp.float32),
    )(p, hp, dinv, b, W)


def _tc_last_body(p_ref, hp_ref, dinv_ref, b_ref, out_ref):
    dinv = dinv_ref[...]
    sm = p_ref[0] + p_ref[1] + hp_ref[...]
    out_ref[...] = sm * dinv + b_ref[...]


def _tc_last(p, hp, dinv, b):
    D = hp.shape[1]
    return pl.pallas_call(
        _tc_last_body,
        grid=(N // _B,),
        in_specs=[
            pl.BlockSpec((2, _B, D), lambda i: (0, i, 0)),
            pl.BlockSpec((_B, D), lambda i: (i, 0)),
            pl.BlockSpec((_B, 1), lambda i: (i, 0)),
            pl.BlockSpec((1, D), lambda i: (0, 0)),
        ],
        out_specs=pl.BlockSpec((_B, D), lambda i: (i, 0)),
        out_shape=jax.ShapeDtypeStruct((N, D), jnp.float32),
    )(p, hp, dinv, b)


def _edges3d(v, D):
    kd = K_BY_D[D]
    return v.reshape(NW, EPW // kd, kd)


def kernel(x, edge_index, W1, b1, W2, b2, W3, b3):
    ei = edge_index.astype(jnp.int32)
    src, dst = ei[0], ei[1]

    degp = _make_degree()(dst.reshape(NW, CPW, K))
    hp1, dinv = _tc_first(x, W1, degp)
    d1 = W1.shape[1]
    p1 = _make_prop(d1)(hp1, _edges3d(src, d1), _edges3d(dst, d1))
    hp2 = _tc_mid(p1, hp1, dinv, b1.reshape(1, -1), W2)
    d2 = W2.shape[1]
    p2 = _make_prop(d2)(hp2, _edges3d(src, d2), _edges3d(dst, d2))
    hp3 = _tc_mid(p2, hp2, dinv, b2.reshape(1, -1), W3)
    d3 = W3.shape[1]
    p3 = _make_prop(d3)(hp3, _edges3d(src, d3), _edges3d(dst, d3))
    return _tc_last(p3, hp3, dinv, b3.reshape(1, -1))

# --- scband reference (transcript-rebuilt; emitter-appended) ---
"""Pipeline reference for scband-log-graph-ssl-6932077215865 (READ-ONLY COPY).

The authoritative reference and input builder live on the scoring server;
editing this copy changes nothing except your own understanding.
"""

import jax, jax.numpy as jnp
import numpy as np

N_NODES = 10000
N_EDGES = 320000


def glorot(key, shape):
    fan_in, fan_out = shape[0], shape[1]
    limit = float(np.sqrt(6.0 / (fan_in + fan_out)))
    return jax.random.uniform(key, shape, minval=-limit, maxval=limit, dtype=jnp.float32)


def setup_inputs(seed: int = 0) -> dict:
    key = jax.random.key(seed)
    ks = jax.random.split(key, 8)
    x = jax.random.normal(ks[0], (N_NODES, 128), dtype=jnp.float32)
    edge_index = jax.random.randint(ks[1], (2, N_EDGES), 0, N_NODES, dtype=jnp.int64)
    # GCN layer dims: [128 -> 128 -> 64 -> 32] per LogGraphSSL(input_dim=128, hidden_dims=[128,64], output_dim=32)
    W1 = glorot(ks[2], (128, 128))
    b1 = jnp.zeros((128,), dtype=jnp.float32)
    W2 = glorot(ks[3], (128, 64))
    b2 = jnp.zeros((64,), dtype=jnp.float32)
    W3 = glorot(ks[4], (64, 32))
    b3 = jnp.zeros((32,), dtype=jnp.float32)
    return {"x": x, "edge_index": edge_index, "W1": W1, "b1": b1, "W2": W2, "b2": b2, "W3": W3, "b3": b3}


def gcn_conv(x, W, b, src, dst, n_nodes):
    # PyG GCNConv with add_self_loops=True, normalize=True:
    # out = D^{-1/2} (A + I) D^{-1/2} (X W) + b
    loop = jnp.arange(n_nodes, dtype=src.dtype)
    src2 = jnp.concatenate([src, loop])
    dst2 = jnp.concatenate([dst, loop])
    deg = jnp.zeros((n_nodes,), dtype=jnp.float32).at[dst2].add(1.0)
    dinv = jnp.where(deg > 0, deg ** -0.5, 0.0)
    norm = dinv[src2] * dinv[dst2]
    h = x @ W
    msgs = h[src2] * norm[:, None]
    out = jnp.zeros((n_nodes, W.shape[1]), dtype=jnp.float32).at[dst2].add(msgs)
    return out + b


def reference(x, edge_index, W1, b1, W2, b2, W3, b3):
    # LogGraphSSL.forward (eval mode): embeddings = GCNEncoder(x, edge_index)
    # GCNEncoder: conv -> relu -> (dropout inactive) for all but last layer
    src, dst = edge_index[0], edge_index[1]
    n = x.shape[0]
    h = gcn_conv(x, W1, b1, src, dst, n)
    h = jax.nn.relu(h)
    h = gcn_conv(h, W2, b2, src, dst, n)
    h = jax.nn.relu(h)
    h = gcn_conv(h, W3, b3, src, dst, n)
    return h

if __name__ == "__main__":
    import jax
    _d = setup_inputs()
    print(jax.jit(kernel)(*tuple(_d.values())))

</pallas_src>

<mosaic_0001>
#map = affine_map<(d0, d1) -> (0, 0)>
#map1 = affine_map<(d0, d1) -> (0, 0, 0)>
module attributes {stable_mosaic.version = 14 : i64} {
  func.func @prop(%arg0: i32, %arg1: i32, %arg2: memref<10000x128xf32, #tpu.memory_space<hbm>>, %arg3: memref<32x200x50xi32, #tpu.memory_space<hbm>>, %arg4: memref<32x200x50xi32, #tpu.memory_space<hbm>>, %arg5: memref<2x10240x128xf32, #tpu.memory_space<hbm>>, %arg6: memref<200x50xi32, #tpu.memory_space<vmem>>, %arg7: memref<200x50xi32, #tpu.memory_space<vmem>>, %arg8: memref<50x128xf32, #tpu.memory_space<vmem>>, %arg9: memref<50x128xf32, #tpu.memory_space<vmem>>, %arg10: memref<64x128xf32, #tpu.memory_space<vmem>>, %arg11: memref<10240x128xf32, #tpu.memory_space<vmem_shared>>, %arg12: memref<!tpu.dma_semaphore, #tpu.memory_space<semaphore_mem>>, %arg13: memref<!tpu.dma_semaphore, #tpu.memory_space<semaphore_mem>>) attributes {dimension_semantics = [#tpu.dimension_semantics<core_parallel>, #tpu.dimension_semantics<subcore_parallel>], iteration_bounds = array<i64: 2, 16>, scalar_prefetch = 0 : i64, scratch_operands = 8 : i64, tpu.core_type = #tpu.core_type<sc_vector_subcore>, window_params = [{transform_indices = #map}, {transform_indices = #map1}, {transform_indices = #map1}, {transform_indices = #map1}]} {
    %mul3A = arith.constant 2 : i32
    %mul3A_0 = arith.muli %arg1, %mul3A : i32
    %add3A = arith.addi %mul3A_0, %arg0 : i32
    %broadcast_in_dim3A = arith.constant 0.000000e+00 : f32
    %broadcast_in_dim3A_1 = vector.broadcast %broadcast_in_dim3A : f32 to vector<16xf32>
    %scan3A = arith.constant 0 : i32
    %scan3A_2 = arith.constant 0 : i32
    %scan3A_3 = arith.constant 512 : i32
    %scan3A_4 = arith.addi %scan3A_2, %scan3A_3 : i32
    %scan3A_5 = arith.constant 1 : i32
    scf.for %scan3A_42 = %scan3A_2 to %scan3A_4 step %scan3A_5  : i32 {
      %jit3A = arith.constant 8 : i32
      %div3A = arith.divsi %scan3A_42, %jit3A : i32
      %sign3A = arith.constant 0 : i32
      %sign3A_43 = arith.cmpi sgt, %scan3A_42, %sign3A : i32
      %sign3A_44 = arith.extui %sign3A_43 : i1 to i32
      %sign3A_45 = arith.constant 0 : i32
      %sign3A_46 = arith.cmpi slt, %scan3A_42, %sign3A_45 : i32
      %sign3A_47 = arith.extui %sign3A_46 : i1 to i32
      %sign3A_48 = arith.subi %sign3A_44, %sign3A_47 : i32
      %sign3A_49 = arith.constant 0 : i32
      %sign3A_50 = arith.cmpi sgt, %jit3A, %sign3A_49 : i32
      %sign3A_51 = arith.extui %sign3A_50 : i1 to i32
      %sign3A_52 = arith.constant 0 : i32
      %sign3A_53 = arith.cmpi slt, %jit3A, %sign3A_52 : i32
      %sign3A_54 = arith.extui %sign3A_53 : i1 to i32
      %sign3A_55 = arith.subi %sign3A_51, %sign3A_54 : i32
      %ne3A = arith.cmpi ne, %sign3A_48, %sign3A_55 : i32
      %rem3A = arith.remsi %scan3A_42, %jit3A : i32
      %ne3A_56 = arith.constant 0 : i32
      %ne3A_57 = arith.cmpi ne, %rem3A, %ne3A_56 : i32
      %and3A = arith.andi %ne3A, %ne3A_57 : i1
      %sub3A = arith.constant 1 : i32
      %sub3A_58 = arith.subi %div3A, %sub3A : i32
      %select_n3A = arith.select %and3A, %sub3A_58, %div3A : i32
      %jit3A_59 = arith.constant 8 : i32
      %eq3A = arith.constant 0 : i32
      %eq3A_60 = arith.cmpi eq, %jit3A_59, %eq3A : i32
      %jit3A_61 = arith.constant 1 : i32
      %select_n3A_62 = arith.select %eq3A_60, %jit3A_61, %jit3A_59 : i32
      %rem3A_63 = arith.remsi %scan3A_42, %select_n3A_62 : i32
      %ne3A_64 = arith.constant 0 : i32
      %ne3A_65 = arith.cmpi ne, %rem3A_63, %ne3A_64 : i32
      %lt3A = arith.constant 0 : i32
      %lt3A_66 = arith.cmpi slt, %rem3A_63, %lt3A : i32
      %lt3A_67 = arith.constant 0 : i32
      %lt3A_68 = arith.cmpi slt, %select_n3A_62, %lt3A_67 : i32
      %ne3A_69 = arith.xori %lt3A_66, %lt3A_68 : i1
      %and3A_70 = arith.andi %ne3A_69, %ne3A_65 : i1
      %add3A_71 = arith.addi %rem3A_63, %select_n3A_62 : i32
      %select_n3A_72 = arith.select %and3A_70, %add3A_71, %rem3A_63 : i32
      %mul3A_73 = arith.constant 16 : i32
      %mul3A_74 = arith.muli %select_n3A_72, %mul3A_73 : i32
      %swap3A = arith.index_cast %select_n3A : i32 to index
      %swap3A_75 = arith.index_cast %mul3A_74 : i32 to index
      %swap3A_76 = tpu.vector_load %arg10[%swap3A, %swap3A_75] {strides = array<i32>} : memref<64x128xf32, #tpu.memory_space<vmem>>, vector<1x16xf32>,
      %swap3A_77 = vector.shape_cast %swap3A_76 : vector<1x16xf32> to vector<16xf32>
      %swap3A_78 = vector.shape_cast %broadcast_in_dim3A_1 : vector<16xf32> to vector<1x16xf32>
      tpu.vector_store %arg10[%swap3A, %swap3A_75], %swap3A_78 {strides = array<i32>} : memref<64x128xf32, #tpu.memory_space<vmem>>, vector<1x16xf32>,
    }
    %scan3A_6 = arith.constant 512 : i32
    %mul3A_7 = arith.constant 640 : i32
    %mul3A_8 = arith.muli %arg1, %mul3A_7 : i32
    %multiple_of3A = tpu.assume_multiple %mul3A_8, 8 : i32
    %add3A_9 = arith.constant 0 : i32
    %add3A_10 = arith.addi %multiple_of3A, %add3A_9 : i32
    "tpu.region"() ({
      %run_scoped3A = tpu.sem_alloc : memref<!tpu.dma_semaphore, #tpu.memory_space<semaphore_mem>>
      %dma_start3A_42 = arith.constant 0 : i32
      %dma_start3A_43 = tpu.memref_slice %arg11[%add3A_10, %dma_start3A_42] : memref<10240x128xf32, #tpu.memory_space<vmem_shared>> -> memref<64x128xf32, #tpu.memory_space<vmem_shared>>
      %dma_start3A_44 = arith.constant 0 : i32
      %dma_start3A_45 = tpu.memref_slice %arg11[%add3A_10, %dma_start3A_44] : memref<10240x128xf32, #tpu.memory_space<vmem_shared>> -> memref<64x128xf32, #tpu.memory_space<vmem_shared>>
      tpu.enqueue_dma source(%arg10 : memref<64x128xf32, #tpu.memory_space<vmem>>) target(%dma_start3A_45 : memref<64x128xf32, #tpu.memory_space<vmem_shared>>) target_semaphore(%run_scoped3A : memref<!tpu.dma_semaphore, #tpu.memory_space<semaphore_mem>>)
      %dma_wait3A = arith.constant 0 : i32
      %dma_wait3A_46 = tpu.memref_slice %arg11[%add3A_10, %dma_wait3A] : memref<10240x128xf32, #tpu.memory_space<vmem_shared>> -> memref<64x128xf32, #tpu.memory_space<vmem_shared>>
      %dma_wait3A_47 = arith.constant 0 : i32
      %dma_wait3A_48 = tpu.memref_slice %arg11[%add3A_10, %dma_wait3A_47] : memref<10240x128xf32, #tpu.memory_space<vmem_shared>> -> memref<64x128xf32, #tpu.memory_space<vmem_shared>>
      tpu.wait_dma2 semaphore(%run_scoped3A : memref<!tpu.dma_semaphore, #tpu.memory_space<semaphore_mem>>) src(%arg10 : memref<64x128xf32, #tpu.memory_space<vmem>>) dst(%dma_wait3A_48 : memref<64x128xf32, #tpu.memory_space<vmem_shared>>)
      tpu.yield
    }) : () -> ()
    %add3A_11 = arith.constant 64 : i32
    %add3A_12 = arith.addi %multiple_of3A, %add3A_11 : i32
    "tpu.region"() ({
      %run_scoped3A = tpu.sem_alloc : memref<!tpu.dma_semaphore, #tpu.memory_space<semaphore_mem>>
      %dma_start3A_42 = arith.constant 0 : i32
      %dma_start3A_43 = tpu.memref_slice %arg11[%add3A_12, %dma_start3A_42] : memref<10240x128xf32, #tpu.memory_space<vmem_shared>> -> memref<64x128xf32, #tpu.memory_space<vmem_shared>>
      %dma_start3A_44 = arith.constant 0 : i32
      %dma_start3A_45 = tpu.memref_slice %arg11[%add3A_12, %dma_start3A_44] : memref<10240x128xf32, #tpu.memory_space<vmem_shared>> -> memref<64x128xf32, #tpu.memory_space<vmem_shared>>
      tpu.enqueue_dma source(%arg10 : memref<64x128xf32, #tpu.memory_space<vmem>>) target(%dma_start3A_45 : memref<64x128xf32, #tpu.memory_space<vmem_shared>>) target_semaphore(%run_scoped3A : memref<!tpu.dma_semaphore, #tpu.memory_space<semaphore_mem>>)
      %dma_wait3A = arith.constant 0 : i32
      %dma_wait3A_46 = tpu.memref_slice %arg11[%add3A_12, %dma_wait3A] : memref<10240x128xf32, #tpu.memory_space<vmem_shared>> -> memref<64x128xf32, #tpu.memory_space<vmem_shared>>
      %dma_wait3A_47 = arith.constant 0 : i32
      %dma_wait3A_48 = tpu.memref_slice %arg11[%add3A_12, %dma_wait3A_47] : memref<10240x128xf32, #tpu.memory_space<vmem_shared>> -> memref<64x128xf32, #tpu.memory_space<vmem_shared>>
      tpu.wait_dma2 semaphore(%run_scoped3A : memref<!tpu.dma_semaphore, #tpu.memory_space<semaphore_mem>>) src(%arg10 : memref<64x128xf32, #tpu.memory_space<vmem>>) dst(%dma_wait3A_48 : memref<64x128xf32, #tpu.memory_space<vmem_shared>>)
      tpu.yield
    }) : () -> ()
    %add3A_13 = arith.constant 128 : i32
    %add3A_14 = arith.addi %multiple_of3A, %add3A_13 : i32
    "tpu.region"() ({
      %run_scoped3A = tpu.sem_alloc : memref<!tpu.dma_semaphore, #tpu.memory_space<semaphore_mem>>
      %dma_start3A_42 = arith.constant 0 : i32
      %dma_start3A_43 = tpu.memref_slice %arg11[%add3A_14, %dma_start3A_42] : memref<10240x128xf32, #tpu.memory_space<vmem_shared>> -> memref<64x128xf32, #tpu.memory_space<vmem_shared>>
      %dma_start3A_44 = arith.constant 0 : i32
      %dma_start3A_45 = tpu.memref_slice %arg11[%add3A_14, %dma_start3A_44] : memref<10240x128xf32, #tpu.memory_space<vmem_shared>> -> memref<64x128xf32, #tpu.memory_space<vmem_shared>>
      tpu.enqueue_dma source(%arg10 : memref<64x128xf32, #tpu.memory_space<vmem>>) target(%dma_start3A_45 : memref<64x128xf32, #tpu.memory_space<vmem_shared>>) target_semaphore(%run_scoped3A : memref<!tpu.dma_semaphore, #tpu.memory_space<semaphore_mem>>)
      %dma_wait3A = arith.constant 0 : i32
      %dma_wait3A_46 = tpu.memref_slice %arg11[%add3A_14, %dma_wait3A] : memref<10240x128xf32, #tpu.memory_space<vmem_shared>> -> memref<64x128xf32, #tpu.memory_space<vmem_shared>>
      %dma_wait3A_47 = arith.constant 0 : i32
      %dma_wait3A_48 = tpu.memref_slice %arg11[%add3A_14, %dma_wait3A_47] : memref<10240x128xf32, #tpu.memory_space<vmem_shared>> -> memref<64x128xf32, #tpu.memory_space<vmem_shared>>
      tpu.wait_dma2 semaphore(%run_scoped3A : memref<!tpu.dma_semaphore, #tpu.memory_space<semaphore_mem>>) src(%arg10 : memref<64x128xf32, #tpu.memory_space<vmem>>) dst(%dma_wait3A_48 : memref<64x128xf32, #tpu.memory_space<vmem_shared>>)
      tpu.yield
    }) : () -> ()
    %add3A_15 = arith.constant 192 : i32
    %add3A_16 = arith.addi %multiple_of3A, %add3A_15 : i32
    "tpu.region"() ({
      %run_scoped3A = tpu.sem_alloc : memref<!tpu.dma_semaphore, #tpu.memory_space<semaphore_mem>>
      %dma_start3A_42 = arith.constant 0 : i32
      %dma_start3A_43 = tpu.memref_slice %arg11[%add3A_16, %dma_start3A_42] : memref<10240x128xf32, #tpu.memory_space<vmem_shared>> -> memref<64x128xf32, #tpu.memory_space<vmem_shared>>
      %dma_start3A_44 = arith.constant 0 : i32
      %dma_start3A_45 = tpu.memref_slice %arg11[%add3A_16, %dma_start3A_44] : memref<10240x128xf32, #tpu.memory_space<vmem_shared>> -> memref<64x128xf32, #tpu.memory_space<vmem_shared>>
      tpu.enqueue_dma source(%arg10 : memref<64x128xf32, #tpu.memory_space<vmem>>) target(%dma_start3A_45 : memref<64x128xf32, #tpu.memory_space<vmem_shared>>) target_semaphore(%run_scoped3A : memref<!tpu.dma_semaphore, #tpu.memory_space<semaphore_mem>>)
      %dma_wait3A = arith.constant 0 : i32
      %dma_wait3A_46 = tpu.memref_slice %arg11[%add3A_16, %dma_wait3A] : memref<10240x128xf32, #tpu.memory_space<vmem_shared>> -> memref<64x128xf32, #tpu.memory_space<vmem_shared>>
      %dma_wait3A_47 = arith.constant 0 : i32
      %dma_wait3A_48 = tpu.memref_slice %arg11[%add3A_16, %dma_wait3A_47] : memref<10240x128xf32, #tpu.memory_space<vmem_shared>> -> memref<64x128xf32, #tpu.memory_space<vmem_shared>>
      tpu.wait_dma2 semaphore(%run_scoped3A : memref<!tpu.dma_semaphore, #tpu.memory_space<semaphore_mem>>) src(%arg10 : memref<64x128xf32, #tpu.memory_space<vmem>>) dst(%dma_wait3A_48 : memref<64x128xf32, #tpu.memory_space<vmem_shared>>)
      tpu.yield
    }) : () -> ()
    %add3A_17 = arith.constant 256 : i32
    %add3A_18 = arith.addi %multiple_of3A, %add3A_17 : i32
    "tpu.region"() ({
      %run_scoped3A = tpu.sem_alloc : memref<!tpu.dma_semaphore, #tpu.memory_space<semaphore_mem>>
      %dma_start3A_42 = arith.constant 0 : i32
      %dma_start3A_43 = tpu.memref_slice %arg11[%add3A_18, %dma_start3A_42] : memref<10240x128xf32, #tpu.memory_space<vmem_shared>> -> memref<64x128xf32, #tpu.memory_space<vmem_shared>>
      %dma_start3A_44 = arith.constant 0 : i32
      %dma_start3A_45 = tpu.memref_slice %arg11[%add3A_18, %dma_start3A_44] : memref<10240x128xf32, #tpu.memory_space<vmem_shared>> -> memref<64x128xf32, #tpu.memory_space<vmem_shared>>
      tpu.enqueue_dma source(%arg10 : memref<64x128xf32, #tpu.memory_space<vmem>>) target(%dma_start3A_45 : memref<64x128xf32, #tpu.memory_space<vmem_shared>>) target_semaphore(%run_scoped3A : memref<!tpu.dma_semaphore, #tpu.memory_space<semaphore_mem>>)
      %dma_wait3A = arith.constant 0 : i32
      %dma_wait3A_46 = tpu.memref_slice %arg11[%add3A_18, %dma_wait3A] : memref<10240x128xf32, #tpu.memory_space<vmem_shared>> -> memref<64x128xf32, #tpu.memory_space<vmem_shared>>
      %dma_wait3A_47 = arith.constant 0 : i32
      %dma_wait3A_48 = tpu.memref_slice %arg11[%add3A_18, %dma_wait3A_47] : memref<10240x128xf32, #tpu.memory_space<vmem_shared>> -> memref<64x128xf32, #tpu.memory_space<vmem_shared>>
      tpu.wait_dma2 semaphore(%run_scoped3A : memref<!tpu.dma_semaphore, #tpu.memory_space<semaphore_mem>>) src(%arg10 : memref<64x128xf32, #tpu.memory_space<vmem>>) dst(%dma_wait3A_48 : memref<64x128xf32, #tpu.memory_space<vmem_shared>>)
      tpu.yield
    }) : () -> ()
    %add3A_19 = arith.constant 320 : i32
    %add3A_20 = arith.addi %multiple_of3A, %add3A_19 : i32
    "tpu.region"() ({
      %run_scoped3A = tpu.sem_alloc : memref<!tpu.dma_semaphore, #tpu.memory_space<semaphore_mem>>
      %dma_start3A_42 = arith.constant 0 : i32
      %dma_start3A_43 = tpu.memref_slice %arg11[%add3A_20, %dma_start3A_42] : memref<10240x128xf32, #tpu.memory_space<vmem_shared>> -> memref<64x128xf32, #tpu.memory_space<vmem_shared>>
      %dma_start3A_44 = arith.constant 0 : i32
      %dma_start3A_45 = tpu.memref_slice %arg11[%add3A_20, %dma_start3A_44] : memref<10240x128xf32, #tpu.memory_space<vmem_shared>> -> memref<64x128xf32, #tpu.memory_space<vmem_shared>>
      tpu.enqueue_dma source(%arg10 : memref<64x128xf32, #tpu.memory_space<vmem>>) target(%dma_start3A_45 : memref<64x128xf32, #tpu.memory_space<vmem_shared>>) target_semaphore(%run_scoped3A : memref<!tpu.dma_semaphore, #tpu.memory_space<semaphore_mem>>)
      %dma_wait3A = arith.constant 0 : i32
      %dma_wait3A_46 = tpu.memref_slice %arg11[%add3A_20, %dma_wait3A] : memref<10240x128xf32, #tpu.memory_space<vmem_shared>> -> memref<64x128xf32, #tpu.memory_space<vmem_shared>>
      %dma_wait3A_47 = arith.constant 0 : i32
      %dma_wait3A_48 = tpu.memref_slice %arg11[%add3A_20, %dma_wait3A_47] : memref<10240x128xf32, #tpu.memory_space<vmem_shared>> -> memref<64x128xf32, #tpu.memory_space<vmem_shared>>
      tpu.wait_dma2 semaphore(%run_scoped3A : memref<!tpu.dma_semaphore, #tpu.memory_space<semaphore_mem>>) src(%arg10 : memref<64x128xf32, #tpu.memory_space<vmem>>) dst(%dma_wait3A_48 : memref<64x128xf32, #tpu.memory_space<vmem_shared>>)
      tpu.yield
    }) : () -> ()
    %add3A_21 = arith.constant 384 : i32
    %add3A_22 = arith.addi %multiple_of3A, %add3A_21 : i32
    "tpu.region"() ({
      %run_scoped3A = tpu.sem_alloc : memref<!tpu.dma_semaphore, #tpu.memory_space<semaphore_mem>>
      %dma_start3A_42 = arith.constant 0 : i32
      %dma_start3A_43 = tpu.memref_slice %arg11[%add3A_22, %dma_start3A_42] : memref<10240x128xf32, #tpu.memory_space<vmem_shared>> -> memref<64x128xf32, #tpu.memory_space<vmem_shared>>
      %dma_start3A_44 = arith.constant 0 : i32
      %dma_start3A_45 = tpu.memref_slice %arg11[%add3A_22, %dma_start3A_44] : memref<10240x128xf32, #tpu.memory_space<vmem_shared>> -> memref<64x128xf32, #tpu.memory_space<vmem_shared>>
      tpu.enqueue_dma source(%arg10 : memref<64x128xf32, #tpu.memory_space<vmem>>) target(%dma_start3A_45 : memref<64x128xf32, #tpu.memory_space<vmem_shared>>) target_semaphore(%run_scoped3A : memref<!tpu.dma_semaphore, #tpu.memory_space<semaphore_mem>>)
      %dma_wait3A = arith.constant 0 : i32
      %dma_wait3A_46 = tpu.memref_slice %arg11[%add3A_22, %dma_wait3A] : memref<10240x128xf32, #tpu.memory_space<vmem_shared>> -> memref<64x128xf32, #tpu.memory_space<vmem_shared>>
      %dma_wait3A_47 = arith.constant 0 : i32
      %dma_wait3A_48 = tpu.memref_slice %arg11[%add3A_22, %dma_wait3A_47] : memref<10240x128xf32, #tpu.memory_space<vmem_shared>> -> memref<64x128xf32, #tpu.memory_space<vmem_shared>>
      tpu.wait_dma2 semaphore(%run_scoped3A : memref<!tpu.dma_semaphore, #tpu.memory_space<semaphore_mem>>) src(%arg10 : memref<64x128xf32, #tpu.memory_space<vmem>>) dst(%dma_wait3A_48 : memref<64x128xf32, #tpu.memory_space<vmem_shared>>)
      tpu.yield
    }) : () -> ()
    %add3A_23 = arith.constant 448 : i32
    %add3A_24 = arith.addi %multiple_of3A, %add3A_23 : i32
    "tpu.region"() ({
      %run_scoped3A = tpu.sem_alloc : memref<!tpu.dma_semaphore, #tpu.memory_space<semaphore_mem>>
      %dma_start3A_42 = arith.constant 0 : i32
      %dma_start3A_43 = tpu.memref_slice %arg11[%add3A_24, %dma_start3A_42] : memref<10240x128xf32, #tpu.memory_space<vmem_shared>> -> memref<64x128xf32, #tpu.memory_space<vmem_shared>>
      %dma_start3A_44 = arith.constant 0 : i32
      %dma_start3A_45 = tpu.memref_slice %arg11[%add3A_24, %dma_start3A_44] : memref<10240x128xf32, #tpu.memory_space<vmem_shared>> -> memref<64x128xf32, #tpu.memory_space<vmem_shared>>
      tpu.enqueue_dma source(%arg10 : memref<64x128xf32, #tpu.memory_space<vmem>>) target(%dma_start3A_45 : memref<64x128xf32, #tpu.memory_space<vmem_shared>>) target_semaphore(%run_scoped3A : memref<!tpu.dma_semaphore, #tpu.memory_space<semaphore_mem>>)
      %dma_wait3A = arith.constant 0 : i32
      %dma_wait3A_46 = tpu.memref_slice %arg11[%add3A_24, %dma_wait3A] : memref<10240x128xf32, #tpu.memory_space<vmem_shared>> -> memref<64x128xf32, #tpu.memory_space<vmem_shared>>
      %dma_wait3A_47 = arith.constant 0 : i32
      %dma_wait3A_48 = tpu.memref_slice %arg11[%add3A_24, %dma_wait3A_47] : memref<10240x128xf32, #tpu.memory_space<vmem_shared>> -> memref<64x128xf32, #tpu.memory_space<vmem_shared>>
      tpu.wait_dma2 semaphore(%run_scoped3A : memref<!tpu.dma_semaphore, #tpu.memory_space<semaphore_mem>>) src(%arg10 : memref<64x128xf32, #tpu.memory_space<vmem>>) dst(%dma_wait3A_48 : memref<64x128xf32, #tpu.memory_space<vmem_shared>>)
      tpu.yield
    }) : () -> ()
    %add3A_25 = arith.constant 512 : i32
    %add3A_26 = arith.addi %multiple_of3A, %add3A_25 : i32
    "tpu.region"() ({
      %run_scoped3A = tpu.sem_alloc : memref<!tpu.dma_semaphore, #tpu.memory_space<semaphore_mem>>
      %dma_start3A_42 = arith.constant 0 : i32
      %dma_start3A_43 = tpu.memref_slice %arg11[%add3A_26, %dma_start3A_42] : memref<10240x128xf32, #tpu.memory_space<vmem_shared>> -> memref<64x128xf32, #tpu.memory_space<vmem_shared>>
      %dma_start3A_44 = arith.constant 0 : i32
      %dma_start3A_45 = tpu.memref_slice %arg11[%add3A_26, %dma_start3A_44] : memref<10240x128xf32, #tpu.memory_space<vmem_shared>> -> memref<64x128xf32, #tpu.memory_space<vmem_shared>>
      tpu.enqueue_dma source(%arg10 : memref<64x128xf32, #tpu.memory_space<vmem>>) target(%dma_start3A_45 : memref<64x128xf32, #tpu.memory_space<vmem_shared>>) target_semaphore(%run_scoped3A : memref<!tpu.dma_semaphore, #tpu.memory_space<semaphore_mem>>)
      %dma_wait3A = arith.constant 0 : i32
      %dma_wait3A_46 = tpu.memref_slice %arg11[%add3A_26, %dma_wait3A] : memref<10240x128xf32, #tpu.memory_space<vmem_shared>> -> memref<64x128xf32, #tpu.memory_space<vmem_shared>>
      %dma_wait3A_47 = arith.constant 0 : i32
      %dma_wait3A_48 = tpu.memref_slice %arg11[%add3A_26, %dma_wait3A_47] : memref<10240x128xf32, #tpu.memory_space<vmem_shared>> -> memref<64x128xf32, #tpu.memory_space<vmem_shared>>
      tpu.wait_dma2 semaphore(%run_scoped3A : memref<!tpu.dma_semaphore, #tpu.memory_space<semaphore_mem>>) src(%arg10 : memref<64x128xf32, #tpu.memory_space<vmem>>) dst(%dma_wait3A_48 : memref<64x128xf32, #tpu.memory_space<vmem_shared>>)
      tpu.yield
    }) : () -> ()
    %add3A_27 = arith.constant 576 : i32
    %add3A_28 = arith.addi %multiple_of3A, %add3A_27 : i32
    "tpu.region"() ({
      %run_scoped3A = tpu.sem_alloc : memref<!tpu.dma_semaphore, #tpu.memory_space<semaphore_mem>>
      %dma_start3A_42 = arith.constant 0 : i32
      %dma_start3A_43 = tpu.memref_slice %arg11[%add3A_28, %dma_start3A_42] : memref<10240x128xf32, #tpu.memory_space<vmem_shared>> -> memref<64x128xf32, #tpu.memory_space<vmem_shared>>
      %dma_start3A_44 = arith.constant 0 : i32
      %dma_start3A_45 = tpu.memref_slice %arg11[%add3A_28, %dma_start3A_44] : memref<10240x128xf32, #tpu.memory_space<vmem_shared>> -> memref<64x128xf32, #tpu.memory_space<vmem_shared>>
      tpu.enqueue_dma source(%arg10 : memref<64x128xf32, #tpu.memory_space<vmem>>) target(%dma_start3A_45 : memref<64x128xf32, #tpu.memory_space<vmem_shared>>) target_semaphore(%run_scoped3A : memref<!tpu.dma_semaphore, #tpu.memory_space<semaphore_mem>>)
      %dma_wait3A = arith.constant 0 : i32
      %dma_wait3A_46 = tpu.memref_slice %arg11[%add3A_28, %dma_wait3A] : memref<10240x128xf32, #tpu.memory_space<vmem_shared>> -> memref<64x128xf32, #tpu.memory_space<vmem_shared>>
      %dma_wait3A_47 = arith.constant 0 : i32
      %dma_wait3A_48 = tpu.memref_slice %arg11[%add3A_28, %dma_wait3A_47] : memref<10240x128xf32, #tpu.memory_space<vmem_shared>> -> memref<64x128xf32, #tpu.memory_space<vmem_shared>>
      tpu.wait_dma2 semaphore(%run_scoped3A : memref<!tpu.dma_semaphore, #tpu.memory_space<semaphore_mem>>) src(%arg10 : memref<64x128xf32, #tpu.memory_space<vmem>>) dst(%dma_wait3A_48 : memref<64x128xf32, #tpu.memory_space<vmem_shared>>)
      tpu.yield
    }) : () -> ()
    "tpu.region"() ({
      %run_scoped3A = tpu.sem_alloc : memref<!tpu.dma_semaphore, #tpu.memory_space<semaphore_mem>>
      %dma_start3A_42 = arith.constant 0 : i32
      %dma_start3A_43 = arith.constant 0 : i32
      %dma_start3A_44 = tpu.memref_slice %arg3[%add3A, %dma_start3A_42, %dma_start3A_43] : memref<32x200x50xi32, #tpu.memory_space<hbm>> -> memref<1x200x50xi32, #tpu.memory_space<hbm>>
      %dma_start3A_45 = tpu.memref_squeeze %dma_start3A_44 : memref<1x200x50xi32, #tpu.memory_space<hbm>> -> memref<200x50xi32, #tpu.memory_space<hbm>>
      %dma_start3A_46 = arith.constant 0 : i32
      %dma_start3A_47 = arith.constant 0 : i32
      %dma_start3A_48 = tpu.memref_slice %arg3[%add3A, %dma_start3A_46, %dma_start3A_47] : memref<32x200x50xi32, #tpu.memory_space<hbm>> -> memref<1x200x50xi32, #tpu.memory_space<hbm>>
      %dma_start3A_49 = tpu.memref_squeeze %dma_start3A_48 : memref<1x200x50xi32, #tpu.memory_space<hbm>> -> memref<200x50xi32, #tpu.memory_space<hbm>>
      tpu.enqueue_dma source(%dma_start3A_49 : memref<200x50xi32, #tpu.memory_space<hbm>>) target(%arg6 : memref<200x50xi32, #tpu.memory_space<vmem>>) target_semaphore(%run_scoped3A : memref<!tpu.dma_semaphore, #tpu.memory_space<semaphore_mem>>)
      %dma_wait3A = arith.constant 0 : i32
      %dma_wait3A_50 = arith.constant 0 : i32
      %dma_wait3A_51 = tpu.memref_slice %arg3[%add3A, %dma_wait3A, %dma_wait3A_50] : memref<32x200x50xi32, #tpu.memory_space<hbm>> -> memref<1x200x50xi32, #tpu.memory_space<hbm>>
      %dma_wait3A_52 = tpu.memref_squeeze %dma_wait3A_51 : memref<1x200x50xi32, #tpu.memory_space<hbm>> -> memref<200x50xi32, #tpu.memory_space<hbm>>
      %dma_wait3A_53 = arith.constant 0 : i32
      %dma_wait3A_54 = arith.constant 0 : i32
      %dma_wait3A_55 = tpu.memref_slice %arg3[%add3A, %dma_wait3A_53, %dma_wait3A_54] : memref<32x200x50xi32, #tpu.memory_space<hbm>> -> memref<1x200x50xi32, #tpu.memory_space<hbm>>
      %dma_wait3A_56 = tpu.memref_squeeze %dma_wait3A_55 : memref<1x200x50xi32, #tpu.memory_space<hbm>> -> memref<200x50xi32, #tpu.memory_space<hbm>>
      tpu.wait_dma2 semaphore(%run_scoped3A : memref<!tpu.dma_semaphore, #tpu.memory_space<semaphore_mem>>) src(%dma_wait3A_56 : memref<200x50xi32, #tpu.memory_space<hbm>>) dst(%arg6 : memref<200x50xi32, #tpu.memory_space<vmem>>)
      tpu.yield
    }) : () -> ()
    "tpu.region"() ({
      %run_scoped3A = tpu.sem_alloc : memref<!tpu.dma_semaphore, #tpu.memory_space<semaphore_mem>>
      %dma_start3A_42 = arith.constant 0 : i32
      %dma_start3A_43 = arith.constant 0 : i32
      %dma_start3A_44 = tpu.memref_slice %arg4[%add3A, %dma_start3A_42, %dma_start3A_43] : memref<32x200x50xi32, #tpu.memory_space<hbm>> -> memref<1x200x50xi32, #tpu.memory_space<hbm>>
      %dma_start3A_45 = tpu.memref_squeeze %dma_start3A_44 : memref<1x200x50xi32, #tpu.memory_space<hbm>> -> memref<200x50xi32, #tpu.memory_space<hbm>>
      %dma_start3A_46 = arith.constant 0 : i32
      %dma_start3A_47 = arith.constant 0 : i32
      %dma_start3A_48 = tpu.memref_slice %arg4[%add3A, %dma_start3A_46, %dma_start3A_47] : memref<32x200x50xi32, #tpu.memory_space<hbm>> -> memref<1x200x50xi32, #tpu.memory_space<hbm>>
      %dma_start3A_49 = tpu.memref_squeeze %dma_start3A_48 : memref<1x200x50xi32, #tpu.memory_space<hbm>> -> memref<200x50xi32, #tpu.memory_space<hbm>>
      tpu.enqueue_dma source(%dma_start3A_49 : memref<200x50xi32, #tpu.memory_space<hbm>>) target(%arg7 : memref<200x50xi32, #tpu.memory_space<vmem>>) target_semaphore(%run_scoped3A : memref<!tpu.dma_semaphore, #tpu.memory_space<semaphore_mem>>)
      %dma_wait3A = arith.constant 0 : i32
      %dma_wait3A_50 = arith.constant 0 : i32
      %dma_wait3A_51 = tpu.memref_slice %arg4[%add3A, %dma_wait3A, %dma_wait3A_50] : memref<32x200x50xi32, #tpu.memory_space<hbm>> -> memref<1x200x50xi32, #tpu.memory_space<hbm>>
      %dma_wait3A_52 = tpu.memref_squeeze %dma_wait3A_51 : memref<1x200x50xi32, #tpu.memory_space<hbm>> -> memref<200x50xi32, #tpu.memory_space<hbm>>
      %dma_wait3A_53 = arith.constant 0 : i32
      %dma_wait3A_54 = arith.constant 0 : i32
      %dma_wait3A_55 = tpu.memref_slice %arg4[%add3A, %dma_wait3A_53, %dma_wait3A_54] : memref<32x200x50xi32, #tpu.memory_space<hbm>> -> memref<1x200x50xi32, #tpu.memory_space<hbm>>
      %dma_wait3A_56 = tpu.memref_squeeze %dma_wait3A_55 : memref<1x200x50xi32, #tpu.memory_space<hbm>> -> memref<200x50xi32, #tpu.memory_space<hbm>>
      tpu.wait_dma2 semaphore(%run_scoped3A : memref<!tpu.dma_semaphore, #tpu.memory_space<semaphore_mem>>) src(%dma_wait3A_56 : memref<200x50xi32, #tpu.memory_space<hbm>>) dst(%arg7 : memref<200x50xi32, #tpu.memory_space<vmem>>)
      tpu.yield
    }) : () -> ()
    %barrier3A = arith.constant 0 : index
    tpu.barrier barrier_id(%barrier3A)
    %dma_start3A = arith.constant 0 : i32
    %dma_start3A_29 = arith.constant 0 : i32
    %dma_start3A_30 = tpu.memref_slice %arg6[%dma_start3A, %dma_start3A_29] : memref<200x50xi32, #tpu.memory_space<vmem>> -> memref<1x50xi32, #tpu.memory_space<vmem>>
    %dma_start3A_31 = tpu.memref_squeeze %dma_start3A_30 : memref<1x50xi32, #tpu.memory_space<vmem>> -> memref<50xi32, #tpu.memory_space<vmem>>
    %dma_start3A_32 = arith.constant 0 : i32
    %dma_start3A_33 = arith.constant 0 : i32
    %dma_start3A_34 = tpu.memref_slice %arg2[%dma_start3A_32, %dma_start3A_33] : memref<10000x128xf32, #tpu.memory_space<hbm>> -> memref<10000x128xf32, #tpu.memory_space<hbm>>
    tpu.enqueue_indirect_dma source(%dma_start3A_34 : memref<10000x128xf32, #tpu.memory_space<hbm>>) target(%arg8 : memref<50x128xf32, #tpu.memory_space<vmem>>) offsets(%dma_start3A_31 : memref<50xi32, #tpu.memory_space<vmem>>) semaphore(%arg12 : memref<!tpu.dma_semaphore, #tpu.memory_space<semaphore_mem>>)
    %scan3A_35 = arith.constant 0 : i32
    %scan3A_36 = arith.constant 0 : i32
    %scan3A_37 = arith.constant 100 : i32
    %scan3A_38 = arith.addi %scan3A_36, %scan3A_37 : i32
    %scan3A_39 = arith.constant 1 : i32
    scf.for %scan3A_42 = %scan3A_36 to %scan3A_38 step %scan3A_39  : i32 {
      %mul3A_43 = arith.constant 2 : i32
      %mul3A_44 = arith.muli %scan3A_42, %mul3A_43 : i32
      %dma_wait3A = arith.constant 0 : i32
      %dma_wait3A_45 = tpu.memref_slice %arg6[%mul3A_44, %dma_wait3A] : memref<200x50xi32, #tpu.memory_space<vmem>> -> memref<1x50xi32, #tpu.memory_space<vmem>>
      %dma_wait3A_46 = tpu.memref_squeeze %dma_wait3A_45 : memref<1x50xi32, #tpu.memory_space<vmem>> -> memref<50xi32, #tpu.memory_space<vmem>>
      %dma_wait3A_47 = arith.constant 0 : i32
      %dma_wait3A_48 = arith.constant 0 : i32
      %dma_wait3A_49 = tpu.memref_slice %arg2[%dma_wait3A_47, %dma_wait3A_48] : memref<10000x128xf32, #tpu.memory_space<hbm>> -> memref<10000x128xf32, #tpu.memory_space<hbm>>
      tpu.wait_indirect_dma semaphore(%arg12 : memref<!tpu.dma_semaphore, #tpu.memory_space<semaphore_mem>>) src(%dma_wait3A_49 : memref<10000x128xf32, #tpu.memory_space<hbm>>) dst(%arg8 : memref<50x128xf32, #tpu.memory_space<vmem>>)
      %add3A_50 = arith.constant 1 : i32
      %add3A_51 = arith.addi %mul3A_44, %add3A_50 : i32
      %dma_start3A_52 = arith.constant 0 : i32
      %dma_start3A_53 = tpu.memref_slice %arg6[%add3A_51, %dma_start3A_52] : memref<200x50xi32, #tpu.memory_space<vmem>> -> memref<1x50xi32, #tpu.memory_space<vmem>>
      %dma_start3A_54 = tpu.memref_squeeze %dma_start3A_53 : memref<1x50xi32, #tpu.memory_space<vmem>> -> memref<50xi32, #tpu.memory_space<vmem>>
      %dma_start3A_55 = arith.constant 0 : i32
      %dma_start3A_56 = arith.constant 0 : i32
      %dma_start3A_57 = tpu.memref_slice %arg2[%dma_start3A_55, %dma_start3A_56] : memref<10000x128xf32, #tpu.memory_space<hbm>> -> memref<10000x128xf32, #tpu.memory_space<hbm>>
      tpu.enqueue_indirect_dma source(%dma_start3A_57 : memref<10000x128xf32, #tpu.memory_space<hbm>>) target(%arg9 : memref<50x128xf32, #tpu.memory_space<vmem>>) offsets(%dma_start3A_54 : memref<50xi32, #tpu.memory_space<vmem>>) semaphore(%arg13 : memref<!tpu.dma_semaphore, #tpu.memory_space<semaphore_mem>>)
      "tpu.region"() ({
        %run_scoped3A = tpu.sem_alloc : memref<!tpu.dma_semaphore, #tpu.memory_space<semaphore_mem>>
        %dma_start3A_72 = arith.constant 0 : i32
        %dma_start3A_73 = tpu.memref_slice %arg7[%mul3A_44, %dma_start3A_72] : memref<200x50xi32, #tpu.memory_space<vmem>> -> memref<1x50xi32, #tpu.memory_space<vmem>>
        %dma_start3A_74 = tpu.memref_squeeze %dma_start3A_73 : memref<1x50xi32, #tpu.memory_space<vmem>> -> memref<50xi32, #tpu.memory_space<vmem>>
        %dma_start3A_75 = arith.constant 0 : i32
        %dma_start3A_76 = arith.constant 0 : i32
        %dma_start3A_77 = tpu.memref_slice %arg11[%dma_start3A_75, %dma_start3A_76] : memref<10240x128xf32, #tpu.memory_space<vmem_shared>> -> memref<10240x128xf32, #tpu.memory_space<vmem_shared>>
        tpu.enqueue_indirect_dma source(%arg8 : memref<50x128xf32, #tpu.memory_space<vmem>>) target(%dma_start3A_77 : memref<10240x128xf32, #tpu.memory_space<vmem_shared>>) offsets(%dma_start3A_74 : memref<50xi32, #tpu.memory_space<vmem>>) semaphore(%run_scoped3A : memref<!tpu.dma_semaphore, #tpu.memory_space<semaphore_mem>>) {add = true}
        %dma_wait3A_78 = arith.constant 0 : i32
        %dma_wait3A_79 = tpu.memref_slice %arg7[%mul3A_44, %dma_wait3A_78] : memref<200x50xi32, #tpu.memory_space<vmem>> -> memref<1x50xi32, #tpu.memory_space<vmem>>
        %dma_wait3A_80 = tpu.memref_squeeze %dma_wait3A_79 : memref<1x50xi32, #tpu.memory_space<vmem>> -> memref<50xi32, #tpu.memory_space<vmem>>
        %dma_wait3A_81 = arith.constant 0 : i32
        %dma_wait3A_82 = arith.constant 0 : i32
        %dma_wait3A_83 = tpu.memref_slice %arg11[%dma_wait3A_81, %dma_wait3A_82] : memref<10240x128xf32, #tpu.memory_space<vmem_shared>> -> memref<10240x128xf32, #tpu.memory_space<vmem_shared>>
        tpu.wait_indirect_dma semaphore(%run_scoped3A : memref<!tpu.dma_semaphore, #tpu.memory_space<semaphore_mem>>) src(%arg8 : memref<50x128xf32, #tpu.memory_space<vmem>>) dst(%dma_wait3A_83 : memref<10240x128xf32, #tpu.memory_space<vmem_shared>>)
        tpu.yield
      }) : () -> ()
      %add3A_58 = arith.constant 1 : i32
      %add3A_59 = arith.addi %mul3A_44, %add3A_58 : i32
      %dma_wait3A_60 = arith.constant 0 : i32
      %dma_wait3A_61 = tpu.memref_slice %arg6[%add3A_59, %dma_wait3A_60] : memref<200x50xi32, #tpu.memory_space<vmem>> -> memref<1x50xi32, #tpu.memory_space<vmem>>
      %dma_wait3A_62 = tpu.memref_squeeze %dma_wait3A_61 : memref<1x50xi32, #tpu.memory_space<vmem>> -> memref<50xi32, #tpu.memory_space<vmem>>
      %dma_wait3A_63 = arith.constant 0 : i32
      %dma_wait3A_64 = arith.constant 0 : i32
      %dma_wait3A_65 = tpu.memref_slice %arg2[%dma_wait3A_63, %dma_wait3A_64] : memref<10000x128xf32, #tpu.memory_space<hbm>> -> memref<10000x128xf32, #tpu.memory_space<hbm>>
      tpu.wait_indirect_dma semaphore(%arg13 : memref<!tpu.dma_semaphore, #tpu.memory_space<semaphore_mem>>) src(%dma_wait3A_65 : memref<10000x128xf32, #tpu.memory_space<hbm>>) dst(%arg9 : memref<50x128xf32, #tpu.memory_space<vmem>>)
      %add3A_66 = arith.constant 1 : i32
      %add3A_67 = arith.addi %scan3A_42, %add3A_66 : i32
      %lt3A = arith.constant 100 : i32
      %lt3A_68 = arith.cmpi slt, %add3A_67, %lt3A : i32
      %convert_element_type3A = arith.extui %lt3A_68 : i1 to i32
      %cond3A = arith.constant 0 : i32
      %cond3A_69 = arith.cmpi ne, %convert_element_type3A, %cond3A : i32
      scf.if %cond3A_69 {
        %add3A_72 = arith.constant 2 : i32
        %add3A_73 = arith.addi %mul3A_44, %add3A_72 : i32
        %dma_start3A_74 = arith.constant 0 : i32
        %dma_start3A_75 = tpu.memref_slice %arg6[%add3A_73, %dma_start3A_74] : memref<200x50xi32, #tpu.memory_space<vmem>> -> memref<1x50xi32, #tpu.memory_space<vmem>>
        %dma_start3A_76 = tpu.memref_squeeze %dma_start3A_75 : memref<1x50xi32, #tpu.memory_space<vmem>> -> memref<50xi32, #tpu.memory_space<vmem>>
        %dma_start3A_77 = arith.constant 0 : i32
        %dma_start3A_78 = arith.constant 0 : i32
        %dma_start3A_79 = tpu.memref_slice %arg2[%dma_start3A_77, %dma_start3A_78] : memref<10000x128xf32, #tpu.memory_space<hbm>> -> memref<10000x128xf32, #tpu.memory_space<hbm>>
        tpu.enqueue_indirect_dma source(%dma_start3A_79 : memref<10000x128xf32, #tpu.memory_space<hbm>>) target(%arg8 : memref<50x128xf32, #tpu.memory_space<vmem>>) offsets(%dma_start3A_76 : memref<50xi32, #tpu.memory_space<vmem>>) semaphore(%arg12 : memref<!tpu.dma_semaphore, #tpu.memory_space<semaphore_mem>>)
      } else {
      }
      %add3A_70 = arith.constant 1 : i32
      %add3A_71 = arith.addi %mul3A_44, %add3A_70 : i32
      "tpu.region"() ({
        %run_scoped3A = tpu.sem_alloc : memref<!tpu.dma_semaphore, #tpu.memory_space<semaphore_mem>>
        %dma_start3A_72 = arith.constant 0 : i32
        %dma_start3A_73 = tpu.memref_slice %arg7[%add3A_71, %dma_start3A_72] : memref<200x50xi32, #tpu.memory_space<vmem>> -> memref<1x50xi32, #tpu.memory_space<vmem>>
        %dma_start3A_74 = tpu.memref_squeeze %dma_start3A_73 : memref<1x50xi32, #tpu.memory_space<vmem>> -> memref<50xi32, #tpu.memory_space<vmem>>
        %dma_start3A_75 = arith.constant 0 : i32
        %dma_start3A_76 = arith.constant 0 : i32
        %dma_start3A_77 = tpu.memref_slice %arg11[%dma_start3A_75, %dma_start3A_76] : memref<10240x128xf32, #tpu.memory_space<vmem_shared>> -> memref<10240x128xf32, #tpu.memory_space<vmem_shared>>
        tpu.enqueue_indirect_dma source(%arg9 : memref<50x128xf32, #tpu.memory_space<vmem>>) target(%dma_start3A_77 : memref<10240x128xf32, #tpu.memory_space<vmem_shared>>) offsets(%dma_start3A_74 : memref<50xi32, #tpu.memory_space<vmem>>) semaphore(%run_scoped3A : memref<!tpu.dma_semaphore, #tpu.memory_space<semaphore_mem>>) {add = true}
        %dma_wait3A_78 = arith.constant 0 : i32
        %dma_wait3A_79 = tpu.memref_slice %arg7[%add3A_71, %dma_wait3A_78] : memref<200x50xi32, #tpu.memory_space<vmem>> -> memref<1x50xi32, #tpu.memory_space<vmem>>
        %dma_wait3A_80 = tpu.memref_squeeze %dma_wait3A_79 : memref<1x50xi32, #tpu.memory_space<vmem>> -> memref<50xi32, #tpu.memory_space<vmem>>
        %dma_wait3A_81 = arith.constant 0 : i32
        %dma_wait3A_82 = arith.constant 0 : i32
        %dma_wait3A_83 = tpu.memref_slice %arg11[%dma_wait3A_81, %dma_wait3A_82] : memref<10240x128xf32, #tpu.memory_space<vmem_shared>> -> memref<10240x128xf32, #tpu.memory_space<vmem_shared>>
        tpu.wait_indirect_dma semaphore(%run_scoped3A : memref<!tpu.dma_semaphore, #tpu.memory_space<semaphore_mem>>) src(%arg9 : memref<50x128xf32, #tpu.memory_space<vmem>>) dst(%dma_wait3A_83 : memref<10240x128xf32, #tpu.memory_space<vmem_shared>>)
        tpu.yield
      }) : () -> ()
    }
    %scan3A_40 = arith.constant 100 : i32
    %barrier3A_41 = arith.constant 0 : index
    tpu.barrier barrier_id(%barrier3A_41)
    "tpu.region"() ({
      %run_scoped3A = tpu.sem_alloc : memref<!tpu.dma_semaphore, #tpu.memory_space<semaphore_mem>>
      %dma_start3A_42 = arith.constant 0 : i32
      %dma_start3A_43 = tpu.memref_slice %arg5[%arg0, %multiple_of3A, %dma_start3A_42] : memref<2x10240x128xf32, #tpu.memory_space<hbm>> -> memref<1x640x128xf32, #tpu.memory_space<hbm>>
      %dma_start3A_44 = tpu.memref_squeeze %dma_start3A_43 : memref<1x640x128xf32, #tpu.memory_space<hbm>> -> memref<640x128xf32, #tpu.memory_space<hbm>>
      %dma_start3A_45 = arith.constant 0 : i32
      %dma_start3A_46 = tpu.memref_slice %arg11[%multiple_of3A, %dma_start3A_45] : memref<10240x128xf32, #tpu.memory_space<vmem_shared>> -> memref<640x128xf32, #tpu.memory_space<vmem_shared>>
      tpu.enqueue_dma source(%dma_start3A_46 : memref<640x128xf32, #tpu.memory_space<vmem_shared>>) target(%dma_start3A_44 : memref<640x128xf32, #tpu.memory_space<hbm>>) target_semaphore(%run_scoped3A : memref<!tpu.dma_semaphore, #tpu.memory_space<semaphore_mem>>)
      %dma_wait3A = arith.constant 0 : i32
      %dma_wait3A_47 = tpu.memref_slice %arg5[%arg0, %multiple_of3A, %dma_wait3A] : memref<2x10240x128xf32, #tpu.memory_space<hbm>> -> memref<1x640x128xf32, #tpu.memory_space<hbm>>
      %dma_wait3A_48 = tpu.memref_squeeze %dma_wait3A_47 : memref<1x640x128xf32, #tpu.memory_space<hbm>> -> memref<640x128xf32, #tpu.memory_space<hbm>>
      %dma_wait3A_49 = arith.constant 0 : i32
      %dma_wait3A_50 = tpu.memref_slice %arg11[%multiple_of3A, %dma_wait3A_49] : memref<10240x128xf32, #tpu.memory_space<vmem_shared>> -> memref<640x128xf32, #tpu.memory_space<vmem_shared>>
      tpu.wait_dma2 semaphore(%run_scoped3A : memref<!tpu.dma_semaphore, #tpu.memory_space<semaphore_mem>>) src(%dma_wait3A_50 : memref<640x128xf32, #tpu.memory_space<vmem_shared>>) dst(%dma_wait3A_48 : memref<640x128xf32, #tpu.memory_space<hbm>>)
      tpu.yield
    }) : () -> ()
    return
  }
}

#map = affine_map<(d0, d1) -> (0, 0, 0)>
module attributes {stable_mosaic.version = 14 : i64} {
  func.func @degree(%arg0: i32, %arg1: i32, %arg2: memref<32x100x100xi32, #tpu.memory_space<hbm>>, %arg3: memref<2x10240x16xf32, #tpu.memory_space<hbm>>, %arg4: memref<100x100xi32, #tpu.memory_space<vmem>>, %arg5: memref<100x16xf32, #tpu.memory_space<vmem>>, %arg6: memref<640x16xf32, #tpu.memory_space<vmem>>, %arg7: memref<10240x16xf32, #tpu.memory_space<vmem_shared>>, %arg8: memref<!tpu.dma_semaphore, #tpu.memory_space<semaphore_mem>>) attributes {dimension_semantics = [#tpu.dimension_semantics<core_parallel>, #tpu.dimension_semantics<subcore_parallel>], iteration_bounds = array<i64: 2, 16>, scalar_prefetch = 0 : i64, scratch_operands = 5 : i64, tpu.core_type = #tpu.core_type<sc_vector_subcore>, window_params = [{transform_indices = #map}, {transform_indices = #map}]} {
    %mul3A = arith.constant 2 : i32
    %mul3A_0 = arith.muli %arg1, %mul3A : i32
    %add3A = arith.addi %mul3A_0, %arg0 : i32
    %broadcast_in_dim3A = arith.constant 0.000000e+00 : f32
    %broadcast_in_dim3A_1 = vector.broadcast %broadcast_in_dim3A : f32 to vector<16xf32>
    %scan3A = arith.constant 0 : i32
    %scan3A_2 = arith.constant 0 : i32
    %scan3A_3 = arith.constant 640 : i32
    %scan3A_4 = arith.addi %scan3A_2, %scan3A_3 : i32
    %scan3A_5 = arith.constant 1 : i32
    scf.for %scan3A_24 = %scan3A_2 to %scan3A_4 step %scan3A_5  : i32 {
      %jit3A = arith.constant 1 : i32
      %div3A = arith.divsi %scan3A_24, %jit3A : i32
      %sign3A = arith.constant 0 : i32
      %sign3A_25 = arith.cmpi sgt, %scan3A_24, %sign3A : i32
      %sign3A_26 = arith.extui %sign3A_25 : i1 to i32
      %sign3A_27 = arith.constant 0 : i32
      %sign3A_28 = arith.cmpi slt, %scan3A_24, %sign3A_27 : i32
      %sign3A_29 = arith.extui %sign3A_28 : i1 to i32
      %sign3A_30 = arith.subi %sign3A_26, %sign3A_29 : i32
      %sign3A_31 = arith.constant 0 : i32
      %sign3A_32 = arith.cmpi sgt, %jit3A, %sign3A_31 : i32
      %sign3A_33 = arith.extui %sign3A_32 : i1 to i32
      %sign3A_34 = arith.constant 0 : i32
      %sign3A_35 = arith.cmpi slt, %jit3A, %sign3A_34 : i32
      %sign3A_36 = arith.extui %sign3A_35 : i1 to i32
      %sign3A_37 = arith.subi %sign3A_33, %sign3A_36 : i32
      %ne3A = arith.cmpi ne, %sign3A_30, %sign3A_37 : i32
      %rem3A = arith.remsi %scan3A_24, %jit3A : i32
      %ne3A_38 = arith.constant 0 : i32
      %ne3A_39 = arith.cmpi ne, %rem3A, %ne3A_38 : i32
      %and3A = arith.andi %ne3A, %ne3A_39 : i1
      %sub3A = arith.constant 1 : i32
      %sub3A_40 = arith.subi %div3A, %sub3A : i32
      %select_n3A = arith.select %and3A, %sub3A_40, %div3A : i32
      %jit3A_41 = arith.constant 1 : i32
      %eq3A = arith.constant 0 : i32
      %eq3A_42 = arith.cmpi eq, %jit3A_41, %eq3A : i32
      %jit3A_43 = arith.constant 1 : i32
      %select_n3A_44 = arith.select %eq3A_42, %jit3A_43, %jit3A_41 : i32
      %rem3A_45 = arith.remsi %scan3A_24, %select_n3A_44 : i32
      %ne3A_46 = arith.constant 0 : i32
      %ne3A_47 = arith.cmpi ne, %rem3A_45, %ne3A_46 : i32
      %lt3A = arith.constant 0 : i32
      %lt3A_48 = arith.cmpi slt, %rem3A_45, %lt3A : i32
      %lt3A_49 = arith.constant 0 : i32
      %lt3A_50 = arith.cmpi slt, %select_n3A_44, %lt3A_49 : i32
      %ne3A_51 = arith.xori %lt3A_48, %lt3A_50 : i1
      %and3A_52 = arith.andi %ne3A_51, %ne3A_47 : i1
      %add3A_53 = arith.addi %rem3A_45, %select_n3A_44 : i32
      %select_n3A_54 = arith.select %and3A_52, %add3A_53, %rem3A_45 : i32
      %mul3A_55 = arith.constant 16 : i32
      %mul3A_56 = arith.muli %select_n3A_54, %mul3A_55 : i32
      %swap3A = arith.index_cast %select_n3A : i32 to index
      %swap3A_57 = arith.index_cast %mul3A_56 : i32 to index
      %swap3A_58 = tpu.vector_load %arg6[%swap3A, %swap3A_57] {strides = array<i32>} : memref<640x16xf32, #tpu.memory_space<vmem>>, vector<1x16xf32>,
      %swap3A_59 = vector.shape_cast %swap3A_58 : vector<1x16xf32> to vector<16xf32>
      %swap3A_60 = vector.shape_cast %broadcast_in_dim3A_1 : vector<16xf32> to vector<1x16xf32>
      tpu.vector_store %arg6[%swap3A, %swap3A_57], %swap3A_60 {strides = array<i32>} : memref<640x16xf32, #tpu.memory_space<vmem>>, vector<1x16xf32>,
    }
    %scan3A_6 = arith.constant 640 : i32
    %broadcast_in_dim3A_7 = arith.constant 1.000000e+00 : f32
    %broadcast_in_dim3A_8 = vector.broadcast %broadcast_in_dim3A_7 : f32 to vector<16xf32>
    %scan3A_9 = arith.constant 0 : i32
    %scan3A_10 = arith.constant 0 : i32
    %scan3A_11 = arith.constant 100 : i32
    %scan3A_12 = arith.addi %scan3A_10, %scan3A_11 : i32
    %scan3A_13 = arith.constant 1 : i32
    scf.for %scan3A_24 = %scan3A_10 to %scan3A_12 step %scan3A_13  : i32 {
      %jit3A = arith.constant 1 : i32
      %div3A = arith.divsi %scan3A_24, %jit3A : i32
      %sign3A = arith.constant 0 : i32
      %sign3A_25 = arith.cmpi sgt, %scan3A_24, %sign3A : i32
      %sign3A_26 = arith.extui %sign3A_25 : i1 to i32
      %sign3A_27 = arith.constant 0 : i32
      %sign3A_28 = arith.cmpi slt, %scan3A_24, %sign3A_27 : i32
      %sign3A_29 = arith.extui %sign3A_28 : i1 to i32
      %sign3A_30 = arith.subi %sign3A_26, %sign3A_29 : i32
      %sign3A_31 = arith.constant 0 : i32
      %sign3A_32 = arith.cmpi sgt, %jit3A, %sign3A_31 : i32
      %sign3A_33 = arith.extui %sign3A_32 : i1 to i32
      %sign3A_34 = arith.constant 0 : i32
      %sign3A_35 = arith.cmpi slt, %jit3A, %sign3A_34 : i32
      %sign3A_36 = arith.extui %sign3A_35 : i1 to i32
      %sign3A_37 = arith.subi %sign3A_33, %sign3A_36 : i32
      %ne3A = arith.cmpi ne, %sign3A_30, %sign3A_37 : i32
      %rem3A = arith.remsi %scan3A_24, %jit3A : i32
      %ne3A_38 = arith.constant 0 : i32
      %ne3A_39 = arith.cmpi ne, %rem3A, %ne3A_38 : i32
      %and3A = arith.andi %ne3A, %ne3A_39 : i1
      %sub3A = arith.constant 1 : i32
      %sub3A_40 = arith.subi %div3A, %sub3A : i32
      %select_n3A = arith.select %and3A, %sub3A_40, %div3A : i32
      %jit3A_41 = arith.constant 1 : i32
      %eq3A = arith.constant 0 : i32
      %eq3A_42 = arith.cmpi eq, %jit3A_41, %eq3A : i32
      %jit3A_43 = arith.constant 1 : i32
      %select_n3A_44 = arith.select %eq3A_42, %jit3A_43, %jit3A_41 : i32
      %rem3A_45 = arith.remsi %scan3A_24, %select_n3A_44 : i32
      %ne3A_46 = arith.constant 0 : i32
      %ne3A_47 = arith.cmpi ne, %rem3A_45, %ne3A_46 : i32
      %lt3A = arith.constant 0 : i32
      %lt3A_48 = arith.cmpi slt, %rem3A_45, %lt3A : i32
      %lt3A_49 = arith.constant 0 : i32
      %lt3A_50 = arith.cmpi slt, %select_n3A_44, %lt3A_49 : i32
      %ne3A_51 = arith.xori %lt3A_48, %lt3A_50 : i1
      %and3A_52 = arith.andi %ne3A_51, %ne3A_47 : i1
      %add3A_53 = arith.addi %rem3A_45, %select_n3A_44 : i32
      %select_n3A_54 = arith.select %and3A_52, %add3A_53, %rem3A_45 : i32
      %mul3A_55 = arith.constant 16 : i32
      %mul3A_56 = arith.muli %select_n3A_54, %mul3A_55 : i32
      %swap3A = arith.index_cast %select_n3A : i32 to index
      %swap3A_57 = arith.index_cast %mul3A_56 : i32 to index
      %swap3A_58 = tpu.vector_load %arg5[%swap3A, %swap3A_57] {strides = array<i32>} : memref<100x16xf32, #tpu.memory_space<vmem>>, vector<1x16xf32>,
      %swap3A_59 = vector.shape_cast %swap3A_58 : vector<1x16xf32> to vector<16xf32>
      %swap3A_60 = vector.shape_cast %broadcast_in_dim3A_8 : vector<16xf32> to vector<1x16xf32>
      tpu.vector_store %arg5[%swap3A, %swap3A_57], %swap3A_60 {strides = array<i32>} : memref<100x16xf32, #tpu.memory_space<vmem>>, vector<1x16xf32>,
    }
    %scan3A_14 = arith.constant 100 : i32
    %mul3A_15 = arith.constant 640 : i32
    %mul3A_16 = arith.muli %arg1, %mul3A_15 : i32
    %multiple_of3A = tpu.assume_multiple %mul3A_16, 8 : i32
    "tpu.region"() ({
      %run_scoped3A = tpu.sem_alloc : memref<!tpu.dma_semaphore, #tpu.memory_space<semaphore_mem>>
      %dma_start3A = arith.constant 0 : i32
      %dma_start3A_24 = tpu.memref_slice %arg7[%multiple_of3A, %dma_start3A] : memref<10240x16xf32, #tpu.memory_space<vmem_shared>> -> memref<640x16xf32, #tpu.memory_space<vmem_shared>>
      %dma_start3A_25 = arith.constant 0 : i32
      %dma_start3A_26 = tpu.memref_slice %arg7[%multiple_of3A, %dma_start3A_25] : memref<10240x16xf32, #tpu.memory_space<vmem_shared>> -> memref<640x16xf32, #tpu.memory_space<vmem_shared>>
      tpu.enqueue_dma source(%arg6 : memref<640x16xf32, #tpu.memory_space<vmem>>) target(%dma_start3A_26 : memref<640x16xf32, #tpu.memory_space<vmem_shared>>) target_semaphore(%run_scoped3A : memref<!tpu.dma_semaphore, #tpu.memory_space<semaphore_mem>>)
      %dma_wait3A = arith.constant 0 : i32
      %dma_wait3A_27 = tpu.memref_slice %arg7[%multiple_of3A, %dma_wait3A] : memref<10240x16xf32, #tpu.memory_space<vmem_shared>> -> memref<640x16xf32, #tpu.memory_space<vmem_shared>>
      %dma_wait3A_28 = arith.constant 0 : i32
      %dma_wait3A_29 = tpu.memref_slice %arg7[%multiple_of3A, %dma_wait3A_28] : memref<10240x16xf32, #tpu.memory_space<vmem_shared>> -> memref<640x16xf32, #tpu.memory_space<vmem_shared>>
      tpu.wait_dma2 semaphore(%run_scoped3A : memref<!tpu.dma_semaphore, #tpu.memory_space<semaphore_mem>>) src(%arg6 : memref<640x16xf32, #tpu.memory_space<vmem>>) dst(%dma_wait3A_29 : memref<640x16xf32, #tpu.memory_space<vmem_shared>>)
      tpu.yield
    }) : () -> ()
    "tpu.region"() ({
      %run_scoped3A = tpu.sem_alloc : memref<!tpu.dma_semaphore, #tpu.memory_space<semaphore_mem>>
      %dma_start3A = arith.constant 0 : i32
      %dma_start3A_24 = arith.constant 0 : i32
      %dma_start3A_25 = tpu.memref_slice %arg2[%add3A, %dma_start3A, %dma_start3A_24] : memref<32x100x100xi32, #tpu.memory_space<hbm>> -> memref<1x100x100xi32, #tpu.memory_space<hbm>>
      %dma_start3A_26 = tpu.memref_squeeze %dma_start3A_25 : memref<1x100x100xi32, #tpu.memory_space<hbm>> -> memref<100x100xi32, #tpu.memory_space<hbm>>
      %dma_start3A_27 = arith.constant 0 : i32
      %dma_start3A_28 = arith.constant 0 : i32
      %dma_start3A_29 = tpu.memref_slice %arg2[%add3A, %dma_start3A_27, %dma_start3A_28] : memref<32x100x100xi32, #tpu.memory_space<hbm>> -> memref<1x100x100xi32, #tpu.memory_space<hbm>>
      %dma_start3A_30 = tpu.memref_squeeze %dma_start3A_29 : memref<1x100x100xi32, #tpu.memory_space<hbm>> -> memref<100x100xi32, #tpu.memory_space<hbm>>
      tpu.enqueue_dma source(%dma_start3A_30 : memref<100x100xi32, #tpu.memory_space<hbm>>) target(%arg4 : memref<100x100xi32, #tpu.memory_space<vmem>>) target_semaphore(%run_scoped3A : memref<!tpu.dma_semaphore, #tpu.memory_space<semaphore_mem>>)
      %dma_wait3A = arith.constant 0 : i32
      %dma_wait3A_31 = arith.constant 0 : i32
      %dma_wait3A_32 = tpu.memref_slice %arg2[%add3A, %dma_wait3A, %dma_wait3A_31] : memref<32x100x100xi32, #tpu.memory_space<hbm>> -> memref<1x100x100xi32, #tpu.memory_space<hbm>>
      %dma_wait3A_33 = tpu.memref_squeeze %dma_wait3A_32 : memref<1x100x100xi32, #tpu.memory_space<hbm>> -> memref<100x100xi32, #tpu.memory_space<hbm>>
      %dma_wait3A_34 = arith.constant 0 : i32
      %dma_wait3A_35 = arith.constant 0 : i32
      %dma_wait3A_36 = tpu.memref_slice %arg2[%add3A, %dma_wait3A_34, %dma_wait3A_35] : memref<32x100x100xi32, #tpu.memory_space<hbm>> -> memref<1x100x100xi32, #tpu.memory_space<hbm>>
      %dma_wait3A_37 = tpu.memref_squeeze %dma_wait3A_36 : memref<1x100x100xi32, #tpu.memory_space<hbm>> -> memref<100x100xi32, #tpu.memory_space<hbm>>
      tpu.wait_dma2 semaphore(%run_scoped3A : memref<!tpu.dma_semaphore, #tpu.memory_space<semaphore_mem>>) src(%dma_wait3A_37 : memref<100x100xi32, #tpu.memory_space<hbm>>) dst(%arg4 : memref<100x100xi32, #tpu.memory_space<vmem>>)
      tpu.yield
    }) : () -> ()
    %barrier3A = arith.constant 0 : index
    tpu.barrier barrier_id(%barrier3A)
    %scan3A_17 = arith.constant 0 : i32
    %scan3A_18 = arith.constant 0 : i32
    %scan3A_19 = arith.constant 25 : i32
    %scan3A_20 = arith.addi %scan3A_18, %scan3A_19 : i32
    %scan3A_21 = arith.constant 1 : i32
    scf.for %scan3A_24 = %scan3A_18 to %scan3A_20 step %scan3A_21  : i32 {
      %mul3A_25 = arith.constant 4 : i32
      %mul3A_26 = arith.muli %scan3A_24, %mul3A_25 : i32
      %add3A_27 = arith.constant 0 : i32
      %add3A_28 = arith.addi %mul3A_26, %add3A_27 : i32
      %dma_start3A = arith.constant 0 : i32
      %dma_start3A_29 = tpu.memref_slice %arg4[%add3A_28, %dma_start3A] : memref<100x100xi32, #tpu.memory_space<vmem>> -> memref<1x100xi32, #tpu.memory_space<vmem>>
      %dma_start3A_30 = tpu.memref_squeeze %dma_start3A_29 : memref<1x100xi32, #tpu.memory_space<vmem>> -> memref<100xi32, #tpu.memory_space<vmem>>
      %dma_start3A_31 = arith.constant 0 : i32
      %dma_start3A_32 = arith.constant 0 : i32
      %dma_start3A_33 = tpu.memref_slice %arg7[%dma_start3A_31, %dma_start3A_32] : memref<10240x16xf32, #tpu.memory_space<vmem_shared>> -> memref<10240x16xf32, #tpu.memory_space<vmem_shared>>
      tpu.enqueue_indirect_dma source(%arg5 : memref<100x16xf32, #tpu.memory_space<vmem>>) target(%dma_start3A_33 : memref<10240x16xf32, #tpu.memory_space<vmem_shared>>) offsets(%dma_start3A_30 : memref<100xi32, #tpu.memory_space<vmem>>) semaphore(%arg8 : memref<!tpu.dma_semaphore, #tpu.memory_space<semaphore_mem>>) {add = true}
      %mul3A_34 = arith.constant 4 : i32
      %mul3A_35 = arith.muli %scan3A_24, %mul3A_34 : i32
      %add3A_36 = arith.constant 1 : i32
      %add3A_37 = arith.addi %mul3A_35, %add3A_36 : i32
      %dma_start3A_38 = arith.constant 0 : i32
      %dma_start3A_39 = tpu.memref_slice %arg4[%add3A_37, %dma_start3A_38] : memref<100x100xi32, #tpu.memory_space<vmem>> -> memref<1x100xi32, #tpu.memory_space<vmem>>
      %dma_start3A_40 = tpu.memref_squeeze %dma_start3A_39 : memref<1x100xi32, #tpu.memory_space<vmem>> -> memref<100xi32, #tpu.memory_space<vmem>>
      %dma_start3A_41 = arith.constant 0 : i32
      %dma_start3A_42 = arith.constant 0 : i32
      %dma_start3A_43 = tpu.memref_slice %arg7[%dma_start3A_41, %dma_start3A_42] : memref<10240x16xf32, #tpu.memory_space<vmem_shared>> -> memref<10240x16xf32, #tpu.memory_space<vmem_shared>>
      tpu.enqueue_indirect_dma source(%arg5 : memref<100x16xf32, #tpu.memory_space<vmem>>) target(%dma_start3A_43 : memref<10240x16xf32, #tpu.memory_space<vmem_shared>>) offsets(%dma_start3A_40 : memref<100xi32, #tpu.memory_space<vmem>>) semaphore(%arg8 : memref<!tpu.dma_semaphore, #tpu.memory_space<semaphore_mem>>) {add = true}
      %mul3A_44 = arith.constant 4 : i32
      %mul3A_45 = arith.muli %scan3A_24, %mul3A_44 : i32
      %add3A_46 = arith.constant 2 : i32
      %add3A_47 = arith.addi %mul3A_45, %add3A_46 : i32
      %dma_start3A_48 = arith.constant 0 : i32
      %dma_start3A_49 = tpu.memref_slice %arg4[%add3A_47, %dma_start3A_48] : memref<100x100xi32, #tpu.memory_space<vmem>> -> memref<1x100xi32, #tpu.memory_space<vmem>>
      %dma_start3A_50 = tpu.memref_squeeze %dma_start3A_49 : memref<1x100xi32, #tpu.memory_space<vmem>> -> memref<100xi32, #tpu.memory_space<vmem>>
      %dma_start3A_51 = arith.constant 0 : i32
      %dma_start3A_52 = arith.constant 0 : i32
      %dma_start3A_53 = tpu.memref_slice %arg7[%dma_start3A_51, %dma_start3A_52] : memref<10240x16xf32, #tpu.memory_space<vmem_shared>> -> memref<10240x16xf32, #tpu.memory_space<vmem_shared>>
      tpu.enqueue_indirect_dma source(%arg5 : memref<100x16xf32, #tpu.memory_space<vmem>>) target(%dma_start3A_53 : memref<10240x16xf32, #tpu.memory_space<vmem_shared>>) offsets(%dma_start3A_50 : memref<100xi32, #tpu.memory_space<vmem>>) semaphore(%arg8 : memref<!tpu.dma_semaphore, #tpu.memory_space<semaphore_mem>>) {add = true}
      %mul3A_54 = arith.constant 4 : i32
      %mul3A_55 = arith.muli %scan3A_24, %mul3A_54 : i32
      %add3A_56 = arith.constant 3 : i32
      %add3A_57 = arith.addi %mul3A_55, %add3A_56 : i32
      %dma_start3A_58 = arith.constant 0 : i32
      %dma_start3A_59 = tpu.memref_slice %arg4[%add3A_57, %dma_start3A_58] : memref<100x100xi32, #tpu.memory_space<vmem>> -> memref<1x100xi32, #tpu.memory_space<vmem>>
      %dma_start3A_60 = tpu.memref_squeeze %dma_start3A_59 : memref<1x100xi32, #tpu.memory_space<vmem>> -> memref<100xi32, #tpu.memory_space<vmem>>
      %dma_start3A_61 = arith.constant 0 : i32
      %dma_start3A_62 = arith.constant 0 : i32
      %dma_start3A_63 = tpu.memref_slice %arg7[%dma_start3A_61, %dma_start3A_62] : memref<10240x16xf32, #tpu.memory_space<vmem_shared>> -> memref<10240x16xf32, #tpu.memory_space<vmem_shared>>
      tpu.enqueue_indirect_dma source(%arg5 : memref<100x16xf32, #tpu.memory_space<vmem>>) target(%dma_start3A_63 : memref<10240x16xf32, #tpu.memory_space<vmem_shared>>) offsets(%dma_start3A_60 : memref<100xi32, #tpu.memory_space<vmem>>) semaphore(%arg8 : memref<!tpu.dma_semaphore, #tpu.memory_space<semaphore_mem>>) {add = true}
      %dma_wait3A = arith.constant 0 : i32
      %dma_wait3A_64 = tpu.memref_slice %arg4[%add3A_28, %dma_wait3A] : memref<100x100xi32, #tpu.memory_space<vmem>> -> memref<1x100xi32, #tpu.memory_space<vmem>>
      %dma_wait3A_65 = tpu.memref_squeeze %dma_wait3A_64 : memref<1x100xi32, #tpu.memory_space<vmem>> -> memref<100xi32, #tpu.memory_space<vmem>>
      %dma_wait3A_66 = arith.constant 0 : i32
      %dma_wait3A_67 = arith.constant 0 : i32
      %dma_wait3A_68 = tpu.memref_slice %arg7[%dma_wait3A_66, %dma_wait3A_67] : memref<10240x16xf32, #tpu.memory_space<vmem_shared>> -> memref<10240x16xf32, #tpu.memory_space<vmem_shared>>
      tpu.wait_indirect_dma semaphore(%arg8 : memref<!tpu.dma_semaphore, #tpu.memory_space<semaphore_mem>>) src(%arg5 : memref<100x16xf32, #tpu.memory_space<vmem>>) dst(%dma_wait3A_68 : memref<10240x16xf32, #tpu.memory_space<vmem_shared>>)
      %dma_wait3A_69 = arith.constant 0 : i32
      %dma_wait3A_70 = tpu.memref_slice %arg4[%add3A_37, %dma_wait3A_69] : memref<100x100xi32, #tpu.memory_space<vmem>> -> memref<1x100xi32, #tpu.memory_space<vmem>>
      %dma_wait3A_71 = tpu.memref_squeeze %dma_wait3A_70 : memref<1x100xi32, #tpu.memory_space<vmem>> -> memref<100xi32, #tpu.memory_space<vmem>>
      %dma_wait3A_72 = arith.constant 0 : i32
      %dma_wait3A_73 = arith.constant 0 : i32
      %dma_wait3A_74 = tpu.memref_slice %arg7[%dma_wait3A_72, %dma_wait3A_73] : memref<10240x16xf32, #tpu.memory_space<vmem_shared>> -> memref<10240x16xf32, #tpu.memory_space<vmem_shared>>
      tpu.wait_indirect_dma semaphore(%arg8 : memref<!tpu.dma_semaphore, #tpu.memory_space<semaphore_mem>>) src(%arg5 : memref<100x16xf32, #tpu.memory_space<vmem>>) dst(%dma_wait3A_74 : memref<10240x16xf32, #tpu.memory_space<vmem_shared>>)
      %dma_wait3A_75 = arith.constant 0 : i32
      %dma_wait3A_76 = tpu.memref_slice %arg4[%add3A_47, %dma_wait3A_75] : memref<100x100xi32, #tpu.memory_space<vmem>> -> memref<1x100xi32, #tpu.memory_space<vmem>>
      %dma_wait3A_77 = tpu.memref_squeeze %dma_wait3A_76 : memref<1x100xi32, #tpu.memory_space<vmem>> -> memref<100xi32, #tpu.memory_space<vmem>>
      %dma_wait3A_78 = arith.constant 0 : i32
      %dma_wait3A_79 = arith.constant 0 : i32
      %dma_wait3A_80 = tpu.memref_slice %arg7[%dma_wait3A_78, %dma_wait3A_79] : memref<10240x16xf32, #tpu.memory_space<vmem_shared>> -> memref<10240x16xf32, #tpu.memory_space<vmem_shared>>
      tpu.wait_indirect_dma semaphore(%arg8 : memref<!tpu.dma_semaphore, #tpu.memory_space<semaphore_mem>>) src(%arg5 : memref<100x16xf32, #tpu.memory_space<vmem>>) dst(%dma_wait3A_80 : memref<10240x16xf32, #tpu.memory_space<vmem_shared>>)
      %dma_wait3A_81 = arith.constant 0 : i32
      %dma_wait3A_82 = tpu.memref_slice %arg4[%add3A_57, %dma_wait3A_81] : memref<100x100xi32, #tpu.memory_space<vmem>> -> memref<1x100xi32, #tpu.memory_space<vmem>>
      %dma_wait3A_83 = tpu.memref_squeeze %dma_wait3A_82 : memref<1x100xi32, #tpu.memory_space<vmem>> -> memref<100xi32, #tpu.memory_space<vmem>>
      %dma_wait3A_84 = arith.constant 0 : i32
      %dma_wait3A_85 = arith.constant 0 : i32
      %dma_wait3A_86 = tpu.memref_slice %arg7[%dma_wait3A_84, %dma_wait3A_85] : memref<10240x16xf32, #tpu.memory_space<vmem_shared>> -> memref<10240x16xf32, #tpu.memory_space<vmem_shared>>
      tpu.wait_indirect_dma semaphore(%arg8 : memref<!tpu.dma_semaphore, #tpu.memory_space<semaphore_mem>>) src(%arg5 : memref<100x16xf32, #tpu.memory_space<vmem>>) dst(%dma_wait3A_86 : memref<10240x16xf32, #tpu.memory_space<vmem_shared>>)
    }
    %scan3A_22 = arith.constant 25 : i32
    %barrier3A_23 = arith.constant 0 : index
    tpu.barrier barrier_id(%barrier3A_23)
    "tpu.region"() ({
      %run_scoped3A = tpu.sem_alloc : memref<!tpu.dma_semaphore, #tpu.memory_space<semaphore_mem>>
      %dma_start3A = arith.constant 0 : i32
      %dma_start3A_24 = tpu.memref_slice %arg3[%arg0, %multiple_of3A, %dma_start3A] : memref<2x10240x16xf32, #tpu.memory_space<hbm>> -> memref<1x640x16xf32, #tpu.memory_space<hbm>>
      %dma_start3A_25 = tpu.memref_squeeze %dma_start3A_24 : memref<1x640x16xf32, #tpu.memory_space<hbm>> -> memref<640x16xf32, #tpu.memory_space<hbm>>
      %dma_start3A_26 = arith.constant 0 : i32
      %dma_start3A_27 = tpu.memref_slice %arg7[%multiple_of3A, %dma_start3A_26] : memref<10240x16xf32, #tpu.memory_space<vmem_shared>> -> memref<640x16xf32, #tpu.memory_space<vmem_shared>>
      tpu.enqueue_dma source(%dma_start3A_27 : memref<640x16xf32, #tpu.memory_space<vmem_shared>>) target(%dma_start3A_25 : memref<640x16xf32, #tpu.memory_space<hbm>>) target_semaphore(%run_scoped3A : memref<!tpu.dma_semaphore, #tpu.memory_space<semaphore_mem>>)
      %dma_wait3A = arith.constant 0 : i32
      %dma_wait3A_28 = tpu.memref_slice %arg3[%arg0, %multiple_of3A, %dma_wait3A] : memref<2x10240x16xf32, #tpu.memory_space<hbm>> -> memref<1x640x16xf32, #tpu.memory_space<hbm>>
      %dma_wait3A_29 = tpu.memref_squeeze %dma_wait3A_28 : memref<1x640x16xf32, #tpu.memory_space<hbm>> -> memref<640x16xf32, #tpu.memory_space<hbm>>
      %dma_wait3A_30 = arith.constant 0 : i32
      %dma_wait3A_31 = tpu.memref_slice %arg7[%multiple_of3A, %dma_wait3A_30] : memref<10240x16xf32, #tpu.memory_space<vmem_shared>> -> memref<640x16xf32, #tpu.memory_space<vmem_shared>>
      tpu.wait_dma2 semaphore(%run_scoped3A : memref<!tpu.dma_semaphore, #tpu.memory_space<semaphore_mem>>) src(%dma_wait3A_31 : memref<640x16xf32, #tpu.memory_space<vmem_shared>>) dst(%dma_wait3A_29 : memref<640x16xf32, #tpu.memory_space<hbm>>)
      tpu.yield
    }) : () -> ()
    return
  }
}

#map = affine_map<(d0, d1) -> (0, 0)>
#map1 = affine_map<(d0, d1) -> (0, 0, 0)>
module attributes {stable_mosaic.version = 14 : i64} {
  func.func @prop(%arg0: i32, %arg1: i32, %arg2: memref<10000x32xf32, #tpu.memory_space<hbm>>, %arg3: memref<32x100x100xi32, #tpu.memory_space<hbm>>, %arg4: memref<32x100x100xi32, #tpu.memory_space<hbm>>, %arg5: memref<2x10240x32xf32, #tpu.memory_space<hbm>>, %arg6: memref<100x100xi32, #tpu.memory_space<vmem>>, %arg7: memref<100x100xi32, #tpu.memory_space<vmem>>, %arg8: memref<100x32xf32, #tpu.memory_space<vmem>>, %arg9: memref<100x32xf32, #tpu.memory_space<vmem>>, %arg10: memref<64x32xf32, #tpu.memory_space<vmem>>, %arg11: memref<10240x32xf32, #tpu.memory_space<vmem_shared>>, %arg12: memref<!tpu.dma_semaphore, #tpu.memory_space<semaphore_mem>>, %arg13: memref<!tpu.dma_semaphore, #tpu.memory_space<semaphore_mem>>) attributes {dimension_semantics = [#tpu.dimension_semantics<core_parallel>, #tpu.dimension_semantics<subcore_parallel>], iteration_bounds = array<i64: 2, 16>, scalar_prefetch = 0 : i64, scratch_operands = 8 : i64, tpu.core_type = #tpu.core_type<sc_vector_subcore>, window_params = [{transform_indices = #map}, {transform_indices = #map1}, {transform_indices = #map1}, {transform_indices = #map1}]} {
    %mul3A = arith.constant 2 : i32
    %mul3A_0 = arith.muli %arg1, %mul3A : i32
    %add3A = arith.addi %mul3A_0, %arg0 : i32
    %broadcast_in_dim3A = arith.constant 0.000000e+00 : f32
    %broadcast_in_dim3A_1 = vector.broadcast %broadcast_in_dim3A : f32 to vector<16xf32>
    %scan3A = arith.constant 0 : i32
    %scan3A_2 = arith.constant 0 : i32
    %scan3A_3 = arith.constant 128 : i32
    %scan3A_4 = arith.addi %scan3A_2, %scan3A_3 : i32
    %scan3A_5 = arith.constant 1 : i32
    scf.for %scan3A_42 = %scan3A_2 to %scan3A_4 step %scan3A_5  : i32 {
      %jit3A = arith.constant 2 : i32
      %div3A = arith.divsi %scan3A_42, %jit3A : i32
      %sign3A = arith.constant 0 : i32
      %sign3A_43 = arith.cmpi sgt, %scan3A_42, %sign3A : i32
      %sign3A_44 = arith.extui %sign3A_43 : i1 to i32
      %sign3A_45 = arith.constant 0 : i32
      %sign3A_46 = arith.cmpi slt, %scan3A_42, %sign3A_45 : i32
      %sign3A_47 = arith.extui %sign3A_46 : i1 to i32
      %sign3A_48 = arith.subi %sign3A_44, %sign3A_47 : i32
      %sign3A_49 = arith.constant 0 : i32
      %sign3A_50 = arith.cmpi sgt, %jit3A, %sign3A_49 : i32
      %sign3A_51 = arith.extui %sign3A_50 : i1 to i32
      %sign3A_52 = arith.constant 0 : i32
      %sign3A_53 = arith.cmpi slt, %jit3A, %sign3A_52 : i32
      %sign3A_54 = arith.extui %sign3A_53 : i1 to i32
      %sign3A_55 = arith.subi %sign3A_51, %sign3A_54 : i32
      %ne3A = arith.cmpi ne, %sign3A_48, %sign3A_55 : i32
      %rem3A = arith.remsi %scan3A_42, %jit3A : i32
      %ne3A_56 = arith.constant 0 : i32
      %ne3A_57 = arith.cmpi ne, %rem3A, %ne3A_56 : i32
      %and3A = arith.andi %ne3A, %ne3A_57 : i1
      %sub3A = arith.constant 1 : i32
      %sub3A_58 = arith.subi %div3A, %sub3A : i32
      %select_n3A = arith.select %and3A, %sub3A_58, %div3A : i32
      %jit3A_59 = arith.constant 2 : i32
      %eq3A = arith.constant 0 : i32
      %eq3A_60 = arith.cmpi eq, %jit3A_59, %eq3A : i32
      %jit3A_61 = arith.constant 1 : i32
      %select_n3A_62 = arith.select %eq3A_60, %jit3A_61, %jit3A_59 : i32
      %rem3A_63 = arith.remsi %scan3A_42, %select_n3A_62 : i32
      %ne3A_64 = arith.constant 0 : i32
      %ne3A_65 = arith.cmpi ne, %rem3A_63, %ne3A_64 : i32
      %lt3A = arith.constant 0 : i32
      %lt3A_66 = arith.cmpi slt, %rem3A_63, %lt3A : i32
      %lt3A_67 = arith.constant 0 : i32
      %lt3A_68 = arith.cmpi slt, %select_n3A_62, %lt3A_67 : i32
      %ne3A_69 = arith.xori %lt3A_66, %lt3A_68 : i1
      %and3A_70 = arith.andi %ne3A_69, %ne3A_65 : i1
      %add3A_71 = arith.addi %rem3A_63, %select_n3A_62 : i32
      %select_n3A_72 = arith.select %and3A_70, %add3A_71, %rem3A_63 : i32
      %mul3A_73 = arith.constant 16 : i32
      %mul3A_74 = arith.muli %select_n3A_72, %mul3A_73 : i32
      %swap3A = arith.index_cast %select_n3A : i32 to index
      %swap3A_75 = arith.index_cast %mul3A_74 : i32 to index
      %swap3A_76 = tpu.vector_load %arg10[%swap3A, %swap3A_75] {strides = array<i32>} : memref<64x32xf32, #tpu.memory_space<vmem>>, vector<1x16xf32>,
      %swap3A_77 = vector.shape_cast %swap3A_76 : vector<1x16xf32> to vector<16xf32>
      %swap3A_78 = vector.shape_cast %broadcast_in_dim3A_1 : vector<16xf32> to vector<1x16xf32>
      tpu.vector_store %arg10[%swap3A, %swap3A_75], %swap3A_78 {strides = array<i32>} : memref<64x32xf32, #tpu.memory_space<vmem>>, vector<1x16xf32>,
    }
    %scan3A_6 = arith.constant 128 : i32
    %mul3A_7 = arith.constant 640 : i32
    %mul3A_8 = arith.muli %arg1, %mul3A_7 : i32
    %multiple_of3A = tpu.assume_multiple %mul3A_8, 8 : i32
    %add3A_9 = arith.constant 0 : i32
    %add3A_10 = arith.addi %multiple_of3A, %add3A_9 : i32
    "tpu.region"() ({
      %run_scoped3A = tpu.sem_alloc : memref<!tpu.dma_semaphore, #tpu.memory_space<semaphore_mem>>
      %dma_start3A_42 = arith.constant 0 : i32
      %dma_start3A_43 = tpu.memref_slice %arg11[%add3A_10, %dma_start3A_42] : memref<10240x32xf32, #tpu.memory_space<vmem_shared>> -> memref<64x32xf32, #tpu.memory_space<vmem_shared>>
      %dma_start3A_44 = arith.constant 0 : i32
      %dma_start3A_45 = tpu.memref_slice %arg11[%add3A_10, %dma_start3A_44] : memref<10240x32xf32, #tpu.memory_space<vmem_shared>> -> memref<64x32xf32, #tpu.memory_space<vmem_shared>>
      tpu.enqueue_dma source(%arg10 : memref<64x32xf32, #tpu.memory_space<vmem>>) target(%dma_start3A_45 : memref<64x32xf32, #tpu.memory_space<vmem_shared>>) target_semaphore(%run_scoped3A : memref<!tpu.dma_semaphore, #tpu.memory_space<semaphore_mem>>)
      %dma_wait3A = arith.constant 0 : i32
      %dma_wait3A_46 = tpu.memref_slice %arg11[%add3A_10, %dma_wait3A] : memref<10240x32xf32, #tpu.memory_space<vmem_shared>> -> memref<64x32xf32, #tpu.memory_space<vmem_shared>>
      %dma_wait3A_47 = arith.constant 0 : i32
      %dma_wait3A_48 = tpu.memref_slice %arg11[%add3A_10, %dma_wait3A_47] : memref<10240x32xf32, #tpu.memory_space<vmem_shared>> -> memref<64x32xf32, #tpu.memory_space<vmem_shared>>
      tpu.wait_dma2 semaphore(%run_scoped3A : memref<!tpu.dma_semaphore, #tpu.memory_space<semaphore_mem>>) src(%arg10 : memref<64x32xf32, #tpu.memory_space<vmem>>) dst(%dma_wait3A_48 : memref<64x32xf32, #tpu.memory_space<vmem_shared>>)
      tpu.yield
    }) : () -> ()
    %add3A_11 = arith.constant 64 : i32
    %add3A_12 = arith.addi %multiple_of3A, %add3A_11 : i32
    "tpu.region"() ({
      %run_scoped3A = tpu.sem_alloc : memref<!tpu.dma_semaphore, #tpu.memory_space<semaphore_mem>>
      %dma_start3A_42 = arith.constant 0 : i32
      %dma_start3A_43 = tpu.memref_slice %arg11[%add3A_12, %dma_start3A_42] : memref<10240x32xf32, #tpu.memory_space<vmem_shared>> -> memref<64x32xf32, #tpu.memory_space<vmem_shared>>
      %dma_start3A_44 = arith.constant 0 : i32
      %dma_start3A_45 = tpu.memref_slice %arg11[%add3A_12, %dma_start3A_44] : memref<10240x32xf32, #tpu.memory_space<vmem_shared>> -> memref<64x32xf32, #tpu.memory_space<vmem_shared>>
      tpu.enqueue_dma source(%arg10 : memref<64x32xf32, #tpu.memory_space<vmem>>) target(%dma_start3A_45 : memref<64x32xf32, #tpu.memory_space<vmem_shared>>) target_semaphore(%run_scoped3A : memref<!tpu.dma_semaphore, #tpu.memory_space<semaphore_mem>>)
      %dma_wait3A = arith.constant 0 : i32
      %dma_wait3A_46 = tpu.memref_slice %arg11[%add3A_12, %dma_wait3A] : memref<10240x32xf32, #tpu.memory_space<vmem_shared>> -> memref<64x32xf32, #tpu.memory_space<vmem_shared>>
      %dma_wait3A_47 = arith.constant 0 : i32
      %dma_wait3A_48 = tpu.memref_slice %arg11[%add3A_12, %dma_wait3A_47] : memref<10240x32xf32, #tpu.memory_space<vmem_shared>> -> memref<64x32xf32, #tpu.memory_space<vmem_shared>>
      tpu.wait_dma2 semaphore(%run_scoped3A : memref<!tpu.dma_semaphore, #tpu.memory_space<semaphore_mem>>) src(%arg10 : memref<64x32xf32, #tpu.memory_space<vmem>>) dst(%dma_wait3A_48 : memref<64x32xf32, #tpu.memory_space<vmem_shared>>)
      tpu.yield
    }) : () -> ()
    %add3A_13 = arith.constant 128 : i32
    %add3A_14 = arith.addi %multiple_of3A, %add3A_13 : i32
    "tpu.region"() ({
      %run_scoped3A = tpu.sem_alloc : memref<!tpu.dma_semaphore, #tpu.memory_space<semaphore_mem>>
      %dma_start3A_42 = arith.constant 0 : i32
      %dma_start3A_43 = tpu.memref_slice %arg11[%add3A_14, %dma_start3A_42] : memref<10240x32xf32, #tpu.memory_space<vmem_shared>> -> memref<64x32xf32, #tpu.memory_space<vmem_shared>>
      %dma_start3A_44 = arith.constant 0 : i32
      %dma_start3A_45 = tpu.memref_slice %arg11[%add3A_14, %dma_start3A_44] : memref<10240x32xf32, #tpu.memory_space<vmem_shared>> -> memref<64x32xf32, #tpu.memory_space<vmem_shared>>
      tpu.enqueue_dma source(%arg10 : memref<64x32xf32, #tpu.memory_space<vmem>>) target(%dma_start3A_45 : memref<64x32xf32, #tpu.memory_space<vmem_shared>>) target_semaphore(%run_scoped3A : memref<!tpu.dma_semaphore, #tpu.memory_space<semaphore_mem>>)
      %dma_wait3A = arith.constant 0 : i32
      %dma_wait3A_46 = tpu.memref_slice %arg11[%add3A_14, %dma_wait3A] : memref<10240x32xf32, #tpu.memory_space<vmem_shared>> -> memref<64x32xf32, #tpu.memory_space<vmem_shared>>
      %dma_wait3A_47 = arith.constant 0 : i32
      %dma_wait3A_48 = tpu.memref_slice %arg11[%add3A_14, %dma_wait3A_47] : memref<10240x32xf32, #tpu.memory_space<vmem_shared>> -> memref<64x32xf32, #tpu.memory_space<vmem_shared>>
      tpu.wait_dma2 semaphore(%run_scoped3A : memref<!tpu.dma_semaphore, #tpu.memory_space<semaphore_mem>>) src(%arg10 : memref<64x32xf32, #tpu.memory_space<vmem>>) dst(%dma_wait3A_48 : memref<64x32xf32, #tpu.memory_space<vmem_shared>>)
      tpu.yield
    }) : () -> ()
    %add3A_15 = arith.constant 192 : i32
    %add3A_16 = arith.addi %multiple_of3A, %add3A_15 : i32
    "tpu.region"() ({
      %run_scoped3A = tpu.sem_alloc : memref<!tpu.dma_semaphore, #tpu.memory_space<semaphore_mem>>
      %dma_start3A_42 = arith.constant 0 : i32
      %dma_start3A_43 = tpu.memref_slice %arg11[%add3A_16, %dma_start3A_42] : memref<10240x32xf32, #tpu.memory_space<vmem_shared>> -> memref<64x32xf32, #tpu.memory_space<vmem_shared>>
      %dma_start3A_44 = arith.constant 0 : i32
      %dma_start3A_45 = tpu.memref_slice %arg11[%add3A_16, %dma_start3A_44] : memref<10240x32xf32, #tpu.memory_space<vmem_shared>> -> memref<64x32xf32, #tpu.memory_space<vmem_shared>>
      tpu.enqueue_dma source(%arg10 : memref<64x32xf32, #tpu.memory_space<vmem>>) target(%dma_start3A_45 : memref<64x32xf32, #tpu.memory_space<vmem_shared>>) target_semaphore(%run_scoped3A : memref<!tpu.dma_semaphore, #tpu.memory_space<semaphore_mem>>)
      %dma_wait3A = arith.constant 0 : i32
      %dma_wait3A_46 = tpu.memref_slice %arg11[%add3A_16, %dma_wait3A] : memref<10240x32xf32, #tpu.memory_space<vmem_shared>> -> memref<64x32xf32, #tpu.memory_space<vmem_shared>>
      %dma_wait3A_47 = arith.constant 0 : i32
      %dma_wait3A_48 = tpu.memref_slice %arg11[%add3A_16, %dma_wait3A_47] : memref<10240x32xf32, #tpu.memory_space<vmem_shared>> -> memref<64x32xf32, #tpu.memory_space<vmem_shared>>
      tpu.wait_dma2 semaphore(%run_scoped3A : memref<!tpu.dma_semaphore, #tpu.memory_space<semaphore_mem>>) src(%arg10 : memref<64x32xf32, #tpu.memory_space<vmem>>) dst(%dma_wait3A_48 : memref<64x32xf32, #tpu.memory_space<vmem_shared>>)
      tpu.yield
    }) : () -> ()
    %add3A_17 = arith.constant 256 : i32
    %add3A_18 = arith.addi %multiple_of3A, %add3A_17 : i32
    "tpu.region"() ({
      %run_scoped3A = tpu.sem_alloc : memref<!tpu.dma_semaphore, #tpu.memory_space<semaphore_mem>>
      %dma_start3A_42 = arith.constant 0 : i32
      %dma_start3A_43 = tpu.memref_slice %arg11[%add3A_18, %dma_start3A_42] : memref<10240x32xf32, #tpu.memory_space<vmem_shared>> -> memref<64x32xf32, #tpu.memory_space<vmem_shared>>
      %dma_start3A_44 = arith.constant 0 : i32
      %dma_start3A_45 = tpu.memref_slice %arg11[%add3A_18, %dma_start3A_44] : memref<10240x32xf32, #tpu.memory_space<vmem_shared>> -> memref<64x32xf32, #tpu.memory_space<vmem_shared>>
      tpu.enqueue_dma source(%arg10 : memref<64x32xf32, #tpu.memory_space<vmem>>) target(%dma_start3A_45 : memref<64x32xf32, #tpu.memory_space<vmem_shared>>) target_semaphore(%run_scoped3A : memref<!tpu.dma_semaphore, #tpu.memory_space<semaphore_mem>>)
      %dma_wait3A = arith.constant 0 : i32
      %dma_wait3A_46 = tpu.memref_slice %arg11[%add3A_18, %dma_wait3A] : memref<10240x32xf32, #tpu.memory_space<vmem_shared>> -> memref<64x32xf32, #tpu.memory_space<vmem_shared>>
      %dma_wait3A_47 = arith.constant 0 : i32
      %dma_wait3A_48 = tpu.memref_slice %arg11[%add3A_18, %dma_wait3A_47] : memref<10240x32xf32, #tpu.memory_space<vmem_shared>> -> memref<64x32xf32, #tpu.memory_space<vmem_shared>>
      tpu.wait_dma2 semaphore(%run_scoped3A : memref<!tpu.dma_semaphore, #tpu.memory_space<semaphore_mem>>) src(%arg10 : memref<64x32xf32, #tpu.memory_space<vmem>>) dst(%dma_wait3A_48 : memref<64x32xf32, #tpu.memory_space<vmem_shared>>)
      tpu.yield
    }) : () -> ()
    %add3A_19 = arith.constant 320 : i32
    %add3A_20 = arith.addi %multiple_of3A, %add3A_19 : i32
    "tpu.region"() ({
      %run_scoped3A = tpu.sem_alloc : memref<!tpu.dma_semaphore, #tpu.memory_space<semaphore_mem>>
      %dma_start3A_42 = arith.constant 0 : i32
      %dma_start3A_43 = tpu.memref_slice %arg11[%add3A_20, %dma_start3A_42] : memref<10240x32xf32, #tpu.memory_space<vmem_shared>> -> memref<64x32xf32, #tpu.memory_space<vmem_shared>>
      %dma_start3A_44 = arith.constant 0 : i32
      %dma_start3A_45 = tpu.memref_slice %arg11[%add3A_20, %dma_start3A_44] : memref<10240x32xf32, #tpu.memory_space<vmem_shared>> -> memref<64x32xf32, #tpu.memory_space<vmem_shared>>
      tpu.enqueue_dma source(%arg10 : memref<64x32xf32, #tpu.memory_space<vmem>>) target(%dma_start3A_45 : memref<64x32xf32, #tpu.memory_space<vmem_shared>>) target_semaphore(%run_scoped3A : memref<!tpu.dma_semaphore, #tpu.memory_space<semaphore_mem>>)
      %dma_wait3A = arith.constant 0 : i32
      %dma_wait3A_46 = tpu.memref_slice %arg11[%add3A_20, %dma_wait3A] : memref<10240x32xf32, #tpu.memory_space<vmem_shared>> -> memref<64x32xf32, #tpu.memory_space<vmem_shared>>
      %dma_wait3A_47 = arith.constant 0 : i32
      %dma_wait3A_48 = tpu.memref_slice %arg11[%add3A_20, %dma_wait3A_47] : memref<10240x32xf32, #tpu.memory_space<vmem_shared>> -> memref<64x32xf32, #tpu.memory_space<vmem_shared>>
      tpu.wait_dma2 semaphore(%run_scoped3A : memref<!tpu.dma_semaphore, #tpu.memory_space<semaphore_mem>>) src(%arg10 : memref<64x32xf32, #tpu.memory_space<vmem>>) dst(%dma_wait3A_48 : memref<64x32xf32, #tpu.memory_space<vmem_shared>>)
      tpu.yield
    }) : () -> ()
    %add3A_21 = arith.constant 384 : i32
    %add3A_22 = arith.addi %multiple_of3A, %add3A_21 : i32
    "tpu.region"() ({
      %run_scoped3A = tpu.sem_alloc : memref<!tpu.dma_semaphore, #tpu.memory_space<semaphore_mem>>
      %dma_start3A_42 = arith.constant 0 : i32
      %dma_start3A_43 = tpu.memref_slice %arg11[%add3A_22, %dma_start3A_42] : memref<10240x32xf32, #tpu.memory_space<vmem_shared>> -> memref<64x32xf32, #tpu.memory_space<vmem_shared>>
      %dma_start3A_44 = arith.constant 0 : i32
      %dma_start3A_45 = tpu.memref_slice %arg11[%add3A_22, %dma_start3A_44] : memref<10240x32xf32, #tpu.memory_space<vmem_shared>> -> memref<64x32xf32, #tpu.memory_space<vmem_shared>>
      tpu.enqueue_dma source(%arg10 : memref<64x32xf32, #tpu.memory_space<vmem>>) target(%dma_start3A_45 : memref<64x32xf32, #tpu.memory_space<vmem_shared>>) target_semaphore(%run_scoped3A : memref<!tpu.dma_semaphore, #tpu.memory_space<semaphore_mem>>)
      %dma_wait3A = arith.constant 0 : i32
      %dma_wait3A_46 = tpu.memref_slice %arg11[%add3A_22, %dma_wait3A] : memref<10240x32xf32, #tpu.memory_space<vmem_shared>> -> memref<64x32xf32, #tpu.memory_space<vmem_shared>>
      %dma_wait3A_47 = arith.constant 0 : i32
      %dma_wait3A_48 = tpu.memref_slice %arg11[%add3A_22, %dma_wait3A_47] : memref<10240x32xf32, #tpu.memory_space<vmem_shared>> -> memref<64x32xf32, #tpu.memory_space<vmem_shared>>
      tpu.wait_dma2 semaphore(%run_scoped3A : memref<!tpu.dma_semaphore, #tpu.memory_space<semaphore_mem>>) src(%arg10 : memref<64x32xf32, #tpu.memory_space<vmem>>) dst(%dma_wait3A_48 : memref<64x32xf32, #tpu.memory_space<vmem_shared>>)
      tpu.yield
    }) : () -> ()
    %add3A_23 = arith.constant 448 : i32
    %add3A_24 = arith.addi %multiple_of3A, %add3A_23 : i32
    "tpu.region"() ({
      %run_scoped3A = tpu.sem_alloc : memref<!tpu.dma_semaphore, #tpu.memory_space<semaphore_mem>>
      %dma_start3A_42 = arith.constant 0 : i32
      %dma_start3A_43 = tpu.memref_slice %arg11[%add3A_24, %dma_start3A_42] : memref<10240x32xf32, #tpu.memory_space<vmem_shared>> -> memref<64x32xf32, #tpu.memory_space<vmem_shared>>
      %dma_start3A_44 = arith.constant 0 : i32
      %dma_start3A_45 = tpu.memref_slice %arg11[%add3A_24, %dma_start3A_44] : memref<10240x32xf32, #tpu.memory_space<vmem_shared>> -> memref<64x32xf32, #tpu.memory_space<vmem_shared>>
      tpu.enqueue_dma source(%arg10 : memref<64x32xf32, #tpu.memory_space<vmem>>) target(%dma_start3A_45 : memref<64x32xf32, #tpu.memory_space<vmem_shared>>) target_semaphore(%run_scoped3A : memref<!tpu.dma_semaphore, #tpu.memory_space<semaphore_mem>>)
      %dma_wait3A = arith.constant 0 : i32
      %dma_wait3A_46 = tpu.memref_slice %arg11[%add3A_24, %dma_wait3A] : memref<10240x32xf32, #tpu.memory_space<vmem_shared>> -> memref<64x32xf32, #tpu.memory_space<vmem_shared>>
      %dma_wait3A_47 = arith.constant 0 : i32
      %dma_wait3A_48 = tpu.memref_slice %arg11[%add3A_24, %dma_wait3A_47] : memref<10240x32xf32, #tpu.memory_space<vmem_shared>> -> memref<64x32xf32, #tpu.memory_space<vmem_shared>>
      tpu.wait_dma2 semaphore(%run_scoped3A : memref<!tpu.dma_semaphore, #tpu.memory_space<semaphore_mem>>) src(%arg10 : memref<64x32xf32, #tpu.memory_space<vmem>>) dst(%dma_wait3A_48 : memref<64x32xf32, #tpu.memory_space<vmem_shared>>)
      tpu.yield
    }) : () -> ()
    %add3A_25 = arith.constant 512 : i32
    %add3A_26 = arith.addi %multiple_of3A, %add3A_25 : i32
    "tpu.region"() ({
      %run_scoped3A = tpu.sem_alloc : memref<!tpu.dma_semaphore, #tpu.memory_space<semaphore_mem>>
      %dma_start3A_42 = arith.constant 0 : i32
      %dma_start3A_43 = tpu.memref_slice %arg11[%add3A_26, %dma_start3A_42] : memref<10240x32xf32, #tpu.memory_space<vmem_shared>> -> memref<64x32xf32, #tpu.memory_space<vmem_shared>>
      %dma_start3A_44 = arith.constant 0 : i32
      %dma_start3A_45 = tpu.memref_slice %arg11[%add3A_26, %dma_start3A_44] : memref<10240x32xf32, #tpu.memory_space<vmem_shared>> -> memref<64x32xf32, #tpu.memory_space<vmem_shared>>
      tpu.enqueue_dma source(%arg10 : memref<64x32xf32, #tpu.memory_space<vmem>>) target(%dma_start3A_45 : memref<64x32xf32, #tpu.memory_space<vmem_shared>>) target_semaphore(%run_scoped3A : memref<!tpu.dma_semaphore, #tpu.memory_space<semaphore_mem>>)
      %dma_wait3A = arith.constant 0 : i32
      %dma_wait3A_46 = tpu.memref_slice %arg11[%add3A_26, %dma_wait3A] : memref<10240x32xf32, #tpu.memory_space<vmem_shared>> -> memref<64x32xf32, #tpu.memory_space<vmem_shared>>
      %dma_wait3A_47 = arith.constant 0 : i32
      %dma_wait3A_48 = tpu.memref_slice %arg11[%add3A_26, %dma_wait3A_47] : memref<10240x32xf32, #tpu.memory_space<vmem_shared>> -> memref<64x32xf32, #tpu.memory_space<vmem_shared>>
      tpu.wait_dma2 semaphore(%run_scoped3A : memref<!tpu.dma_semaphore, #tpu.memory_space<semaphore_mem>>) src(%arg10 : memref<64x32xf32, #tpu.memory_space<vmem>>) dst(%dma_wait3A_48 : memref<64x32xf32, #tpu.memory_space<vmem_shared>>)
      tpu.yield
    }) : () -> ()
    %add3A_27 = arith.constant 576 : i32
    %add3A_28 = arith.addi %multiple_of3A, %add3A_27 : i32
    "tpu.region"() ({
      %run_scoped3A = tpu.sem_alloc : memref<!tpu.dma_semaphore, #tpu.memory_space<semaphore_mem>>
      %dma_start3A_42 = arith.constant 0 : i32
      %dma_start3A_43 = tpu.memref_slice %arg11[%add3A_28, %dma_start3A_42] : memref<10240x32xf32, #tpu.memory_space<vmem_shared>> -> memref<64x32xf32, #tpu.memory_space<vmem_shared>>
      %dma_start3A_44 = arith.constant 0 : i32
      %dma_start3A_45 = tpu.memref_slice %arg11[%add3A_28, %dma_start3A_44] : memref<10240x32xf32, #tpu.memory_space<vmem_shared>> -> memref<64x32xf32, #tpu.memory_space<vmem_shared>>
      tpu.enqueue_dma source(%arg10 : memref<64x32xf32, #tpu.memory_space<vmem>>) target(%dma_start3A_45 : memref<64x32xf32, #tpu.memory_space<vmem_shared>>) target_semaphore(%run_scoped3A : memref<!tpu.dma_semaphore, #tpu.memory_space<semaphore_mem>>)
      %dma_wait3A = arith.constant 0 : i32
      %dma_wait3A_46 = tpu.memref_slice %arg11[%add3A_28, %dma_wait3A] : memref<10240x32xf32, #tpu.memory_space<vmem_shared>> -> memref<64x32xf32, #tpu.memory_space<vmem_shared>>
      %dma_wait3A_47 = arith.constant 0 : i32
      %dma_wait3A_48 = tpu.memref_slice %arg11[%add3A_28, %dma_wait3A_47] : memref<10240x32xf32, #tpu.memory_space<vmem_shared>> -> memref<64x32xf32, #tpu.memory_space<vmem_shared>>
      tpu.wait_dma2 semaphore(%run_scoped3A : memref<!tpu.dma_semaphore, #tpu.memory_space<semaphore_mem>>) src(%arg10 : memref<64x32xf32, #tpu.memory_space<vmem>>) dst(%dma_wait3A_48 : memref<64x32xf32, #tpu.memory_space<vmem_shared>>)
      tpu.yield
    }) : () -> ()
    "tpu.region"() ({
      %run_scoped3A = tpu.sem_alloc : memref<!tpu.dma_semaphore, #tpu.memory_space<semaphore_mem>>
      %dma_start3A_42 = arith.constant 0 : i32
      %dma_start3A_43 = arith.constant 0 : i32
      %dma_start3A_44 = tpu.memref_slice %arg3[%add3A, %dma_start3A_42, %dma_start3A_43] : memref<32x100x100xi32, #tpu.memory_space<hbm>> -> memref<1x100x100xi32, #tpu.memory_space<hbm>>
      %dma_start3A_45 = tpu.memref_squeeze %dma_start3A_44 : memref<1x100x100xi32, #tpu.memory_space<hbm>> -> memref<100x100xi32, #tpu.memory_space<hbm>>
      %dma_start3A_46 = arith.constant 0 : i32
      %dma_start3A_47 = arith.constant 0 : i32
      %dma_start3A_48 = tpu.memref_slice %arg3[%add3A, %dma_start3A_46, %dma_start3A_47] : memref<32x100x100xi32, #tpu.memory_space<hbm>> -> memref<1x100x100xi32, #tpu.memory_space<hbm>>
      %dma_start3A_49 = tpu.memref_squeeze %dma_start3A_48 : memref<1x100x100xi32, #tpu.memory_space<hbm>> -> memref<100x100xi32, #tpu.memory_space<hbm>>
      tpu.enqueue_dma source(%dma_start3A_49 : memref<100x100xi32, #tpu.memory_space<hbm>>) target(%arg6 : memref<100x100xi32, #tpu.memory_space<vmem>>) target_semaphore(%run_scoped3A : memref<!tpu.dma_semaphore, #tpu.memory_space<semaphore_mem>>)
      %dma_wait3A = arith.constant 0 : i32
      %dma_wait3A_50 = arith.constant 0 : i32
      %dma_wait3A_51 = tpu.memref_slice %arg3[%add3A, %dma_wait3A, %dma_wait3A_50] : memref<32x100x100xi32, #tpu.memory_space<hbm>> -> memref<1x100x100xi32, #tpu.memory_space<hbm>>
      %dma_wait3A_52 = tpu.memref_squeeze %dma_wait3A_51 : memref<1x100x100xi32, #tpu.memory_space<hbm>> -> memref<100x100xi32, #tpu.memory_space<hbm>>
      %dma_wait3A_53 = arith.constant 0 : i32
      %dma_wait3A_54 = arith.constant 0 : i32
      %dma_wait3A_55 = tpu.memref_slice %arg3[%add3A, %dma_wait3A_53, %dma_wait3A_54] : memref<32x100x100xi32, #tpu.memory_space<hbm>> -> memref<1x100x100xi32, #tpu.memory_space<hbm>>
      %dma_wait3A_56 = tpu.memref_squeeze %dma_wait3A_55 : memref<1x100x100xi32, #tpu.memory_space<hbm>> -> memref<100x100xi32, #tpu.memory_space<hbm>>
      tpu.wait_dma2 semaphore(%run_scoped3A : memref<!tpu.dma_semaphore, #tpu.memory_space<semaphore_mem>>) src(%dma_wait3A_56 : memref<100x100xi32, #tpu.memory_space<hbm>>) dst(%arg6 : memref<100x100xi32, #tpu.memory_space<vmem>>)
      tpu.yield
    }) : () -> ()
    "tpu.region"() ({
      %run_scoped3A = tpu.sem_alloc : memref<!tpu.dma_semaphore, #tpu.memory_space<semaphore_mem>>
      %dma_start3A_42 = arith.constant 0 : i32
      %dma_start3A_43 = arith.constant 0 : i32
      %dma_start3A_44 = tpu.memref_slice %arg4[%add3A, %dma_start3A_42, %dma_start3A_43] : memref<32x100x100xi32, #tpu.memory_space<hbm>> -> memref<1x100x100xi32, #tpu.memory_space<hbm>>
      %dma_start3A_45 = tpu.memref_squeeze %dma_start3A_44 : memref<1x100x100xi32, #tpu.memory_space<hbm>> -> memref<100x100xi32, #tpu.memory_space<hbm>>
      %dma_start3A_46 = arith.constant 0 : i32
      %dma_start3A_47 = arith.constant 0 : i32
      %dma_start3A_48 = tpu.memref_slice %arg4[%add3A, %dma_start3A_46, %dma_start3A_47] : memref<32x100x100xi32, #tpu.memory_space<hbm>> -> memref<1x100x100xi32, #tpu.memory_space<hbm>>
      %dma_start3A_49 = tpu.memref_squeeze %dma_start3A_48 : memref<1x100x100xi32, #tpu.memory_space<hbm>> -> memref<100x100xi32, #tpu.memory_space<hbm>>
      tpu.enqueue_dma source(%dma_start3A_49 : memref<100x100xi32, #tpu.memory_space<hbm>>) target(%arg7 : memref<100x100xi32, #tpu.memory_space<vmem>>) target_semaphore(%run_scoped3A : memref<!tpu.dma_semaphore, #tpu.memory_space<semaphore_mem>>)
      %dma_wait3A = arith.constant 0 : i32
      %dma_wait3A_50 = arith.constant 0 : i32
      %dma_wait3A_51 = tpu.memref_slice %arg4[%add3A, %dma_wait3A, %dma_wait3A_50] : memref<32x100x100xi32, #tpu.memory_space<hbm>> -> memref<1x100x100xi32, #tpu.memory_space<hbm>>
      %dma_wait3A_52 = tpu.memref_squeeze %dma_wait3A_51 : memref<1x100x100xi32, #tpu.memory_space<hbm>> -> memref<100x100xi32, #tpu.memory_space<hbm>>
      %dma_wait3A_53 = arith.constant 0 : i32
      %dma_wait3A_54 = arith.constant 0 : i32
      %dma_wait3A_55 = tpu.memref_slice %arg4[%add3A, %dma_wait3A_53, %dma_wait3A_54] : memref<32x100x100xi32, #tpu.memory_space<hbm>> -> memref<1x100x100xi32, #tpu.memory_space<hbm>>
      %dma_wait3A_56 = tpu.memref_squeeze %dma_wait3A_55 : memref<1x100x100xi32, #tpu.memory_space<hbm>> -> memref<100x100xi32, #tpu.memory_space<hbm>>
      tpu.wait_dma2 semaphore(%run_scoped3A : memref<!tpu.dma_semaphore, #tpu.memory_space<semaphore_mem>>) src(%dma_wait3A_56 : memref<100x100xi32, #tpu.memory_space<hbm>>) dst(%arg7 : memref<100x100xi32, #tpu.memory_space<vmem>>)
      tpu.yield
    }) : () -> ()
    %barrier3A = arith.constant 0 : index
    tpu.barrier barrier_id(%barrier3A)
    %dma_start3A = arith.constant 0 : i32
    %dma_start3A_29 = arith.constant 0 : i32
    %dma_start3A_30 = tpu.memref_slice %arg6[%dma_start3A, %dma_start3A_29] : memref<100x100xi32, #tpu.memory_space<vmem>> -> memref<1x100xi32, #tpu.memory_space<vmem>>
    %dma_start3A_31 = tpu.memref_squeeze %dma_start3A_30 : memref<1x100xi32, #tpu.memory_space<vmem>> -> memref<100xi32, #tpu.memory_space<vmem>>
    %dma_start3A_32 = arith.constant 0 : i32
    %dma_start3A_33 = arith.constant 0 : i32
    %dma_start3A_34 = tpu.memref_slice %arg2[%dma_start3A_32, %dma_start3A_33] : memref<10000x32xf32, #tpu.memory_space<hbm>> -> memref<10000x32xf32, #tpu.memory_space<hbm>>
    tpu.enqueue_indirect_dma source(%dma_start3A_34 : memref<10000x32xf32, #tpu.memory_space<hbm>>) target(%arg8 : memref<100x32xf32, #tpu.memory_space<vmem>>) offsets(%dma_start3A_31 : memref<100xi32, #tpu.memory_space<vmem>>) semaphore(%arg12 : memref<!tpu.dma_semaphore, #tpu.memory_space<semaphore_mem>>)
    %scan3A_35 = arith.constant 0 : i32
    %scan3A_36 = arith.constant 0 : i32
    %scan3A_37 = arith.constant 50 : i32
    %scan3A_38 = arith.addi %scan3A_36, %scan3A_37 : i32
    %scan3A_39 = arith.constant 1 : i32
    scf.for %scan3A_42 = %scan3A_36 to %scan3A_38 step %scan3A_39  : i32 {
      %mul3A_43 = arith.constant 2 : i32
      %mul3A_44 = arith.muli %scan3A_42, %mul3A_43 : i32
      %dma_wait3A = arith.constant 0 : i32
      %dma_wait3A_45 = tpu.memref_slice %arg6[%mul3A_44, %dma_wait3A] : memref<100x100xi32, #tpu.memory_space<vmem>> -> memref<1x100xi32, #tpu.memory_space<vmem>>
      %dma_wait3A_46 = tpu.memref_squeeze %dma_wait3A_45 : memref<1x100xi32, #tpu.memory_space<vmem>> -> memref<100xi32, #tpu.memory_space<vmem>>
      %dma_wait3A_47 = arith.constant 0 : i32
      %dma_wait3A_48 = arith.constant 0 : i32
      %dma_wait3A_49 = tpu.memref_slice %arg2[%dma_wait3A_47, %dma_wait3A_48] : memref<10000x32xf32, #tpu.memory_space<hbm>> -> memref<10000x32xf32, #tpu.memory_space<hbm>>
      tpu.wait_indirect_dma semaphore(%arg12 : memref<!tpu.dma_semaphore, #tpu.memory_space<semaphore_mem>>) src(%dma_wait3A_49 : memref<10000x32xf32, #tpu.memory_space<hbm>>) dst(%arg8 : memref<100x32xf32, #tpu.memory_space<vmem>>)
      %add3A_50 = arith.constant 1 : i32
      %add3A_51 = arith.addi %mul3A_44, %add3A_50 : i32
      %dma_start3A_52 = arith.constant 0 : i32
      %dma_start3A_53 = tpu.memref_slice %arg6[%add3A_51, %dma_start3A_52] : memref<100x100xi32, #tpu.memory_space<vmem>> -> memref<1x100xi32, #tpu.memory_space<vmem>>
      %dma_start3A_54 = tpu.memref_squeeze %dma_start3A_53 : memref<1x100xi32, #tpu.memory_space<vmem>> -> memref<100xi32, #tpu.memory_space<vmem>>
      %dma_start3A_55 = arith.constant 0 : i32
      %dma_start3A_56 = arith.constant 0 : i32
      %dma_start3A_57 = tpu.memref_slice %arg2[%dma_start3A_55, %dma_start3A_56] : memref<10000x32xf32, #tpu.memory_space<hbm>> -> memref<10000x32xf32, #tpu.memory_space<hbm>>
      tpu.enqueue_indirect_dma source(%dma_start3A_57 : memref<10000x32xf32, #tpu.memory_space<hbm>>) target(%arg9 : memref<100x32xf32, #tpu.memory_space<vmem>>) offsets(%dma_start3A_54 : memref<100xi32, #tpu.memory_space<vmem>>) semaphore(%arg13 : memref<!tpu.dma_semaphore, #tpu.memory_space<semaphore_mem>>)
      "tpu.region"() ({
        %run_scoped3A = tpu.sem_alloc : memref<!tpu.dma_semaphore, #tpu.memory_space<semaphore_mem>>
        %dma_start3A_72 = arith.constant 0 : i32
        %dma_start3A_73 = tpu.memref_slice %arg7[%mul3A_44, %dma_start3A_72] : memref<100x100xi32, #tpu.memory_space<vmem>> -> memref<1x100xi32, #tpu.memory_space<vmem>>
        %dma_start3A_74 = tpu.memref_squeeze %dma_start3A_73 : memref<1x100xi32, #tpu.memory_space<vmem>> -> memref<100xi32, #tpu.memory_space<vmem>>
        %dma_start3A_75 = arith.constant 0 : i32
        %dma_start3A_76 = arith.constant 0 : i32
        %dma_start3A_77 = tpu.memref_slice %arg11[%dma_start3A_75, %dma_start3A_76] : memref<10240x32xf32, #tpu.memory_space<vmem_shared>> -> memref<10240x32xf32, #tpu.memory_space<vmem_shared>>
        tpu.enqueue_indirect_dma source(%arg8 : memref<100x32xf32, #tpu.memory_space<vmem>>) target(%dma_start3A_77 : memref<10240x32xf32, #tpu.memory_space<vmem_shared>>) offsets(%dma_start3A_74 : memref<100xi32, #tpu.memory_space<vmem>>) semaphore(%run_scoped3A : memref<!tpu.dma_semaphore, #tpu.memory_space<semaphore_mem>>) {add = true}
        %dma_wait3A_78 = arith.constant 0 : i32
        %dma_wait3A_79 = tpu.memref_slice %arg7[%mul3A_44, %dma_wait3A_78] : memref<100x100xi32, #tpu.memory_space<vmem>> -> memref<1x100xi32, #tpu.memory_space<vmem>>
        %dma_wait3A_80 = tpu.memref_squeeze %dma_wait3A_79 : memref<1x100xi32, #tpu.memory_space<vmem>> -> memref<100xi32, #tpu.memory_space<vmem>>
        %dma_wait3A_81 = arith.constant 0 : i32
        %dma_wait3A_82 = arith.constant 0 : i32
        %dma_wait3A_83 = tpu.memref_slice %arg11[%dma_wait3A_81, %dma_wait3A_82] : memref<10240x32xf32, #tpu.memory_space<vmem_shared>> -> memref<10240x32xf32, #tpu.memory_space<vmem_shared>>
        tpu.wait_indirect_dma semaphore(%run_scoped3A : memref<!tpu.dma_semaphore, #tpu.memory_space<semaphore_mem>>) src(%arg8 : memref<100x32xf32, #tpu.memory_space<vmem>>) dst(%dma_wait3A_83 : memref<10240x32xf32, #tpu.memory_space<vmem_shared>>)
        tpu.yield
      }) : () -> ()
      %add3A_58 = arith.constant 1 : i32
      %add3A_59 = arith.addi %mul3A_44, %add3A_58 : i32
      %dma_wait3A_60 = arith.constant 0 : i32
      %dma_wait3A_61 = tpu.memref_slice %arg6[%add3A_59, %dma_wait3A_60] : memref<100x100xi32, #tpu.memory_space<vmem>> -> memref<1x100xi32, #tpu.memory_space<vmem>>
      %dma_wait3A_62 = tpu.memref_squeeze %dma_wait3A_61 : memref<1x100xi32, #tpu.memory_space<vmem>> -> memref<100xi32, #tpu.memory_space<vmem>>
      %dma_wait3A_63 = arith.constant 0 : i32
      %dma_wait3A_64 = arith.constant 0 : i32
      %dma_wait3A_65 = tpu.memref_slice %arg2[%dma_wait3A_63, %dma_wait3A_64] : memref<10000x32xf32, #tpu.memory_space<hbm>> -> memref<10000x32xf32, #tpu.memory_space<hbm>>
      tpu.wait_indirect_dma semaphore(%arg13 : memref<!tpu.dma_semaphore, #tpu.memory_space<semaphore_mem>>) src(%dma_wait3A_65 : memref<10000x32xf32, #tpu.memory_space<hbm>>) dst(%arg9 : memref<100x32xf32, #tpu.memory_space<vmem>>)
      %add3A_66 = arith.constant 1 : i32
      %add3A_67 = arith.addi %scan3A_42, %add3A_66 : i32
      %lt3A = arith.constant 50 : i32
      %lt3A_68 = arith.cmpi slt, %add3A_67, %lt3A : i32
      %convert_element_type3A = arith.extui %lt3A_68 : i1 to i32
      %cond3A = arith.constant 0 : i32
      %cond3A_69 = arith.cmpi ne, %convert_element_type3A, %cond3A : i32
      scf.if %cond3A_69 {
        %add3A_72 = arith.constant 2 : i32
        %add3A_73 = arith.addi %mul3A_44, %add3A_72 : i32
        %dma_start3A_74 = arith.constant 0 : i32
        %dma_start3A_75 = tpu.memref_slice %arg6[%add3A_73, %dma_start3A_74] : memref<100x100xi32, #tpu.memory_space<vmem>> -> memref<1x100xi32, #tpu.memory_space<vmem>>
        %dma_start3A_76 = tpu.memref_squeeze %dma_start3A_75 : memref<1x100xi32, #tpu.memory_space<vmem>> -> memref<100xi32, #tpu.memory_space<vmem>>
        %dma_start3A_77 = arith.constant 0 : i32
        %dma_start3A_78 = arith.constant 0 : i32
        %dma_start3A_79 = tpu.memref_slice %arg2[%dma_start3A_77, %dma_start3A_78] : memref<10000x32xf32, #tpu.memory_space<hbm>> -> memref<10000x32xf32, #tpu.memory_space<hbm>>
        tpu.enqueue_indirect_dma source(%dma_start3A_79 : memref<10000x32xf32, #tpu.memory_space<hbm>>) target(%arg8 : memref<100x32xf32, #tpu.memory_space<vmem>>) offsets(%dma_start3A_76 : memref<100xi32, #tpu.memory_space<vmem>>) semaphore(%arg12 : memref<!tpu.dma_semaphore, #tpu.memory_space<semaphore_mem>>)
      } else {
      }
      %add3A_70 = arith.constant 1 : i32
      %add3A_71 = arith.addi %mul3A_44, %add3A_70 : i32
      "tpu.region"() ({
        %run_scoped3A = tpu.sem_alloc : memref<!tpu.dma_semaphore, #tpu.memory_space<semaphore_mem>>
        %dma_start3A_72 = arith.constant 0 : i32
        %dma_start3A_73 = tpu.memref_slice %arg7[%add3A_71, %dma_start3A_72] : memref<100x100xi32, #tpu.memory_space<vmem>> -> memref<1x100xi32, #tpu.memory_space<vmem>>
        %dma_start3A_74 = tpu.memref_squeeze %dma_start3A_73 : memref<1x100xi32, #tpu.memory_space<vmem>> -> memref<100xi32, #tpu.memory_space<vmem>>
        %dma_start3A_75 = arith.constant 0 : i32
        %dma_start3A_76 = arith.constant 0 : i32
        %dma_start3A_77 = tpu.memref_slice %arg11[%dma_start3A_75, %dma_start3A_76] : memref<10240x32xf32, #tpu.memory_space<vmem_shared>> -> memref<10240x32xf32, #tpu.memory_space<vmem_shared>>
        tpu.enqueue_indirect_dma source(%arg9 : memref<100x32xf32, #tpu.memory_space<vmem>>) target(%dma_start3A_77 : memref<10240x32xf32, #tpu.memory_space<vmem_shared>>) offsets(%dma_start3A_74 : memref<100xi32, #tpu.memory_space<vmem>>) semaphore(%run_scoped3A : memref<!tpu.dma_semaphore, #tpu.memory_space<semaphore_mem>>) {add = true}
        %dma_wait3A_78 = arith.constant 0 : i32
        %dma_wait3A_79 = tpu.memref_slice %arg7[%add3A_71, %dma_wait3A_78] : memref<100x100xi32, #tpu.memory_space<vmem>> -> memref<1x100xi32, #tpu.memory_space<vmem>>
        %dma_wait3A_80 = tpu.memref_squeeze %dma_wait3A_79 : memref<1x100xi32, #tpu.memory_space<vmem>> -> memref<100xi32, #tpu.memory_space<vmem>>
        %dma_wait3A_81 = arith.constant 0 : i32
        %dma_wait3A_82 = arith.constant 0 : i32
        %dma_wait3A_83 = tpu.memref_slice %arg11[%dma_wait3A_81, %dma_wait3A_82] : memref<10240x32xf32, #tpu.memory_space<vmem_shared>> -> memref<10240x32xf32, #tpu.memory_space<vmem_shared>>
        tpu.wait_indirect_dma semaphore(%run_scoped3A : memref<!tpu.dma_semaphore, #tpu.memory_space<semaphore_mem>>) src(%arg9 : memref<100x32xf32, #tpu.memory_space<vmem>>) dst(%dma_wait3A_83 : memref<10240x32xf32, #tpu.memory_space<vmem_shared>>)
        tpu.yield
      }) : () -> ()
    }
    %scan3A_40 = arith.constant 50 : i32
    %barrier3A_41 = arith.constant 0 : index
    tpu.barrier barrier_id(%barrier3A_41)
    "tpu.region"() ({
      %run_scoped3A = tpu.sem_alloc : memref<!tpu.dma_semaphore, #tpu.memory_space<semaphore_mem>>
      %dma_start3A_42 = arith.constant 0 : i32
      %dma_start3A_43 = tpu.memref_slice %arg5[%arg0, %multiple_of3A, %dma_start3A_42] : memref<2x10240x32xf32, #tpu.memory_space<hbm>> -> memref<1x640x32xf32, #tpu.memory_space<hbm>>
      %dma_start3A_44 = tpu.memref_squeeze %dma_start3A_43 : memref<1x640x32xf32, #tpu.memory_space<hbm>> -> memref<640x32xf32, #tpu.memory_space<hbm>>
      %dma_start3A_45 = arith.constant 0 : i32
      %dma_start3A_46 = tpu.memref_slice %arg11[%multiple_of3A, %dma_start3A_45] : memref<10240x32xf32, #tpu.memory_space<vmem_shared>> -> memref<640x32xf32, #tpu.memory_space<vmem_shared>>
      tpu.enqueue_dma source(%dma_start3A_46 : memref<640x32xf32, #tpu.memory_space<vmem_shared>>) target(%dma_start3A_44 : memref<640x32xf32, #tpu.memory_space<hbm>>) target_semaphore(%run_scoped3A : memref<!tpu.dma_semaphore, #tpu.memory_space<semaphore_mem>>)
      %dma_wait3A = arith.constant 0 : i32
      %dma_wait3A_47 = tpu.memref_slice %arg5[%arg0, %multiple_of3A, %dma_wait3A] : memref<2x10240x32xf32, #tpu.memory_space<hbm>> -> memref<1x640x32xf32, #tpu.memory_space<hbm>>
      %dma_wait3A_48 = tpu.memref_squeeze %dma_wait3A_47 : memref<1x640x32xf32, #tpu.memory_space<hbm>> -> memref<640x32xf32, #tpu.memory_space<hbm>>
      %dma_wait3A_49 = arith.constant 0 : i32
      %dma_wait3A_50 = tpu.memref_slice %arg11[%multiple_of3A, %dma_wait3A_49] : memref<10240x32xf32, #tpu.memory_space<vmem_shared>> -> memref<640x32xf32, #tpu.memory_space<vmem_shared>>
      tpu.wait_dma2 semaphore(%run_scoped3A : memref<!tpu.dma_semaphore, #tpu.memory_space<semaphore_mem>>) src(%dma_wait3A_50 : memref<640x32xf32, #tpu.memory_space<vmem_shared>>) dst(%dma_wait3A_48 : memref<640x32xf32, #tpu.memory_space<hbm>>)
      tpu.yield
    }) : () -> ()
    return
  }
}

#map = affine_map<(d0, d1) -> (0, 0)>
#map1 = affine_map<(d0, d1) -> (0, 0, 0)>
module attributes {stable_mosaic.version = 14 : i64} {
  func.func @prop(%arg0: i32, %arg1: i32, %arg2: memref<10000x64xf32, #tpu.memory_space<hbm>>, %arg3: memref<32x100x100xi32, #tpu.memory_space<hbm>>, %arg4: memref<32x100x100xi32, #tpu.memory_space<hbm>>, %arg5: memref<2x10240x64xf32, #tpu.memory_space<hbm>>, %arg6: memref<100x100xi32, #tpu.memory_space<vmem>>, %arg7: memref<100x100xi32, #tpu.memory_space<vmem>>, %arg8: memref<100x64xf32, #tpu.memory_space<vmem>>, %arg9: memref<100x64xf32, #tpu.memory_space<vmem>>, %arg10: memref<64x64xf32, #tpu.memory_space<vmem>>, %arg11: memref<10240x64xf32, #tpu.memory_space<vmem_shared>>, %arg12: memref<!tpu.dma_semaphore, #tpu.memory_space<semaphore_mem>>, %arg13: memref<!tpu.dma_semaphore, #tpu.memory_space<semaphore_mem>>) attributes {dimension_semantics = [#tpu.dimension_semantics<core_parallel>, #tpu.dimension_semantics<subcore_parallel>], iteration_bounds = array<i64: 2, 16>, scalar_prefetch = 0 : i64, scratch_operands = 8 : i64, tpu.core_type = #tpu.core_type<sc_vector_subcore>, window_params = [{transform_indices = #map}, {transform_indices = #map1}, {transform_indices = #map1}, {transform_indices = #map1}]} {
    %mul3A = arith.constant 2 : i32
    %mul3A_0 = arith.muli %arg1, %mul3A : i32
    %add3A = arith.addi %mul3A_0, %arg0 : i32
    %broadcast_in_dim3A = arith.constant 0.000000e+00 : f32
    %broadcast_in_dim3A_1 = vector.broadcast %broadcast_in_dim3A : f32 to vector<16xf32>
    %scan3A = arith.constant 0 : i32
    %scan3A_2 = arith.constant 0 : i32
    %scan3A_3 = arith.constant 256 : i32
    %scan3A_4 = arith.addi %scan3A_2, %scan3A_3 : i32
    %scan3A_5 = arith.constant 1 : i32
    scf.for %scan3A_42 = %scan3A_2 to %scan3A_4 step %scan3A_5  : i32 {
      %jit3A = arith.constant 4 : i32
      %div3A = arith.divsi %scan3A_42, %jit3A : i32
      %sign3A = arith.constant 0 : i32
      %sign3A_43 = arith.cmpi sgt, %scan3A_42, %sign3A : i32
      %sign3A_44 = arith.extui %sign3A_43 : i1 to i32
      %sign3A_45 = arith.constant 0 : i32
      %sign3A_46 = arith.cmpi slt, %scan3A_42, %sign3A_45 : i32
      %sign3A_47 = arith.extui %sign3A_46 : i1 to i32
      %sign3A_48 = arith.subi %sign3A_44, %sign3A_47 : i32
      %sign3A_49 = arith.constant 0 : i32
      %sign3A_50 = arith.cmpi sgt, %jit3A, %sign3A_49 : i32
      %sign3A_51 = arith.extui %sign3A_50 : i1 to i32
      %sign3A_52 = arith.constant 0 : i32
      %sign3A_53 = arith.cmpi slt, %jit3A, %sign3A_52 : i32
      %sign3A_54 = arith.extui %sign3A_53 : i1 to i32
      %sign3A_55 = arith.subi %sign3A_51, %sign3A_54 : i32
      %ne3A = arith.cmpi ne, %sign3A_48, %sign3A_55 : i32
      %rem3A = arith.remsi %scan3A_42, %jit3A : i32
      %ne3A_56 = arith.constant 0 : i32
      %ne3A_57 = arith.cmpi ne, %rem3A, %ne3A_56 : i32
      %and3A = arith.andi %ne3A, %ne3A_57 : i1
      %sub3A = arith.constant 1 : i32
      %sub3A_58 = arith.subi %div3A, %sub3A : i32
      %select_n3A = arith.select %and3A, %sub3A_58, %div3A : i32
      %jit3A_59 = arith.constant 4 : i32
      %eq3A = arith.constant 0 : i32
      %eq3A_60 = arith.cmpi eq, %jit3A_59, %eq3A : i32
      %jit3A_61 = arith.constant 1 : i32
      %select_n3A_62 = arith.select %eq3A_60, %jit3A_61, %jit3A_59 : i32
      %rem3A_63 = arith.remsi %scan3A_42, %select_n3A_62 : i32
      %ne3A_64 = arith.constant 0 : i32
      %ne3A_65 = arith.cmpi ne, %rem3A_63, %ne3A_64 : i32
      %lt3A = arith.constant 0 : i32
      %lt3A_66 = arith.cmpi slt, %rem3A_63, %lt3A : i32
      %lt3A_67 = arith.constant 0 : i32
      %lt3A_68 = arith.cmpi slt, %select_n3A_62, %lt3A_67 : i32
      %ne3A_69 = arith.xori %lt3A_66, %lt3A_68 : i1
      %and3A_70 = arith.andi %ne3A_69, %ne3A_65 : i1
      %add3A_71 = arith.addi %rem3A_63, %select_n3A_62 : i32
      %select_n3A_72 = arith.select %and3A_70, %add3A_71, %rem3A_63 : i32
      %mul3A_73 = arith.constant 16 : i32
      %mul3A_74 = arith.muli %select_n3A_72, %mul3A_73 : i32
      %swap3A = arith.index_cast %select_n3A : i32 to index
      %swap3A_75 = arith.index_cast %mul3A_74 : i32 to index
      %swap3A_76 = tpu.vector_load %arg10[%swap3A, %swap3A_75] {strides = array<i32>} : memref<64x64xf32, #tpu.memory_space<vmem>>, vector<1x16xf32>,
      %swap3A_77 = vector.shape_cast %swap3A_76 : vector<1x16xf32> to vector<16xf32>
      %swap3A_78 = vector.shape_cast %broadcast_in_dim3A_1 : vector<16xf32> to vector<1x16xf32>
      tpu.vector_store %arg10[%swap3A, %swap3A_75], %swap3A_78 {strides = array<i32>} : memref<64x64xf32, #tpu.memory_space<vmem>>, vector<1x16xf32>,
    }
    %scan3A_6 = arith.constant 256 : i32
    %mul3A_7 = arith.constant 640 : i32
    %mul3A_8 = arith.muli %arg1, %mul3A_7 : i32
    %multiple_of3A = tpu.assume_multiple %mul3A_8, 8 : i32
    %add3A_9 = arith.constant 0 : i32
    %add3A_10 = arith.addi %multiple_of3A, %add3A_9 : i32
    "tpu.region"() ({
      %run_scoped3A = tpu.sem_alloc : memref<!tpu.dma_semaphore, #tpu.memory_space<semaphore_mem>>
      %dma_start3A_42 = arith.constant 0 : i32
      %dma_start3A_43 = tpu.memref_slice %arg11[%add3A_10, %dma_start3A_42] : memref<10240x64xf32, #tpu.memory_space<vmem_shared>> -> memref<64x64xf32, #tpu.memory_space<vmem_shared>>
      %dma_start3A_44 = arith.constant 0 : i32
      %dma_start3A_45 = tpu.memref_slice %arg11[%add3A_10, %dma_start3A_44] : memref<10240x64xf32, #tpu.memory_space<vmem_shared>> -> memref<64x64xf32, #tpu.memory_space<vmem_shared>>
      tpu.enqueue_dma source(%arg10 : memref<64x64xf32, #tpu.memory_space<vmem>>) target(%dma_start3A_45 : memref<64x64xf32, #tpu.memory_space<vmem_shared>>) target_semaphore(%run_scoped3A : memref<!tpu.dma_semaphore, #tpu.memory_space<semaphore_mem>>)
      %dma_wait3A = arith.constant 0 : i32
      %dma_wait3A_46 = tpu.memref_slice %arg11[%add3A_10, %dma_wait3A] : memref<10240x64xf32, #tpu.memory_space<vmem_shared>> -> memref<64x64xf32, #tpu.memory_space<vmem_shared>>
      %dma_wait3A_47 = arith.constant 0 : i32
      %dma_wait3A_48 = tpu.memref_slice %arg11[%add3A_10, %dma_wait3A_47] : memref<10240x64xf32, #tpu.memory_space<vmem_shared>> -> memref<64x64xf32, #tpu.memory_space<vmem_shared>>
      tpu.wait_dma2 semaphore(%run_scoped3A : memref<!tpu.dma_semaphore, #tpu.memory_space<semaphore_mem>>) src(%arg10 : memref<64x64xf32, #tpu.memory_space<vmem>>) dst(%dma_wait3A_48 : memref<64x64xf32, #tpu.memory_space<vmem_shared>>)
      tpu.yield
    }) : () -> ()
    %add3A_11 = arith.constant 64 : i32
    %add3A_12 = arith.addi %multiple_of3A, %add3A_11 : i32
    "tpu.region"() ({
      %run_scoped3A = tpu.sem_alloc : memref<!tpu.dma_semaphore, #tpu.memory_space<semaphore_mem>>
      %dma_start3A_42 = arith.constant 0 : i32
      %dma_start3A_43 = tpu.memref_slice %arg11[%add3A_12, %dma_start3A_42] : memref<10240x64xf32, #tpu.memory_space<vmem_shared>> -> memref<64x64xf32, #tpu.memory_space<vmem_shared>>
      %dma_start3A_44 = arith.constant 0 : i32
      %dma_start3A_45 = tpu.memref_slice %arg11[%add3A_12, %dma_start3A_44] : memref<10240x64xf32, #tpu.memory_space<vmem_shared>> -> memref<64x64xf32, #tpu.memory_space<vmem_shared>>
      tpu.enqueue_dma source(%arg10 : memref<64x64xf32, #tpu.memory_space<vmem>>) target(%dma_start3A_45 : memref<64x64xf32, #tpu.memory_space<vmem_shared>>) target_semaphore(%run_scoped3A : memref<!tpu.dma_semaphore, #tpu.memory_space<semaphore_mem>>)
      %dma_wait3A = arith.constant 0 : i32
      %dma_wait3A_46 = tpu.memref_slice %arg11[%add3A_12, %dma_wait3A] : memref<10240x64xf32, #tpu.memory_space<vmem_shared>> -> memref<64x64xf32, #tpu.memory_space<vmem_shared>>
      %dma_wait3A_47 = arith.constant 0 : i32
      %dma_wait3A_48 = tpu.memref_slice %arg11[%add3A_12, %dma_wait3A_47] : memref<10240x64xf32, #tpu.memory_space<vmem_shared>> -> memref<64x64xf32, #tpu.memory_space<vmem_shared>>
      tpu.wait_dma2 semaphore(%run_scoped3A : memref<!tpu.dma_semaphore, #tpu.memory_space<semaphore_mem>>) src(%arg10 : memref<64x64xf32, #tpu.memory_space<vmem>>) dst(%dma_wait3A_48 : memref<64x64xf32, #tpu.memory_space<vmem_shared>>)
      tpu.yield
    }) : () -> ()
    %add3A_13 = arith.constant 128 : i32
    %add3A_14 = arith.addi %multiple_of3A, %add3A_13 : i32
    "tpu.region"() ({
      %run_scoped3A = tpu.sem_alloc : memref<!tpu.dma_semaphore, #tpu.memory_space<semaphore_mem>>
      %dma_start3A_42 = arith.constant 0 : i32
      %dma_start3A_43 = tpu.memref_slice %arg11[%add3A_14, %dma_start3A_42] : memref<10240x64xf32, #tpu.memory_space<vmem_shared>> -> memref<64x64xf32, #tpu.memory_space<vmem_shared>>
      %dma_start3A_44 = arith.constant 0 : i32
      %dma_start3A_45 = tpu.memref_slice %arg11[%add3A_14, %dma_start3A_44] : memref<10240x64xf32, #tpu.memory_space<vmem_shared>> -> memref<64x64xf32, #tpu.memory_space<vmem_shared>>
      tpu.enqueue_dma source(%arg10 : memref<64x64xf32, #tpu.memory_space<vmem>>) target(%dma_start3A_45 : memref<64x64xf32, #tpu.memory_space<vmem_shared>>) target_semaphore(%run_scoped3A : memref<!tpu.dma_semaphore, #tpu.memory_space<semaphore_mem>>)
      %dma_wait3A = arith.constant 0 : i32
      %dma_wait3A_46 = tpu.memref_slice %arg11[%add3A_14, %dma_wait3A] : memref<10240x64xf32, #tpu.memory_space<vmem_shared>> -> memref<64x64xf32, #tpu.memory_space<vmem_shared>>
      %dma_wait3A_47 = arith.constant 0 : i32
      %dma_wait3A_48 = tpu.memref_slice %arg11[%add3A_14, %dma_wait3A_47] : memref<10240x64xf32, #tpu.memory_space<vmem_shared>> -> memref<64x64xf32, #tpu.memory_space<vmem_shared>>
      tpu.wait_dma2 semaphore(%run_scoped3A : memref<!tpu.dma_semaphore, #tpu.memory_space<semaphore_mem>>) src(%arg10 : memref<64x64xf32, #tpu.memory_space<vmem>>) dst(%dma_wait3A_48 : memref<64x64xf32, #tpu.memory_space<vmem_shared>>)
      tpu.yield
    }) : () -> ()
    %add3A_15 = arith.constant 192 : i32
    %add3A_16 = arith.addi %multiple_of3A, %add3A_15 : i32
    "tpu.region"() ({
      %run_scoped3A = tpu.sem_alloc : memref<!tpu.dma_semaphore, #tpu.memory_space<semaphore_mem>>
      %dma_start3A_42 = arith.constant 0 : i32
      %dma_start3A_43 = tpu.memref_slice %arg11[%add3A_16, %dma_start3A_42] : memref<10240x64xf32, #tpu.memory_space<vmem_shared>> -> memref<64x64xf32, #tpu.memory_space<vmem_shared>>
      %dma_start3A_44 = arith.constant 0 : i32
      %dma_start3A_45 = tpu.memref_slice %arg11[%add3A_16, %dma_start3A_44] : memref<10240x64xf32, #tpu.memory_space<vmem_shared>> -> memref<64x64xf32, #tpu.memory_space<vmem_shared>>
      tpu.enqueue_dma source(%arg10 : memref<64x64xf32, #tpu.memory_space<vmem>>) target(%dma_start3A_45 : memref<64x64xf32, #tpu.memory_space<vmem_shared>>) target_semaphore(%run_scoped3A : memref<!tpu.dma_semaphore, #tpu.memory_space<semaphore_mem>>)
      %dma_wait3A = arith.constant 0 : i32
      %dma_wait3A_46 = tpu.memref_slice %arg11[%add3A_16, %dma_wait3A] : memref<10240x64xf32, #tpu.memory_space<vmem_shared>> -> memref<64x64xf32, #tpu.memory_space<vmem_shared>>
      %dma_wait3A_47 = arith.constant 0 : i32
      %dma_wait3A_48 = tpu.memref_slice %arg11[%add3A_16, %dma_wait3A_47] : memref<10240x64xf32, #tpu.memory_space<vmem_shared>> -> memref<64x64xf32, #tpu.memory_space<vmem_shared>>
      tpu.wait_dma2 semaphore(%run_scoped3A : memref<!tpu.dma_semaphore, #tpu.memory_space<semaphore_mem>>) src(%arg10 : memref<64x64xf32, #tpu.memory_space<vmem>>) dst(%dma_wait3A_48 : memref<64x64xf32, #tpu.memory_space<vmem_shared>>)
      tpu.yield
    }) : () -> ()
    %add3A_17 = arith.constant 256 : i32
    %add3A_18 = arith.addi %multiple_of3A, %add3A_17 : i32
    "tpu.region"() ({
      %run_scoped3A = tpu.sem_alloc : memref<!tpu.dma_semaphore, #tpu.memory_space<semaphore_mem>>
      %dma_start3A_42 = arith.constant 0 : i32
      %dma_start3A_43 = tpu.memref_slice %arg11[%add3A_18, %dma_start3A_42] : memref<10240x64xf32, #tpu.memory_space<vmem_shared>> -> memref<64x64xf32, #tpu.memory_space<vmem_shared>>
      %dma_start3A_44 = arith.constant 0 : i32
      %dma_start3A_45 = tpu.memref_slice %arg11[%add3A_18, %dma_start3A_44] : memref<10240x64xf32, #tpu.memory_space<vmem_shared>> -> memref<64x64xf32, #tpu.memory_space<vmem_shared>>
      tpu.enqueue_dma source(%arg10 : memref<64x64xf32, #tpu.memory_space<vmem>>) target(%dma_start3A_45 : memref<64x64xf32, #tpu.memory_space<vmem_shared>>) target_semaphore(%run_scoped3A : memref<!tpu.dma_semaphore, #tpu.memory_space<semaphore_mem>>)
      %dma_wait3A = arith.constant 0 : i32
      %dma_wait3A_46 = tpu.memref_slice %arg11[%add3A_18, %dma_wait3A] : memref<10240x64xf32, #tpu.memory_space<vmem_shared>> -> memref<64x64xf32, #tpu.memory_space<vmem_shared>>
      %dma_wait3A_47 = arith.constant 0 : i32
      %dma_wait3A_48 = tpu.memref_slice %arg11[%add3A_18, %dma_wait3A_47] : memref<10240x64xf32, #tpu.memory_space<vmem_shared>> -> memref<64x64xf32, #tpu.memory_space<vmem_shared>>
      tpu.wait_dma2 semaphore(%run_scoped3A : memref<!tpu.dma_semaphore, #tpu.memory_space<semaphore_mem>>) src(%arg10 : memref<64x64xf32, #tpu.memory_space<vmem>>) dst(%dma_wait3A_48 : memref<64x64xf32, #tpu.memory_space<vmem_shared>>)
      tpu.yield
    }) : () -> ()
    %add3A_19 = arith.constant 320 : i32
    %add3A_20 = arith.addi %multiple_of3A, %add3A_19 : i32
    "tpu.region"() ({
      %run_scoped3A = tpu.sem_alloc : memref<!tpu.dma_semaphore, #tpu.memory_space<semaphore_mem>>
      %dma_start3A_42 = arith.constant 0 : i32
      %dma_start3A_43 = tpu.memref_slice %arg11[%add3A_20, %dma_start3A_42] : memref<10240x64xf32, #tpu.memory_space<vmem_shared>> -> memref<64x64xf32, #tpu.memory_space<vmem_shared>>
      %dma_start3A_44 = arith.constant 0 : i32
      %dma_start3A_45 = tpu.memref_slice %arg11[%add3A_20, %dma_start3A_44] : memref<10240x64xf32, #tpu.memory_space<vmem_shared>> -> memref<64x64xf32, #tpu.memory_space<vmem_shared>>
      tpu.enqueue_dma source(%arg10 : memref<64x64xf32, #tpu.memory_space<vmem>>) target(%dma_start3A_45 : memref<64x64xf32, #tpu.memory_space<vmem_shared>>) target_semaphore(%run_scoped3A : memref<!tpu.dma_semaphore, #tpu.memory_space<semaphore_mem>>)
      %dma_wait3A = arith.constant 0 : i32
      %dma_wait3A_46 = tpu.memref_slice %arg11[%add3A_20, %dma_wait3A] : memref<10240x64xf32, #tpu.memory_space<vmem_shared>> -> memref<64x64xf32, #tpu.memory_space<vmem_shared>>
      %dma_wait3A_47 = arith.constant 0 : i32
      %dma_wait3A_48 = tpu.memref_slice %arg11[%add3A_20, %dma_wait3A_47] : memref<10240x64xf32, #tpu.memory_space<vmem_shared>> -> memref<64x64xf32, #tpu.memory_space<vmem_shared>>
      tpu.wait_dma2 semaphore(%run_scoped3A : memref<!tpu.dma_semaphore, #tpu.memory_space<semaphore_mem>>) src(%arg10 : memref<64x64xf32, #tpu.memory_space<vmem>>) dst(%dma_wait3A_48 : memref<64x64xf32, #tpu.memory_space<vmem_shared>>)
      tpu.yield
    }) : () -> ()
    %add3A_21 = arith.constant 384 : i32
    %add3A_22 = arith.addi %multiple_of3A, %add3A_21 : i32
    "tpu.region"() ({
      %run_scoped3A = tpu.sem_alloc : memref<!tpu.dma_semaphore, #tpu.memory_space<semaphore_mem>>
      %dma_start3A_42 = arith.constant 0 : i32
      %dma_start3A_43 = tpu.memref_slice %arg11[%add3A_22, %dma_start3A_42] : memref<10240x64xf32, #tpu.memory_space<vmem_shared>> -> memref<64x64xf32, #tpu.memory_space<vmem_shared>>
      %dma_start3A_44 = arith.constant 0 : i32
      %dma_start3A_45 = tpu.memref_slice %arg11[%add3A_22, %dma_start3A_44] : memref<10240x64xf32, #tpu.memory_space<vmem_shared>> -> memref<64x64xf32, #tpu.memory_space<vmem_shared>>
      tpu.enqueue_dma source(%arg10 : memref<64x64xf32, #tpu.memory_space<vmem>>) target(%dma_start3A_45 : memref<64x64xf32, #tpu.memory_space<vmem_shared>>) target_semaphore(%run_scoped3A : memref<!tpu.dma_semaphore, #tpu.memory_space<semaphore_mem>>)
      %dma_wait3A = arith.constant 0 : i32
      %dma_wait3A_46 = tpu.memref_slice %arg11[%add3A_22, %dma_wait3A] : memref<10240x64xf32, #tpu.memory_space<vmem_shared>> -> memref<64x64xf32, #tpu.memory_space<vmem_shared>>
      %dma_wait3A_47 = arith.constant 0 : i32
      %dma_wait3A_48 = tpu.memref_slice %arg11[%add3A_22, %dma_wait3A_47] : memref<10240x64xf32, #tpu.memory_space<vmem_shared>> -> memref<64x64xf32, #tpu.memory_space<vmem_shared>>
      tpu.wait_dma2 semaphore(%run_scoped3A : memref<!tpu.dma_semaphore, #tpu.memory_space<semaphore_mem>>) src(%arg10 : memref<64x64xf32, #tpu.memory_space<vmem>>) dst(%dma_wait3A_48 : memref<64x64xf32, #tpu.memory_space<vmem_shared>>)
      tpu.yield
    }) : () -> ()
    %add3A_23 = arith.constant 448 : i32
    %add3A_24 = arith.addi %multiple_of3A, %add3A_23 : i32
    "tpu.region"() ({
      %run_scoped3A = tpu.sem_alloc : memref<!tpu.dma_semaphore, #tpu.memory_space<semaphore_mem>>
      %dma_start3A_42 = arith.constant 0 : i32
      %dma_start3A_43 = tpu.memref_slice %arg11[%add3A_24, %dma_start3A_42] : memref<10240x64xf32, #tpu.memory_space<vmem_shared>> -> memref<64x64xf32, #tpu.memory_space<vmem_shared>>
      %dma_start3A_44 = arith.constant 0 : i32
      %dma_start3A_45 = tpu.memref_slice %arg11[%add3A_24, %dma_start3A_44] : memref<10240x64xf32, #tpu.memory_space<vmem_shared>> -> memref<64x64xf32, #tpu.memory_space<vmem_shared>>
      tpu.enqueue_dma source(%arg10 : memref<64x64xf32, #tpu.memory_space<vmem>>) target(%dma_start3A_45 : memref<64x64xf32, #tpu.memory_space<vmem_shared>>) target_semaphore(%run_scoped3A : memref<!tpu.dma_semaphore, #tpu.memory_space<semaphore_mem>>)
      %dma_wait3A = arith.constant 0 : i32
      %dma_wait3A_46 = tpu.memref_slice %arg11[%add3A_24, %dma_wait3A] : memref<10240x64xf32, #tpu.memory_space<vmem_shared>> -> memref<64x64xf32, #tpu.memory_space<vmem_shared>>
      %dma_wait3A_47 = arith.constant 0 : i32
      %dma_wait3A_48 = tpu.memref_slice %arg11[%add3A_24, %dma_wait3A_47] : memref<10240x64xf32, #tpu.memory_space<vmem_shared>> -> memref<64x64xf32, #tpu.memory_space<vmem_shared>>
      tpu.wait_dma2 semaphore(%run_scoped3A : memref<!tpu.dma_semaphore, #tpu.memory_space<semaphore_mem>>) src(%arg10 : memref<64x64xf32, #tpu.memory_space<vmem>>) dst(%dma_wait3A_48 : memref<64x64xf32, #tpu.memory_space<vmem_shared>>)
      tpu.yield
    }) : () -> ()
    %add3A_25 = arith.constant 512 : i32
    %add3A_26 = arith.addi %multiple_of3A, %add3A_25 : i32
    "tpu.region"() ({
      %run_scoped3A = tpu.sem_alloc : memref<!tpu.dma_semaphore, #tpu.memory_space<semaphore_mem>>
      %dma_start3A_42 = arith.constant 0 : i32
      %dma_start3A_43 = tpu.memref_slice %arg11[%add3A_26, %dma_start3A_42] : memref<10240x64xf32, #tpu.memory_space<vmem_shared>> -> memref<64x64xf32, #tpu.memory_space<vmem_shared>>
      %dma_start3A_44 = arith.constant 0 : i32
      %dma_start3A_45 = tpu.memref_slice %arg11[%add3A_26, %dma_start3A_44] : memref<10240x64xf32, #tpu.memory_space<vmem_shared>> -> memref<64x64xf32, #tpu.memory_space<vmem_shared>>
      tpu.enqueue_dma source(%arg10 : memref<64x64xf32, #tpu.memory_space<vmem>>) target(%dma_start3A_45 : memref<64x64xf32, #tpu.memory_space<vmem_shared>>) target_semaphore(%run_scoped3A : memref<!tpu.dma_semaphore, #tpu.memory_space<semaphore_mem>>)
      %dma_wait3A = arith.constant 0 : i32
      %dma_wait3A_46 = tpu.memref_slice %arg11[%add3A_26, %dma_wait3A] : memref<10240x64xf32, #tpu.memory_space<vmem_shared>> -> memref<64x64xf32, #tpu.memory_space<vmem_shared>>
      %dma_wait3A_47 = arith.constant 0 : i32
      %dma_wait3A_48 = tpu.memref_slice %arg11[%add3A_26, %dma_wait3A_47] : memref<10240x64xf32, #tpu.memory_space<vmem_shared>> -> memref<64x64xf32, #tpu.memory_space<vmem_shared>>
      tpu.wait_dma2 semaphore(%run_scoped3A : memref<!tpu.dma_semaphore, #tpu.memory_space<semaphore_mem>>) src(%arg10 : memref<64x64xf32, #tpu.memory_space<vmem>>) dst(%dma_wait3A_48 : memref<64x64xf32, #tpu.memory_space<vmem_shared>>)
      tpu.yield
    }) : () -> ()
    %add3A_27 = arith.constant 576 : i32
    %add3A_28 = arith.addi %multiple_of3A, %add3A_27 : i32
    "tpu.region"() ({
      %run_scoped3A = tpu.sem_alloc : memref<!tpu.dma_semaphore, #tpu.memory_space<semaphore_mem>>
      %dma_start3A_42 = arith.constant 0 : i32
      %dma_start3A_43 = tpu.memref_slice %arg11[%add3A_28, %dma_start3A_42] : memref<10240x64xf32, #tpu.memory_space<vmem_shared>> -> memref<64x64xf32, #tpu.memory_space<vmem_shared>>
      %dma_start3A_44 = arith.constant 0 : i32
      %dma_start3A_45 = tpu.memref_slice %arg11[%add3A_28, %dma_start3A_44] : memref<10240x64xf32, #tpu.memory_space<vmem_shared>> -> memref<64x64xf32, #tpu.memory_space<vmem_shared>>
      tpu.enqueue_dma source(%arg10 : memref<64x64xf32, #tpu.memory_space<vmem>>) target(%dma_start3A_45 : memref<64x64xf32, #tpu.memory_space<vmem_shared>>) target_semaphore(%run_scoped3A : memref<!tpu.dma_semaphore, #tpu.memory_space<semaphore_mem>>)
      %dma_wait3A = arith.constant 0 : i32
      %dma_wait3A_46 = tpu.memref_slice %arg11[%add3A_28, %dma_wait3A] : memref<10240x64xf32, #tpu.memory_space<vmem_shared>> -> memref<64x64xf32, #tpu.memory_space<vmem_shared>>
      %dma_wait3A_47 = arith.constant 0 : i32
      %dma_wait3A_48 = tpu.memref_slice %arg11[%add3A_28, %dma_wait3A_47] : memref<10240x64xf32, #tpu.memory_space<vmem_shared>> -> memref<64x64xf32, #tpu.memory_space<vmem_shared>>
      tpu.wait_dma2 semaphore(%run_scoped3A : memref<!tpu.dma_semaphore, #tpu.memory_space<semaphore_mem>>) src(%arg10 : memref<64x64xf32, #tpu.memory_space<vmem>>) dst(%dma_wait3A_48 : memref<64x64xf32, #tpu.memory_space<vmem_shared>>)
      tpu.yield
    }) : () -> ()
    "tpu.region"() ({
      %run_scoped3A = tpu.sem_alloc : memref<!tpu.dma_semaphore, #tpu.memory_space<semaphore_mem>>
      %dma_start3A_42 = arith.constant 0 : i32
      %dma_start3A_43 = arith.constant 0 : i32
      %dma_start3A_44 = tpu.memref_slice %arg3[%add3A, %dma_start3A_42, %dma_start3A_43] : memref<32x100x100xi32, #tpu.memory_space<hbm>> -> memref<1x100x100xi32, #tpu.memory_space<hbm>>
      %dma_start3A_45 = tpu.memref_squeeze %dma_start3A_44 : memref<1x100x100xi32, #tpu.memory_space<hbm>> -> memref<100x100xi32, #tpu.memory_space<hbm>>
      %dma_start3A_46 = arith.constant 0 : i32
      %dma_start3A_47 = arith.constant 0 : i32
      %dma_start3A_48 = tpu.memref_slice %arg3[%add3A, %dma_start3A_46, %dma_start3A_47] : memref<32x100x100xi32, #tpu.memory_space<hbm>> -> memref<1x100x100xi32, #tpu.memory_space<hbm>>
      %dma_start3A_49 = tpu.memref_squeeze %dma_start3A_48 : memref<1x100x100xi32, #tpu.memory_space<hbm>> -> memref<100x100xi32, #tpu.memory_space<hbm>>
      tpu.enqueue_dma source(%dma_start3A_49 : memref<100x100xi32, #tpu.memory_space<hbm>>) target(%arg6 : memref<100x100xi32, #tpu.memory_space<vmem>>) target_semaphore(%run_scoped3A : memref<!tpu.dma_semaphore, #tpu.memory_space<semaphore_mem>>)
      %dma_wait3A = arith.constant 0 : i32
      %dma_wait3A_50 = arith.constant 0 : i32
      %dma_wait3A_51 = tpu.memref_slice %arg3[%add3A, %dma_wait3A, %dma_wait3A_50] : memref<32x100x100xi32, #tpu.memory_space<hbm>> -> memref<1x100x100xi32, #tpu.memory_space<hbm>>
      %dma_wait3A_52 = tpu.memref_squeeze %dma_wait3A_51 : memref<1x100x100xi32, #tpu.memory_space<hbm>> -> memref<100x100xi32, #tpu.memory_space<hbm>>
      %dma_wait3A_53 = arith.constant 0 : i32
      %dma_wait3A_54 = arith.constant 0 : i32
      %dma_wait3A_55 = tpu.memref_slice %arg3[%add3A, %dma_wait3A_53, %dma_wait3A_54] : memref<32x100x100xi32, #tpu.memory_space<hbm>> -> memref<1x100x100xi32, #tpu.memory_space<hbm>>
      %dma_wait3A_56 = tpu.memref_squeeze %dma_wait3A_55 : memref<1x100x100xi32, #tpu.memory_space<hbm>> -> memref<100x100xi32, #tpu.memory_space<hbm>>
      tpu.wait_dma2 semaphore(%run_scoped3A : memref<!tpu.dma_semaphore, #tpu.memory_space<semaphore_mem>>) src(%dma_wait3A_56 : memref<100x100xi32, #tpu.memory_space<hbm>>) dst(%arg6 : memref<100x100xi32, #tpu.memory_space<vmem>>)
      tpu.yield
    }) : () -> ()
    "tpu.region"() ({
      %run_scoped3A = tpu.sem_alloc : memref<!tpu.dma_semaphore, #tpu.memory_space<semaphore_mem>>
      %dma_start3A_42 = arith.constant 0 : i32
      %dma_start3A_43 = arith.constant 0 : i32
      %dma_start3A_44 = tpu.memref_slice %arg4[%add3A, %dma_start3A_42, %dma_start3A_43] : memref<32x100x100xi32, #tpu.memory_space<hbm>> -> memref<1x100x100xi32, #tpu.memory_space<hbm>>
      %dma_start3A_45 = tpu.memref_squeeze %dma_start3A_44 : memref<1x100x100xi32, #tpu.memory_space<hbm>> -> memref<100x100xi32, #tpu.memory_space<hbm>>
      %dma_start3A_46 = arith.constant 0 : i32
      %dma_start3A_47 = arith.constant 0 : i32
      %dma_start3A_48 = tpu.memref_slice %arg4[%add3A, %dma_start3A_46, %dma_start3A_47] : memref<32x100x100xi32, #tpu.memory_space<hbm>> -> memref<1x100x100xi32, #tpu.memory_space<hbm>>
      %dma_start3A_49 = tpu.memref_squeeze %dma_start3A_48 : memref<1x100x100xi32, #tpu.memory_space<hbm>> -> memref<100x100xi32, #tpu.memory_space<hbm>>
      tpu.enqueue_dma source(%dma_start3A_49 : memref<100x100xi32, #tpu.memory_space<hbm>>) target(%arg7 : memref<100x100xi32, #tpu.memory_space<vmem>>) target_semaphore(%run_scoped3A : memref<!tpu.dma_semaphore, #tpu.memory_space<semaphore_mem>>)
      %dma_wait3A = arith.constant 0 : i32
      %dma_wait3A_50 = arith.constant 0 : i32
      %dma_wait3A_51 = tpu.memref_slice %arg4[%add3A, %dma_wait3A, %dma_wait3A_50] : memref<32x100x100xi32, #tpu.memory_space<hbm>> -> memref<1x100x100xi32, #tpu.memory_space<hbm>>
      %dma_wait3A_52 = tpu.memref_squeeze %dma_wait3A_51 : memref<1x100x100xi32, #tpu.memory_space<hbm>> -> memref<100x100xi32, #tpu.memory_space<hbm>>
      %dma_wait3A_53 = arith.constant 0 : i32
      %dma_wait3A_54 = arith.constant 0 : i32
      %dma_wait3A_55 = tpu.memref_slice %arg4[%add3A, %dma_wait3A_53, %dma_wait3A_54] : memref<32x100x100xi32, #tpu.memory_space<hbm>> -> memref<1x100x100xi32, #tpu.memory_space<hbm>>
      %dma_wait3A_56 = tpu.memref_squeeze %dma_wait3A_55 : memref<1x100x100xi32, #tpu.memory_space<hbm>> -> memref<100x100xi32, #tpu.memory_space<hbm>>
      tpu.wait_dma2 semaphore(%run_scoped3A : memref<!tpu.dma_semaphore, #tpu.memory_space<semaphore_mem>>) src(%dma_wait3A_56 : memref<100x100xi32, #tpu.memory_space<hbm>>) dst(%arg7 : memref<100x100xi32, #tpu.memory_space<vmem>>)
      tpu.yield
    }) : () -> ()
    %barrier3A = arith.constant 0 : index
    tpu.barrier barrier_id(%barrier3A)
    %dma_start3A = arith.constant 0 : i32
    %dma_start3A_29 = arith.constant 0 : i32
    %dma_start3A_30 = tpu.memref_slice %arg6[%dma_start3A, %dma_start3A_29] : memref<100x100xi32, #tpu.memory_space<vmem>> -> memref<1x100xi32, #tpu.memory_space<vmem>>
    %dma_start3A_31 = tpu.memref_squeeze %dma_start3A_30 : memref<1x100xi32, #tpu.memory_space<vmem>> -> memref<100xi32, #tpu.memory_space<vmem>>
    %dma_start3A_32 = arith.constant 0 : i32
    %dma_start3A_33 = arith.constant 0 : i32
    %dma_start3A_34 = tpu.memref_slice %arg2[%dma_start3A_32, %dma_start3A_33] : memref<10000x64xf32, #tpu.memory_space<hbm>> -> memref<10000x64xf32, #tpu.memory_space<hbm>>
    tpu.enqueue_indirect_dma source(%dma_start3A_34 : memref<10000x64xf32, #tpu.memory_space<hbm>>) target(%arg8 : memref<100x64xf32, #tpu.memory_space<vmem>>) offsets(%dma_start3A_31 : memref<100xi32, #tpu.memory_space<vmem>>) semaphore(%arg12 : memref<!tpu.dma_semaphore, #tpu.memory_space<semaphore_mem>>)
    %scan3A_35 = arith.constant 0 : i32
    %scan3A_36 = arith.constant 0 : i32
    %scan3A_37 = arith.constant 50 : i32
    %scan3A_38 = arith.addi %scan3A_36, %scan3A_37 : i32
    %scan3A_39 = arith.constant 1 : i32
    scf.for %scan3A_42 = %scan3A_36 to %scan3A_38 step %scan3A_39  : i32 {
      %mul3A_43 = arith.constant 2 : i32
      %mul3A_44 = arith.muli %scan3A_42, %mul3A_43 : i32
      %dma_wait3A = arith.constant 0 : i32
      %dma_wait3A_45 = tpu.memref_slice %arg6[%mul3A_44, %dma_wait3A] : memref<100x100xi32, #tpu.memory_space<vmem>> -> memref<1x100xi32, #tpu.memory_space<vmem>>
      %dma_wait3A_46 = tpu.memref_squeeze %dma_wait3A_45 : memref<1x100xi32, #tpu.memory_space<vmem>> -> memref<100xi32, #tpu.memory_space<vmem>>
      %dma_wait3A_47 = arith.constant 0 : i32
      %dma_wait3A_48 = arith.constant 0 : i32
      %dma_wait3A_49 = tpu.memref_slice %arg2[%dma_wait3A_47, %dma_wait3A_48] : memref<10000x64xf32, #tpu.memory_space<hbm>> -> memref<10000x64xf32, #tpu.memory_space<hbm>>
      tpu.wait_indirect_dma semaphore(%arg12 : memref<!tpu.dma_semaphore, #tpu.memory_space<semaphore_mem>>) src(%dma_wait3A_49 : memref<10000x64xf32, #tpu.memory_space<hbm>>) dst(%arg8 : memref<100x64xf32, #tpu.memory_space<vmem>>)
      %add3A_50 = arith.constant 1 : i32
      %add3A_51 = arith.addi %mul3A_44, %add3A_50 : i32
      %dma_start3A_52 = arith.constant 0 : i32
      %dma_start3A_53 = tpu.memref_slice %arg6[%add3A_51, %dma_start3A_52] : memref<100x100xi32, #tpu.memory_space<vmem>> -> memref<1x100xi32, #tpu.memory_space<vmem>>
      %dma_start3A_54 = tpu.memref_squeeze %dma_start3A_53 : memref<1x100xi32, #tpu.memory_space<vmem>> -> memref<100xi32, #tpu.memory_space<vmem>>
      %dma_start3A_55 = arith.constant 0 : i32
      %dma_start3A_56 = arith.constant 0 : i32
      %dma_start3A_57 = tpu.memref_slice %arg2[%dma_start3A_55, %dma_start3A_56] : memref<10000x64xf32, #tpu.memory_space<hbm>> -> memref<10000x64xf32, #tpu.memory_space<hbm>>
      tpu.enqueue_indirect_dma source(%dma_start3A_57 : memref<10000x64xf32, #tpu.memory_space<hbm>>) target(%arg9 : memref<100x64xf32, #tpu.memory_space<vmem>>) offsets(%dma_start3A_54 : memref<100xi32, #tpu.memory_space<vmem>>) semaphore(%arg13 : memref<!tpu.dma_semaphore, #tpu.memory_space<semaphore_mem>>)
      "tpu.region"() ({
        %run_scoped3A = tpu.sem_alloc : memref<!tpu.dma_semaphore, #tpu.memory_space<semaphore_mem>>
        %dma_start3A_72 = arith.constant 0 : i32
        %dma_start3A_73 = tpu.memref_slice %arg7[%mul3A_44, %dma_start3A_72] : memref<100x100xi32, #tpu.memory_space<vmem>> -> memref<1x100xi32, #tpu.memory_space<vmem>>
        %dma_start3A_74 = tpu.memref_squeeze %dma_start3A_73 : memref<1x100xi32, #tpu.memory_space<vmem>> -> memref<100xi32, #tpu.memory_space<vmem>>
        %dma_start3A_75 = arith.constant 0 : i32
        %dma_start3A_76 = arith.constant 0 : i32
        %dma_start3A_77 = tpu.memref_slice %arg11[%dma_start3A_75, %dma_start3A_76] : memref<10240x64xf32, #tpu.memory_space<vmem_shared>> -> memref<10240x64xf32, #tpu.memory_space<vmem_shared>>
        tpu.enqueue_indirect_dma source(%arg8 : memref<100x64xf32, #tpu.memory_space<vmem>>) target(%dma_start3A_77 : memref<10240x64xf32, #tpu.memory_space<vmem_shared>>) offsets(%dma_start3A_74 : memref<100xi32, #tpu.memory_space<vmem>>) semaphore(%run_scoped3A : memref<!tpu.dma_semaphore, #tpu.memory_space<semaphore_mem>>) {add = true}
        %dma_wait3A_78 = arith.constant 0 : i32
        %dma_wait3A_79 = tpu.memref_slice %arg7[%mul3A_44, %dma_wait3A_78] : memref<100x100xi32, #tpu.memory_space<vmem>> -> memref<1x100xi32, #tpu.memory_space<vmem>>
        %dma_wait3A_80 = tpu.memref_squeeze %dma_wait3A_79 : memref<1x100xi32, #tpu.memory_space<vmem>> -> memref<100xi32, #tpu.memory_space<vmem>>
        %dma_wait3A_81 = arith.constant 0 : i32
        %dma_wait3A_82 = arith.constant 0 : i32
        %dma_wait3A_83 = tpu.memref_slice %arg11[%dma_wait3A_81, %dma_wait3A_82] : memref<10240x64xf32, #tpu.memory_space<vmem_shared>> -> memref<10240x64xf32, #tpu.memory_space<vmem_shared>>
        tpu.wait_indirect_dma semaphore(%run_scoped3A : memref<!tpu.dma_semaphore, #tpu.memory_space<semaphore_mem>>) src(%arg8 : memref<100x64xf32, #tpu.memory_space<vmem>>) dst(%dma_wait3A_83 : memref<10240x64xf32, #tpu.memory_space<vmem_shared>>)
        tpu.yield
      }) : () -> ()
      %add3A_58 = arith.constant 1 : i32
      %add3A_59 = arith.addi %mul3A_44, %add3A_58 : i32
      %dma_wait3A_60 = arith.constant 0 : i32
      %dma_wait3A_61 = tpu.memref_slice %arg6[%add3A_59, %dma_wait3A_60] : memref<100x100xi32, #tpu.memory_space<vmem>> -> memref<1x100xi32, #tpu.memory_space<vmem>>
      %dma_wait3A_62 = tpu.memref_squeeze %dma_wait3A_61 : memref<1x100xi32, #tpu.memory_space<vmem>> -> memref<100xi32, #tpu.memory_space<vmem>>
      %dma_wait3A_63 = arith.constant 0 : i32
      %dma_wait3A_64 = arith.constant 0 : i32
      %dma_wait3A_65 = tpu.memref_slice %arg2[%dma_wait3A_63, %dma_wait3A_64] : memref<10000x64xf32, #tpu.memory_space<hbm>> -> memref<10000x64xf32, #tpu.memory_space<hbm>>
      tpu.wait_indirect_dma semaphore(%arg13 : memref<!tpu.dma_semaphore, #tpu.memory_space<semaphore_mem>>) src(%dma_wait3A_65 : memref<10000x64xf32, #tpu.memory_space<hbm>>) dst(%arg9 : memref<100x64xf32, #tpu.memory_space<vmem>>)
      %add3A_66 = arith.constant 1 : i32
      %add3A_67 = arith.addi %scan3A_42, %add3A_66 : i32
      %lt3A = arith.constant 50 : i32
      %lt3A_68 = arith.cmpi slt, %add3A_67, %lt3A : i32
      %convert_element_type3A = arith.extui %lt3A_68 : i1 to i32
      %cond3A = arith.constant 0 : i32
      %cond3A_69 = arith.cmpi ne, %convert_element_type3A, %cond3A : i32
      scf.if %cond3A_69 {
        %add3A_72 = arith.constant 2 : i32
        %add3A_73 = arith.addi %mul3A_44, %add3A_72 : i32
        %dma_start3A_74 = arith.constant 0 : i32
        %dma_start3A_75 = tpu.memref_slice %arg6[%add3A_73, %dma_start3A_74] : memref<100x100xi32, #tpu.memory_space<vmem>> -> memref<1x100xi32, #tpu.memory_space<vmem>>
        %dma_start3A_76 = tpu.memref_squeeze %dma_start3A_75 : memref<1x100xi32, #tpu.memory_space<vmem>> -> memref<100xi32, #tpu.memory_space<vmem>>
        %dma_start3A_77 = arith.constant 0 : i32
        %dma_start3A_78 = arith.constant 0 : i32
        %dma_start3A_79 = tpu.memref_slice %arg2[%dma_start3A_77, %dma_start3A_78] : memref<10000x64xf32, #tpu.memory_space<hbm>> -> memref<10000x64xf32, #tpu.memory_space<hbm>>
        tpu.enqueue_indirect_dma source(%dma_start3A_79 : memref<10000x64xf32, #tpu.memory_space<hbm>>) target(%arg8 : memref<100x64xf32, #tpu.memory_space<vmem>>) offsets(%dma_start3A_76 : memref<100xi32, #tpu.memory_space<vmem>>) semaphore(%arg12 : memref<!tpu.dma_semaphore, #tpu.memory_space<semaphore_mem>>)
      } else {
      }
      %add3A_70 = arith.constant 1 : i32
      %add3A_71 = arith.addi %mul3A_44, %add3A_70 : i32
      "tpu.region"() ({
        %run_scoped3A = tpu.sem_alloc : memref<!tpu.dma_semaphore, #tpu.memory_space<semaphore_mem>>
        %dma_start3A_72 = arith.constant 0 : i32
        %dma_start3A_73 = tpu.memref_slice %arg7[%add3A_71, %dma_start3A_72] : memref<100x100xi32, #tpu.memory_space<vmem>> -> memref<1x100xi32, #tpu.memory_space<vmem>>
        %dma_start3A_74 = tpu.memref_squeeze %dma_start3A_73 : memref<1x100xi32, #tpu.memory_space<vmem>> -> memref<100xi32, #tpu.memory_space<vmem>>
        %dma_start3A_75 = arith.constant 0 : i32
        %dma_start3A_76 = arith.constant 0 : i32
        %dma_start3A_77 = tpu.memref_slice %arg11[%dma_start3A_75, %dma_start3A_76] : memref<10240x64xf32, #tpu.memory_space<vmem_shared>> -> memref<10240x64xf32, #tpu.memory_space<vmem_shared>>
        tpu.enqueue_indirect_dma source(%arg9 : memref<100x64xf32, #tpu.memory_space<vmem>>) target(%dma_start3A_77 : memref<10240x64xf32, #tpu.memory_space<vmem_shared>>) offsets(%dma_start3A_74 : memref<100xi32, #tpu.memory_space<vmem>>) semaphore(%run_scoped3A : memref<!tpu.dma_semaphore, #tpu.memory_space<semaphore_mem>>) {add = true}
        %dma_wait3A_78 = arith.constant 0 : i32
        %dma_wait3A_79 = tpu.memref_slice %arg7[%add3A_71, %dma_wait3A_78] : memref<100x100xi32, #tpu.memory_space<vmem>> -> memref<1x100xi32, #tpu.memory_space<vmem>>
        %dma_wait3A_80 = tpu.memref_squeeze %dma_wait3A_79 : memref<1x100xi32, #tpu.memory_space<vmem>> -> memref<100xi32, #tpu.memory_space<vmem>>
        %dma_wait3A_81 = arith.constant 0 : i32
        %dma_wait3A_82 = arith.constant 0 : i32
        %dma_wait3A_83 = tpu.memref_slice %arg11[%dma_wait3A_81, %dma_wait3A_82] : memref<10240x64xf32, #tpu.memory_space<vmem_shared>> -> memref<10240x64xf32, #tpu.memory_space<vmem_shared>>
        tpu.wait_indirect_dma semaphore(%run_scoped3A : memref<!tpu.dma_semaphore, #tpu.memory_space<semaphore_mem>>) src(%arg9 : memref<100x64xf32, #tpu.memory_space<vmem>>) dst(%dma_wait3A_83 : memref<10240x64xf32, #tpu.memory_space<vmem_shared>>)
        tpu.yield
      }) : () -> ()
    }
    %scan3A_40 = arith.constant 50 : i32
    %barrier3A_41 = arith.constant 0 : index
    tpu.barrier barrier_id(%barrier3A_41)
    "tpu.region"() ({
      %run_scoped3A = tpu.sem_alloc : memref<!tpu.dma_semaphore, #tpu.memory_space<semaphore_mem>>
      %dma_start3A_42 = arith.constant 0 : i32
      %dma_start3A_43 = tpu.memref_slice %arg5[%arg0, %multiple_of3A, %dma_start3A_42] : memref<2x10240x64xf32, #tpu.memory_space<hbm>> -> memref<1x640x64xf32, #tpu.memory_space<hbm>>
      %dma_start3A_44 = tpu.memref_squeeze %dma_start3A_43 : memref<1x640x64xf32, #tpu.memory_space<hbm>> -> memref<640x64xf32, #tpu.memory_space<hbm>>
      %dma_start3A_45 = arith.constant 0 : i32
      %dma_start3A_46 = tpu.memref_slice %arg11[%multiple_of3A, %dma_start3A_45] : memref<10240x64xf32, #tpu.memory_space<vmem_shared>> -> memref<640x64xf32, #tpu.memory_space<vmem_shared>>
      tpu.enqueue_dma source(%dma_start3A_46 : memref<640x64xf32, #tpu.memory_space<vmem_shared>>) target(%dma_start3A_44 : memref<640x64xf32, #tpu.memory_space<hbm>>) target_semaphore(%run_scoped3A : memref<!tpu.dma_semaphore, #tpu.memory_space<semaphore_mem>>)
      %dma_wait3A = arith.constant 0 : i32
      %dma_wait3A_47 = tpu.memref_slice %arg5[%arg0, %multiple_of3A, %dma_wait3A] : memref<2x10240x64xf32, #tpu.memory_space<hbm>> -> memref<1x640x64xf32, #tpu.memory_space<hbm>>
      %dma_wait3A_48 = tpu.memref_squeeze %dma_wait3A_47 : memref<1x640x64xf32, #tpu.memory_space<hbm>> -> memref<640x64xf32, #tpu.memory_space<hbm>>
      %dma_wait3A_49 = arith.constant 0 : i32
      %dma_wait3A_50 = tpu.memref_slice %arg11[%multiple_of3A, %dma_wait3A_49] : memref<10240x64xf32, #tpu.memory_space<vmem_shared>> -> memref<640x64xf32, #tpu.memory_space<vmem_shared>>
      tpu.wait_dma2 semaphore(%run_scoped3A : memref<!tpu.dma_semaphore, #tpu.memory_space<semaphore_mem>>) src(%dma_wait3A_50 : memref<640x64xf32, #tpu.memory_space<vmem_shared>>) dst(%dma_wait3A_48 : memref<640x64xf32, #tpu.memory_space<hbm>>)
      tpu.yield
    }) : () -> ()
    return
  }
}

module attributes {stable_mosaic.version = 14 : i64} {
  func.func @_tc_first_body(%arg0: i32, %arg1: memref<1000x128xf32, #tpu.memory_space<vmem>>, %arg2: memref<128x128xf32, #tpu.memory_space<vmem>>, %arg3: memref<2x1000x16xf32, #tpu.memory_space<vmem>>, %arg4: memref<1000x128xf32, #tpu.memory_space<vmem>>, %arg5: memref<1000x1xf32, #tpu.memory_space<vmem>>) attributes {dimension_semantics = [#tpu.dimension_semantics<arbitrary>], iteration_bounds = array<i64: 10>, scalar_prefetch = 0 : i64, scratch_operands = 0 : i64, tpu.core_type = #tpu.core_type<tc>, window_params = [{transform_indices = @transform_0, window_bounds = array<i64: 1000, 128>}, {pipeline_mode = #tpu.pipeline_mode<synchronous>, transform_indices = @transform_1, window_bounds = array<i64: 128, 128>}, {transform_indices = @transform_2, window_bounds = array<i64: 2, 1000, 16>}, {transform_indices = @transform_3, window_bounds = array<i64: 1000, 128>}, {transform_indices = @transform_4, window_bounds = array<i64: 1000, 1>}]} {
    %get3A = arith.constant 0 : index
    %get3A_0 = arith.constant 0 : index
    %get3A_1 = arith.constant 0 : index
    %get3A_2 = vector.load %arg3[%get3A, %get3A_0, %get3A_1] : memref<2x1000x16xf32, #tpu.memory_space<vmem>>, vector<1x1000x1xf32>
    %get3A_3 = vector.shape_cast %get3A_2 : vector<1x1000x1xf32> to vector<1000x1xf32>
    %get3A_4 = arith.constant 1 : index
    %get3A_5 = arith.constant 0 : index
    %get3A_6 = arith.constant 0 : index
    %get3A_7 = vector.load %arg3[%get3A_4, %get3A_5, %get3A_6] : memref<2x1000x16xf32, #tpu.memory_space<vmem>>, vector<1x1000x1xf32>
    %get3A_8 = vector.shape_cast %get3A_7 : vector<1x1000x1xf32> to vector<1000x1xf32>
    %add3A = arith.addf %get3A_3, %get3A_8 : vector<1000x1xf32>
    %add3A_9 = arith.constant 1.000000e+00 : f32
    %add3A_10 = vector.broadcast %add3A_9 : f32 to vector<1000x1xf32>
    %add3A_11 = arith.addf %add3A, %add3A_10 : vector<1000x1xf32>
    %rsqrt3A = math.rsqrt %add3A_11 : vector<1000x1xf32>
    %get3A_12 = arith.constant 0 : index
    %get3A_13 = arith.constant 0 : index
    %get3A_14 = vector.load %arg1[%get3A_12, %get3A_13] : memref<1000x128xf32, #tpu.memory_space<vmem>>, vector<1000x128xf32>
    %get3A_15 = arith.constant 0 : index
    %get3A_16 = arith.constant 0 : index
    %get3A_17 = vector.load %arg2[%get3A_15, %get3A_16] : memref<128x128xf32, #tpu.memory_space<vmem>>, vector<128x128xf32>
    %dot_general3A = arith.constant dense<0.000000e+00> : vector<1000x128xf32>
    %dot_general3A_18 = tpu.matmul %get3A_14, %get3A_17, %dot_general3A {dimension_numbers = #tpu.dot_dimension_numbers<[1], [0], [0], [1], [0, 0, 1, 1], [], []>, transpose_lhs_hint = false} : vector<1000x128xf32>, vector<128x128xf32>, vector<1000x128xf32> -> vector<1000x128xf32>
    %mul3A = vector.broadcast %rsqrt3A : vector<1000x1xf32> to vector<1000x128xf32>
    %mul3A_19 = arith.mulf %dot_general3A_18, %mul3A : vector<1000x128xf32>
    %swap3A = arith.constant 0 : index
    %swap3A_20 = arith.constant 0 : index
    %swap3A_21 = vector.load %arg4[%swap3A, %swap3A_20] : memref<1000x128xf32, #tpu.memory_space<vmem>>, vector<1000x128xf32>
    tpu.vector_store %arg4[%swap3A, %swap3A_20], %mul3A_19 {strides = array<i32>} : memref<1000x128xf32, #tpu.memory_space<vmem>>, vector<1000x128xf32>,
    %swap3A_22 = arith.constant 0 : index
    %swap3A_23 = arith.constant 0 : index
    %swap3A_24 = vector.load %arg5[%swap3A_22, %swap3A_23] : memref<1000x1xf32, #tpu.memory_space<vmem>>, vector<1000x1xf32>
    tpu.vector_store %arg5[%swap3A_22, %swap3A_23], %rsqrt3A {strides = array<i32>} : memref<1000x1xf32, #tpu.memory_space<vmem>>, vector<1000x1xf32>,
    return
  }
  func.func @transform_0(%arg0: i32) -> (i32, i32) {
    %c0_i32 = arith.constant 0 : i32
    %c0_i32_0 = arith.constant 0 : i32
    return %arg0, %c0_i32 : i32, i32
  }
  func.func @transform_1(%arg0: i32) -> (i32, i32) {
    %c0_i32 = arith.constant 0 : i32
    %c0_i32_0 = arith.constant 0 : i32
    %c0_i32_1 = arith.constant 0 : i32
    return %c0_i32, %c0_i32_0 : i32, i32
  }
  func.func @transform_2(%arg0: i32) -> (i32, i32, i32) {
    %c0_i32 = arith.constant 0 : i32
    %c0_i32_0 = arith.constant 0 : i32
    %c0_i32_1 = arith.constant 0 : i32
    return %c0_i32, %arg0, %c0_i32_0 : i32, i32, i32
  }
  func.func @transform_3(%arg0: i32) -> (i32, i32) {
    %c0_i32 = arith.constant 0 : i32
    %c0_i32_0 = arith.constant 0 : i32
    return %arg0, %c0_i32 : i32, i32
  }
  func.func @transform_4(%arg0: i32) -> (i32, i32) {
    %c0_i32 = arith.constant 0 : i32
    %c0_i32_0 = arith.constant 0 : i32
    return %arg0, %c0_i32 : i32, i32
  }
}

module attributes {stable_mosaic.version = 14 : i64} {
  func.func @_tc_mid_body(%arg0: i32, %arg1: memref<2x1000x128xf32, #tpu.memory_space<vmem>>, %arg2: memref<1000x128xf32, #tpu.memory_space<vmem>>, %arg3: memref<1000x1xf32, #tpu.memory_space<vmem>>, %arg4: memref<1x128xf32, #tpu.memory_space<vmem>>, %arg5: memref<128x64xf32, #tpu.memory_space<vmem>>, %arg6: memref<1000x64xf32, #tpu.memory_space<vmem>>) attributes {dimension_semantics = [#tpu.dimension_semantics<arbitrary>], iteration_bounds = array<i64: 10>, scalar_prefetch = 0 : i64, scratch_operands = 0 : i64, tpu.core_type = #tpu.core_type<tc>, window_params = [{transform_indices = @transform_0, window_bounds = array<i64: 2, 1000, 128>}, {transform_indices = @transform_1, window_bounds = array<i64: 1000, 128>}, {transform_indices = @transform_2, window_bounds = array<i64: 1000, 1>}, {pipeline_mode = #tpu.pipeline_mode<synchronous>, transform_indices = @transform_3, window_bounds = array<i64: 1, 128>}, {pipeline_mode = #tpu.pipeline_mode<synchronous>, transform_indices = @transform_4, window_bounds = array<i64: 128, 64>}, {transform_indices = @transform_5, window_bounds = array<i64: 1000, 64>}]} {
    %get3A = arith.constant 0 : index
    %get3A_0 = arith.constant 0 : index
    %get3A_1 = vector.load %arg3[%get3A, %get3A_0] : memref<1000x1xf32, #tpu.memory_space<vmem>>, vector<1000x1xf32>
    %get3A_2 = arith.constant 0 : index
    %get3A_3 = arith.constant 0 : index
    %get3A_4 = arith.constant 0 : index
    %get3A_5 = vector.load %arg1[%get3A_2, %get3A_3, %get3A_4] : memref<2x1000x128xf32, #tpu.memory_space<vmem>>, vector<1x1000x128xf32>
    %get3A_6 = vector.shape_cast %get3A_5 : vector<1x1000x128xf32> to vector<1000x128xf32>
    %get3A_7 = arith.constant 1 : index
    %get3A_8 = arith.constant 0 : index
    %get3A_9 = arith.constant 0 : index
    %get3A_10 = vector.load %arg1[%get3A_7, %get3A_8, %get3A_9] : memref<2x1000x128xf32, #tpu.memory_space<vmem>>, vector<1x1000x128xf32>
    %get3A_11 = vector.shape_cast %get3A_10 : vector<1x1000x128xf32> to vector<1000x128xf32>
    %add3A = arith.addf %get3A_6, %get3A_11 : vector<1000x128xf32>
    %get3A_12 = arith.constant 0 : index
    %get3A_13 = arith.constant 0 : index
    %get3A_14 = vector.load %arg2[%get3A_12, %get3A_13] : memref<1000x128xf32, #tpu.memory_space<vmem>>, vector<1000x128xf32>
    %add3A_15 = arith.addf %add3A, %get3A_14 : vector<1000x128xf32>
    %mul3A = vector.broadcast %get3A_1 : vector<1000x1xf32> to vector<1000x128xf32>
    %mul3A_16 = arith.mulf %add3A_15, %mul3A : vector<1000x128xf32>
    %get3A_17 = arith.constant 0 : index
    %get3A_18 = arith.constant 0 : index
    %get3A_19 = vector.load %arg4[%get3A_17, %get3A_18] : memref<1x128xf32, #tpu.memory_space<vmem>>, vector<1x128xf32>
    %add3A_20 = vector.broadcast %get3A_19 : vector<1x128xf32> to vector<1000x128xf32>
    %add3A_21 = arith.addf %mul3A_16, %add3A_20 : vector<1000x128xf32>
    %max3A = arith.constant 0.000000e+00 : f32
    %max3A_22 = vector.broadcast %max3A : f32 to vector<1000x128xf32>
    %max3A_23 = arith.maximumf %add3A_21, %max3A_22 : vector<1000x128xf32>
    %get3A_24 = arith.constant 0 : index
    %get3A_25 = arith.constant 0 : index
    %get3A_26 = vector.load %arg5[%get3A_24, %get3A_25] : memref<128x64xf32, #tpu.memory_space<vmem>>, vector<128x64xf32>
    %dot_general3A = arith.constant dense<0.000000e+00> : vector<1000x64xf32>
    %dot_general3A_27 = tpu.matmul %max3A_23, %get3A_26, %dot_general3A {dimension_numbers = #tpu.dot_dimension_numbers<[1], [0], [0], [1], [0, 0, 1, 1], [], []>, transpose_lhs_hint = false} : vector<1000x128xf32>, vector<128x64xf32>, vector<1000x64xf32> -> vector<1000x64xf32>
    %mul3A_28 = vector.broadcast %get3A_1 : vector<1000x1xf32> to vector<1000x64xf32>
    %mul3A_29 = arith.mulf %dot_general3A_27, %mul3A_28 : vector<1000x64xf32>
    %swap3A = arith.constant 0 : index
    %swap3A_30 = arith.constant 0 : index
    %swap3A_31 = vector.load %arg6[%swap3A, %swap3A_30] : memref<1000x64xf32, #tpu.memory_space<vmem>>, vector<1000x64xf32>
    tpu.vector_store %arg6[%swap3A, %swap3A_30], %mul3A_29 {strides = array<i32>} : memref<1000x64xf32, #tpu.memory_space<vmem>>, vector<1000x64xf32>,
    return
  }
  func.func @transform_0(%arg0: i32) -> (i32, i32, i32) {
    %c0_i32 = arith.constant 0 : i32
    %c0_i32_0 = arith.constant 0 : i32
    %c0_i32_1 = arith.constant 0 : i32
    return %c0_i32, %arg0, %c0_i32_0 : i32, i32, i32
  }
  func.func @transform_1(%arg0: i32) -> (i32, i32) {
    %c0_i32 = arith.constant 0 : i32
    %c0_i32_0 = arith.constant 0 : i32
    return %arg0, %c0_i32 : i32, i32
  }
  func.func @transform_2(%arg0: i32) -> (i32, i32) {
    %c0_i32 = arith.constant 0 : i32
    %c0_i32_0 = arith.constant 0 : i32
    return %arg0, %c0_i32 : i32, i32
  }
  func.func @transform_3(%arg0: i32) -> (i32, i32) {
    %c0_i32 = arith.constant 0 : i32
    %c0_i32_0 = arith.constant 0 : i32
    %c0_i32_1 = arith.constant 0 : i32
    return %c0_i32, %c0_i32_0 : i32, i32
  }
  func.func @transform_4(%arg0: i32) -> (i32, i32) {
    %c0_i32 = arith.constant 0 : i32
    %c0_i32_0 = arith.constant 0 : i32
    %c0_i32_1 = arith.constant 0 : i32
    return %c0_i32, %c0_i32_0 : i32, i32
  }
  func.func @transform_5(%arg0: i32) -> (i32, i32) {
    %c0_i32 = arith.constant 0 : i32
    %c0_i32_0 = arith.constant 0 : i32
    return %arg0, %c0_i32 : i32, i32
  }
}

module attributes {stable_mosaic.version = 14 : i64} {
  func.func @_tc_mid_body(%arg0: i32, %arg1: memref<2x1000x64xf32, #tpu.memory_space<vmem>>, %arg2: memref<1000x64xf32, #tpu.memory_space<vmem>>, %arg3: memref<1000x1xf32, #tpu.memory_space<vmem>>, %arg4: memref<1x64xf32, #tpu.memory_space<vmem>>, %arg5: memref<64x32xf32, #tpu.memory_space<vmem>>, %arg6: memref<1000x32xf32, #tpu.memory_space<vmem>>) attributes {dimension_semantics = [#tpu.dimension_semantics<arbitrary>], iteration_bounds = array<i64: 10>, scalar_prefetch = 0 : i64, scratch_operands = 0 : i64, tpu.core_type = #tpu.core_type<tc>, window_params = [{transform_indices = @transform_0, window_bounds = array<i64: 2, 1000, 64>}, {transform_indices = @transform_1, window_bounds = array<i64: 1000, 64>}, {transform_indices = @transform_2, window_bounds = array<i64: 1000, 1>}, {pipeline_mode = #tpu.pipeline_mode<synchronous>, transform_indices = @transform_3, window_bounds = array<i64: 1, 64>}, {pipeline_mode = #tpu.pipeline_mode<synchronous>, transform_indices = @transform_4, window_bounds = array<i64: 64, 32>}, {transform_indices = @transform_5, window_bounds = array<i64: 1000, 32>}]} {
    %get3A = arith.constant 0 : index
    %get3A_0 = arith.constant 0 : index
    %get3A_1 = vector.load %arg3[%get3A, %get3A_0] : memref<1000x1xf32, #tpu.memory_space<vmem>>, vector<1000x1xf32>
    %get3A_2 = arith.constant 0 : index
    %get3A_3 = arith.constant 0 : index
    %get3A_4 = arith.constant 0 : index
    %get3A_5 = vector.load %arg1[%get3A_2, %get3A_3, %get3A_4] : memref<2x1000x64xf32, #tpu.memory_space<vmem>>, vector<1x1000x64xf32>
    %get3A_6 = vector.shape_cast %get3A_5 : vector<1x1000x64xf32> to vector<1000x64xf32>
    %get3A_7 = arith.constant 1 : index
    %get3A_8 = arith.constant 0 : index
    %get3A_9 = arith.constant 0 : index
    %get3A_10 = vector.load %arg1[%get3A_7, %get3A_8, %get3A_9] : memref<2x1000x64xf32, #tpu.memory_space<vmem>>, vector<1x1000x64xf32>
    %get3A_11 = vector.shape_cast %get3A_10 : vector<1x1000x64xf32> to vector<1000x64xf32>
    %add3A = arith.addf %get3A_6, %get3A_11 : vector<1000x64xf32>
    %get3A_12 = arith.constant 0 : index
    %get3A_13 = arith.constant 0 : index
    %get3A_14 = vector.load %arg2[%get3A_12, %get3A_13] : memref<1000x64xf32, #tpu.memory_space<vmem>>, vector<1000x64xf32>
    %add3A_15 = arith.addf %add3A, %get3A_14 : vector<1000x64xf32>
    %mul3A = vector.broadcast %get3A_1 : vector<1000x1xf32> to vector<1000x64xf32>
    %mul3A_16 = arith.mulf %add3A_15, %mul3A : vector<1000x64xf32>
    %get3A_17 = arith.constant 0 : index
    %get3A_18 = arith.constant 0 : index
    %get3A_19 = vector.load %arg4[%get3A_17, %get3A_18] : memref<1x64xf32, #tpu.memory_space<vmem>>, vector<1x64xf32>
    %add3A_20 = vector.broadcast %get3A_19 : vector<1x64xf32> to vector<1000x64xf32>
    %add3A_21 = arith.addf %mul3A_16, %add3A_20 : vector<1000x64xf32>
    %max3A = arith.constant 0.000000e+00 : f32
    %max3A_22 = vector.broadcast %max3A : f32 to vector<1000x64xf32>
    %max3A_23 = arith.maximumf %add3A_21, %max3A_22 : vector<1000x64xf32>
    %get3A_24 = arith.constant 0 : index
    %get3A_25 = arith.constant 0 : index
    %get3A_26 = vector.load %arg5[%get3A_24, %get3A_25] : memref<64x32xf32, #tpu.memory_space<vmem>>, vector<64x32xf32>
    %dot_general3A = arith.constant dense<0.000000e+00> : vector<1000x32xf32>
    %dot_general3A_27 = tpu.matmul %max3A_23, %get3A_26, %dot_general3A {dimension_numbers = #tpu.dot_dimension_numbers<[1], [0], [0], [1], [0, 0, 1, 1], [], []>, transpose_lhs_hint = false} : vector<1000x64xf32>, vector<64x32xf32>, vector<1000x32xf32> -> vector<1000x32xf32>
    %mul3A_28 = vector.broadcast %get3A_1 : vector<1000x1xf32> to vector<1000x32xf32>
    %mul3A_29 = arith.mulf %dot_general3A_27, %mul3A_28 : vector<1000x32xf32>
    %swap3A = arith.constant 0 : index
    %swap3A_30 = arith.constant 0 : index
    %swap3A_31 = vector.load %arg6[%swap3A, %swap3A_30] : memref<1000x32xf32, #tpu.memory_space<vmem>>, vector<1000x32xf32>
    tpu.vector_store %arg6[%swap3A, %swap3A_30], %mul3A_29 {strides = array<i32>} : memref<1000x32xf32, #tpu.memory_space<vmem>>, vector<1000x32xf32>,
    return
  }
  func.func @transform_0(%arg0: i32) -> (i32, i32, i32) {
    %c0_i32 = arith.constant 0 : i32
    %c0_i32_0 = arith.constant 0 : i32
    %c0_i32_1 = arith.constant 0 : i32
    return %c0_i32, %arg0, %c0_i32_0 : i32, i32, i32
  }
  func.func @transform_1(%arg0: i32) -> (i32, i32) {
    %c0_i32 = arith.constant 0 : i32
    %c0_i32_0 = arith.constant 0 : i32
    return %arg0, %c0_i32 : i32, i32
  }
  func.func @transform_2(%arg0: i32) -> (i32, i32) {
    %c0_i32 = arith.constant 0 : i32
    %c0_i32_0 = arith.constant 0 : i32
    return %arg0, %c0_i32 : i32, i32
  }
  func.func @transform_3(%arg0: i32) -> (i32, i32) {
    %c0_i32 = arith.constant 0 : i32
    %c0_i32_0 = arith.constant 0 : i32
    %c0_i32_1 = arith.constant 0 : i32
    return %c0_i32, %c0_i32_0 : i32, i32
  }
  func.func @transform_4(%arg0: i32) -> (i32, i32) {
    %c0_i32 = arith.constant 0 : i32
    %c0_i32_0 = arith.constant 0 : i32
    %c0_i32_1 = arith.constant 0 : i32
    return %c0_i32, %c0_i32_0 : i32, i32
  }
  func.func @transform_5(%arg0: i32) -> (i32, i32) {
    %c0_i32 = arith.constant 0 : i32
    %c0_i32_0 = arith.constant 0 : i32
    return %arg0, %c0_i32 : i32, i32
  }
}

module attributes {stable_mosaic.version = 14 : i64} {
  func.func @_tc_last_body(%arg0: i32, %arg1: memref<2x1000x32xf32, #tpu.memory_space<vmem>>, %arg2: memref<1000x32xf32, #tpu.memory_space<vmem>>, %arg3: memref<1000x1xf32, #tpu.memory_space<vmem>>, %arg4: memref<1x32xf32, #tpu.memory_space<vmem>>, %arg5: memref<1000x32xf32, #tpu.memory_space<vmem>>) attributes {dimension_semantics = [#tpu.dimension_semantics<arbitrary>], iteration_bounds = array<i64: 10>, scalar_prefetch = 0 : i64, scratch_operands = 0 : i64, tpu.core_type = #tpu.core_type<tc>, window_params = [{transform_indices = @transform_0, window_bounds = array<i64: 2, 1000, 32>}, {transform_indices = @transform_1, window_bounds = array<i64: 1000, 32>}, {transform_indices = @transform_2, window_bounds = array<i64: 1000, 1>}, {pipeline_mode = #tpu.pipeline_mode<synchronous>, transform_indices = @transform_3, window_bounds = array<i64: 1, 32>}, {transform_indices = @transform_4, window_bounds = array<i64: 1000, 32>}]} {
    %get3A = arith.constant 0 : index
    %get3A_0 = arith.constant 0 : index
    %get3A_1 = vector.load %arg3[%get3A, %get3A_0] : memref<1000x1xf32, #tpu.memory_space<vmem>>, vector<1000x1xf32>
    %get3A_2 = arith.constant 0 : index
    %get3A_3 = arith.constant 0 : index
    %get3A_4 = arith.constant 0 : index
    %get3A_5 = vector.load %arg1[%get3A_2, %get3A_3, %get3A_4] : memref<2x1000x32xf32, #tpu.memory_space<vmem>>, vector<1x1000x32xf32>
    %get3A_6 = vector.shape_cast %get3A_5 : vector<1x1000x32xf32> to vector<1000x32xf32>
    %get3A_7 = arith.constant 1 : index
    %get3A_8 = arith.constant 0 : index
    %get3A_9 = arith.constant 0 : index
    %get3A_10 = vector.load %arg1[%get3A_7, %get3A_8, %get3A_9] : memref<2x1000x32xf32, #tpu.memory_space<vmem>>, vector<1x1000x32xf32>
    %get3A_11 = vector.shape_cast %get3A_10 : vector<1x1000x32xf32> to vector<1000x32xf32>
    %add3A = arith.addf %get3A_6, %get3A_11 : vector<1000x32xf32>
    %get3A_12 = arith.constant 0 : index
    %get3A_13 = arith.constant 0 : index
    %get3A_14 = vector.load %arg2[%get3A_12, %get3A_13] : memref<1000x32xf32, #tpu.memory_space<vmem>>, vector<1000x32xf32>
    %add3A_15 = arith.addf %add3A, %get3A_14 : vector<1000x32xf32>
    %mul3A = vector.broadcast %get3A_1 : vector<1000x1xf32> to vector<1000x32xf32>
    %mul3A_16 = arith.mulf %add3A_15, %mul3A : vector<1000x32xf32>
    %get3A_17 = arith.constant 0 : index
    %get3A_18 = arith.constant 0 : index
    %get3A_19 = vector.load %arg4[%get3A_17, %get3A_18] : memref<1x32xf32, #tpu.memory_space<vmem>>, vector<1x32xf32>
    %add3A_20 = vector.broadcast %get3A_19 : vector<1x32xf32> to vector<1000x32xf32>
    %add3A_21 = arith.addf %mul3A_16, %add3A_20 : vector<1000x32xf32>
    %swap3A = arith.constant 0 : index
    %swap3A_22 = arith.constant 0 : index
    %swap3A_23 = vector.load %arg5[%swap3A, %swap3A_22] : memref<1000x32xf32, #tpu.memory_space<vmem>>, vector<1000x32xf32>
    tpu.vector_store %arg5[%swap3A, %swap3A_22], %add3A_21 {strides = array<i32>} : memref<1000x32xf32, #tpu.memory_space<vmem>>, vector<1000x32xf32>,
    return
  }
  func.func @transform_0(%arg0: i32) -> (i32, i32, i32) {
    %c0_i32 = arith.constant 0 : i32
    %c0_i32_0 = arith.constant 0 : i32
    %c0_i32_1 = arith.constant 0 : i32
    return %c0_i32, %arg0, %c0_i32_0 : i32, i32, i32
  }
  func.func @transform_1(%arg0: i32) -> (i32, i32) {
    %c0_i32 = arith.constant 0 : i32
    %c0_i32_0 = arith.constant 0 : i32
    return %arg0, %c0_i32 : i32, i32
  }
  func.func @transform_2(%arg0: i32) -> (i32, i32) {
    %c0_i32 = arith.constant 0 : i32
    %c0_i32_0 = arith.constant 0 : i32
    return %arg0, %c0_i32 : i32, i32
  }
  func.func @transform_3(%arg0: i32) -> (i32, i32) {
    %c0_i32 = arith.constant 0 : i32
    %c0_i32_0 = arith.constant 0 : i32
    %c0_i32_1 = arith.constant 0 : i32
    return %c0_i32, %c0_i32_0 : i32, i32
  }
  func.func @transform_4(%arg0: i32) -> (i32, i32) {
    %c0_i32 = arith.constant 0 : i32
    %c0_i32_0 = arith.constant 0 : i32
    return %arg0, %c0_i32 : i32, i32
  }
}

</mosaic_0001>

<sc_bundles>
// kernel: kernel.10.cloned.1.call-start
scs
__scs_entry_jumppad:
0x0: {  	(pc) =	sbr.rel $0x88, $3  }
0x1: {  	(tag) =	ssettag $0x0;
	lr =	simm.s32 $0x1  }
0x2: {  	[smem:$0x3F99] =	sst lr;
	_ =	strace $0xD0000000  }
0x3: {  	_ = 	snop  }
0x4: {  	_ = 	snop  }
0x5: {  	_ = 	snop  }
0x6: {  	_ = 	snop  }
0x7: {  	_ = 	snop  }
__scs_overlays_trampoline_lowered:
0x8: {  	[smem:$0x3FA8] =	sst s0  }
0x9: {  	[smem:$0x3FA9] =	sst s1  }
0xa: {  	[smem:$0x3FAA] =	sst s2  }
0xb: {  	[smem:$0x3FAB] =	sst s3  }
0xc: {  	[smem:$0x3FAC] =	sst s4  }
0xd: {  	[smem:$0x3FAD] =	sst s5  }
0xe: {  	[smem:$0x3FAE] =	sst s6  }
0xf: {  	[smem:$0x3FAF] =	sst s7  }
0x10: {  	[smem:$0x3FB0] =	sst s8  }
0x11: {  	[smem:$0x3FB1] =	sst s9;
	s0 =	simm.s32 @!p0 $0x0  }
0x12: {  	s1 =	sld [smem:$0x3F97];
	s0 =	simm.s32 @p0 $0x1  }
0x13: {  	[smem:$0x3FB2] =	sst s0;
	s0 =	simm.s32 @!p1 $0x0  }
0x14: {  	s2 =	sld [smem:$0x3F96];
	s0 =	simm.s32 @p1 $0x1  }
0x15: {  	[smem:$0x3FB3] =	sst s0;
	s0 =	simm.s32 @!p2 $0x0  }
0x16: {  	s3 =	sld [smem:$0x3FDB];
	s0 =	simm.s32 @p2 $0x1  }
0x17: {  	s4 =	simm.s32 $0x1BF5;
	[smem:$0x3FB5] =	sst s0  }
0x18: {  	s0 =	sld [smem:$0x3F98];
	_ =	swait.ge [sflag:s4], $0x0  }
0x19: {  	s7 =	sld [smem:$0x3F99]  }
0x1a: {  	s8 =	sadd.s32 $0xFFFFE003, lr  }
0x1b: {  	s9 =	sadd.s32 $0xFFFFFEF7, lr;
	s5 =	simm.s32 $0xFFFFFFFF;
	p2 =	slt.u32 s8, $0xFFFFF086  }
0x1c: {  	p1 =	slt.u32 s9, $0xF7A;
	s5 =	simm.s32 @!p2 $0x0  }
0x1d: {  	s5 =	simm.s32 @p1 $0x1;
	p0 =	seq.s32 s7, s2  }
0x1e: {  	s7 =	smul.u32 @!p0 $0xF7A, s2;
	p2 =	seq.s32 @!p0 s5, $0x0  }
0x1f: {  	s9 =	smul.u32 $0xF7A, s1;
	s8 =	simm.s32 @!p0 $0x1BF5;
	p2 =	por !p2, p0  }
0x20: {  	[sflag:s8] =	ssyncset.s32 @!p0 $0xFFFFF086;
	s6 =	sadd.s32 @!p0 s3, s7;
	s7 =	simm.s32 @!p0 $0x108  }
0x21: {  	s3 =	sadd.s32 s3, s9;
	s6 =	sadd.s32 @!p0 $0x88, s6;
	s7 =	simm.s32 @p2 $0x1082  }
0x22: {  	[simem:s7], [sflag:s8] =	dma.local @!p0 [hbm:s6], $0xF7A  }
0x23: {  	s9 =	sor.u32 $0xD0000000, s2;
	s6 =	simm.s32 $0x108;
	_ =	swait.ge @!p0 [sflag:s8], $0x0  }
0x24: {  	s3 =	sadd.s32 $0x88, s3;
	s6 =	simm.s32 @!p1 $0x1082;
	[sflag:s4] =	ssyncset.s32 $0xFFFFF086  }
0x25: {  	[simem:s6], [sflag:s4] =	dma.local [hbm:s3], $0xF7A  }
0x26: {  	[smem:$0x3F99] =	sst s1;
	(tag) =	ssettag s2;
	_ =	strace s9  }
0x27: {  	s1 =	sld [smem:$0x3FA9]  }
0x28: {  	s2 =	sld [smem:$0x3FAA]  }
0x29: {  	s4 =	sld [smem:$0x3FAC]  }
0x2a: {  	p0 =	seq.s32 s5, $0x0;
	s5 =	sld [smem:$0x3FAD]  }
0x2b: {  	s6 =	sld [smem:$0x3FAE]  }
0x2c: {  	s7 =	sld [smem:$0x3FAF]  }
0x2d: {  	s3 =	simm.s32 $0x108;
	s8 =	sld [smem:$0x3FB0]  }
0x2e: {  	s3 =	simm.s32 @!p0 $0x1082;
	s9 =	sld [smem:$0x3FB1]  }
0x2f: {  	lr =	sadd.s32 s0, s3;
	s0 =	sld [smem:$0x3FA8]  }
0x30: {  	s3 =	sld [smem:$0x3FAB]  }
0x31: {  	[smem:$0x3FB4] =	sst s10  }
0x32: {  	s10 =	sld [smem:$0x3FB2];
	_ =	sdelay $0x3  }
0x33: {  	p0 =	seq.s32 s10, $0x1;
	s10 =	sld [smem:$0x3FB4];
	_ =	sdelay $0x3  }
0x34: {  	[smem:$0x3FB4] =	sst s10  }
0x35: {  	s10 =	sld [smem:$0x3FB3];
	_ =	sdelay $0x3  }
0x36: {  	p1 =	seq.s32 s10, $0x1;
	s10 =	sld [smem:$0x3FB4];
	_ =	sdelay $0x3  }
0x37: {  	[smem:$0x3FB4] =	sst s10  }
0x38: {  	s10 =	sld [smem:$0x3FB5]  }
0x39: {  	_ = 	snop;
	(pc) =	sbr.ind lr, $3  }
0x3a: {  	_ = 	snop  }
0x3b: {  	_ = 	snop  }
0x3c: {  	p2 =	seq.s32 s10, $0x1;
	s10 =	sld [smem:$0x3FB4]  }
0x3d: {  	_ =	shalt  }
0x3e: {  	_ =	shalt  }
0x3f: {  	_ =	shalt  }
0x40: {  	_ =	shalt  }
0x41: {  	_ =	shalt  }
0x42: {  	_ =	shalt  }
0x43: {  	_ =	shalt  }
0x44: {  	_ =	shalt  }
0x45: {  	_ =	shalt  }
0x46: {  	_ =	shalt  }
0x47: {  	_ =	shalt  }
0x48: {  	_ =	shalt  }
0x49: {  	_ =	shalt  }
0x4a: {  	_ =	shalt  }
0x4b: {  	_ =	shalt  }
0x4c: {  	_ =	shalt  }
0x4d: {  	_ =	shalt  }
0x4e: {  	_ =	shalt  }
0x4f: {  	_ =	shalt  }
0x50: {  	_ =	shalt  }
0x51: {  	_ =	shalt  }
0x52: {  	_ =	shalt  }
0x53: {  	_ =	shalt  }
0x54: {  	_ =	shalt  }
0x55: {  	_ =	shalt  }
0x56: {  	_ =	shalt  }
0x57: {  	_ =	shalt  }
0x58: {  	_ =	shalt  }
0x59: {  	_ =	shalt  }
0x5a: {  	_ =	shalt  }
0x5b: {  	_ =	shalt  }
0x5c: {  	_ =	shalt  }
0x5d: {  	_ =	shalt  }
0x5e: {  	_ =	shalt  }
0x5f: {  	_ =	shalt  }
0x60: {  	_ =	shalt  }
0x61: {  	_ =	shalt  }
0x62: {  	_ =	shalt  }
0x63: {  	_ =	shalt  }
0x64: {  	_ =	shalt  }
0x65: {  	_ =	shalt  }
0x66: {  	_ =	shalt  }
0x67: {  	_ =	shalt  }
0x68: {  	_ =	shalt  }
0x69: {  	_ =	shalt  }
0x6a: {  	_ =	shalt  }
0x6b: {  	_ =	shalt  }
0x6c: {  	_ =	shalt  }
0x6d: {  	_ =	shalt  }
0x6e: {  	_ =	shalt  }
0x6f: {  	_ =	shalt  }
0x70: {  	_ =	shalt  }
0x71: {  	_ =	shalt  }
0x72: {  	_ =	shalt  }
0x73: {  	_ =	shalt  }
0x74: {  	_ =	shalt  }
0x75: {  	_ =	shalt  }
0x76: {  	_ =	shalt  }
0x77: {  	_ =	shalt  }
0x78: {  	_ =	shalt  }
0x79: {  	_ =	shalt  }
0x7a: {  	_ =	shalt  }
0x7b: {  	_ =	shalt  }
0x7c: {  	_ =	shalt  }
0x7d: {  	_ =	shalt  }
0x7e: {  	_ =	shalt  }
0x7f: {  	_ =	shalt  }
0x80: {  	_ =	shalt  }
0x81: {  	_ =	shalt  }
0x82: {  	_ =	shalt  }
0x83: {  	_ =	shalt  }
0x84: {  	_ =	shalt  }
0x85: {  	_ =	shalt  }
0x86: {  	_ =	shalt  }
0x87: {  	_ =	shalt  }
.Lfunc_end0:
.L_simem_size_0:
called_computation_lowered:
.L_overlay_start_0:
0x88: {  	s2 =	sld [smem:$0x3FD9]  }
0x89: {  	s3 =	sld [smem:$0x3FFE];
	_ =	sdelay $0x1  }
0x8a: {  	s1 =	srdreg.scid  }
0x8b: {  	s0 =	sand.u32 $0x1, s1  }
0x8c: {  	s16 =	sshll.u32 s0, $0xA;
	s2 =	sadd.s32 s3, s2  }
0x8d: {  	s2 =	sadd.s32 s2, s16  }
0x8e: {  	[smem:$0x3FC0] =	sst s2  }
0x8f: {  	_ = 	snop  }
0x90: {  	(tm) =	ssettm $0x1  }
0x91: {  	s17 =	sld [smem:$0x3FFB];
	_ =	sdelay $0x3  }
0x92: {  	_ =	strace s17  }
0x93: {  	s2 =	sld [smem:$0x3FFC];
	_ =	sdelay $0x3  }
0x94: {  	_ =	strace s2  }
0x95: {  	s2 =	sld [smem:$0x3FFD];
	_ =	sdelay $0x3  }
0x96: {  	_ =	strace s2  }
0x97: {  	_ =	strace $0x8FFFFFFF  }
0x98: {  	s18 =	sld [smem:$0x3FDB];
	_ =	sdelay $0x1  }
0x99: {  	s19 =	simm.s32 $_scs_section_size  }
0x9a: {  	s4 =	simm.s32 $_size__tile_overlayer_lowered;
	s5 =	simm.s32 $_tile_overlayer_lowered  }
0x9b: {  	s22 =	simm.s32 $0x1BFF;
	s21 =	sshll.u32 s5, $0x1;
	s2 =	sadd.s32 s19, s18  }
0x9c: {  	s6 =	simm.s32 $0x0;
	s20 =	sshll.u32 s4, $0x1;
	s4 =	sadd.s32 s21, s2  }
0x9d: {  	[timem:s6], [sflag:s22] =	dma.local [hbm:s4], s20  }
0x9e: {  	_ =	swait.ge [sflag:s22], s20  }
0x9f: {  	s3 =	ssub.s32 $0x0, s20;
	[sflag:s22] =	ssyncset.done $0x0  }
0xa0: {  	[sflag:s22] =	ssyncadd.s32 s3;
	_ =	sdelay $0x1  }
0xa1: {  	s23 =	simm.s32 $0x1B8B  }
0xa2: {  	_ =	swait.ge [sflag:s23], $0x1  }
0xa3: {  	[sflag:s23] =	ssyncset.done $0x0  }
0xa4: {  	s25 =	simm.s32 $0x1B8E;
	s24 =	sld [smem:$0x3FFE];
	[sflag:s23] =	ssyncadd.s32 $0xFFFFFFFF  }
0xa5: {  	s26 =	simm.s32 $execute0_lowered;
	[smem:$0x3FD2] =	sst s25  }
0xa6: {  	s4 =	sshll.u32 s26, $0x1;
	_ =	strace $0x80000046;
	[dreg:$0x1] =	wrdreg $0xFFFFFFFF  }
0xa7: {  	s28 =	simm.s32 $_size_execute0_lowered;
	s2 =	sadd.s32 s2, s4;
	[dreg:$0x0] =	wrdreg $0x0  }
0xa8: {  	s4 =	sshll.u32 s28, $0x1;
	[dreg:$0x2] =	wrdreg s2  }
0xa9: {  	[dreg:$0x3] =	wrdreg s4  }
0xaa: {  	[dreg:$0x4] =	wrdreg $0xC0  }
0xab: {  	_ =	task [dreg:s6], $0x5FFFF  }
0xac: {  	[dreg:$0x1] =	wrdreg $0xFFFFFFFF  }
0xad: {  	[dreg:$0x0] =	wrdreg $0x60  }
0xae: {  	[dreg:$0x2] =	wrdreg s24  }
0xaf: {  	[dreg:$0x3] =	wrdreg $0x56E00  }
0xb0: {  	[dreg:$0x4] =	wrdreg $0x9  }
0xb1: {  	_ =	task.clear_ibuf [dreg:s6], $0x5FFFF;
	_ =	strace $0x90000046  }
0xb2: {  	s29 =	simm.s32 $0x9;
	_ =	strace $0x80000048  }
0xb3: {  	_ =	swait.ge [sflag:s29], $0x1  }
0xb4: {  	[sflag:s29] =	ssyncadd.s32 $0xFFFFFFFF  }
0xb5: {  	_ =	strace $0x90000048  }
0xb6: {  	_ =	sfence  }
0xb7: {  	s30 =	sld [smem:$0x0];
	_ =	sdelay $0x2  }
0xb8: {  	s31 =	sshll.u32 s1, $0xD;
	s1 =	sshrl.u32 s1, $0x2  }
0xb9: {  	s3 =	sand.u32 $0x4000, s31;
	s1 =	sadd.s32 s1, s30  }
0xba: {  	s0 =	sor.u32 s3, s0;
	s1 =	sshll.u32 s1, $0x11  }
0xbb: {  	s0 =	sor.u32 s1, s0  }
0xbc: {  	s0 =	sadd.s32 $0x8F2B, s0  }
0xbd: {  	[sflag:s0] =	ssyncadd.remote.s32 $0x1  }
0xbe: {  	_ =	sfence.sel $0xFFFF  }
0xbf: {  	[dreg:$0x0] =	wrdreg $0xFFFFFFFF;
	(pc) =	sbr.abs _section_cstart, $3  }
0xc0: {  	[dreg:$0x1] =	wrdreg $0xFFFFFFFF  }
0xc1: {  	_ =	task.clear_ibuf [dreg:s6], $0x2FFFF;
	_ =	strace $0x9FFFFFFF  }
0xc2: {  	(tm) =	ssettm $0x7FFFFFFF  }
0xc3: {  	_ =	shalt  }
tec
execute0_lowered:
.L_overlay_start_1:
0x0: {  	(tag) =	ssettag $0x1  }
0x1: {  	s4 =	rddreg [dreg:$0x0]  }
0x2: {  	s2 =	rddreg [dreg:$0x1];
	s3 =	srdreg.scid  }
0x3: {  	s1 =	stileid.u32;
	s0 =	rddreg [dreg:$0x2];
	s10 =	simm.s32 $0x64  }
0x4: {  	s11 =	simm.s32 $0x28A0;
	s12 =	simm.s32 $0x1;
	s5 =	sand.u32 $0x1, s3  }
0x5: {  	s6 =	smul.u32 $0x2800, s1;
	s3 =	simm.s32 $0x0;
	s7 =	sshll.u32 s1, $0x1  }
0x6: {  	s13 =	sshll.u32 s1, $0x6;
	s8 =	smul.u32 $0x28000, s5;
	[smem:$0x7FF] =	sst s3  }
0x7: {  	s7 =	sor.u32 s5, s7;
	s5 =	ssub.s32 $0x2, s5;
	s13 =	sor.u32 $0x1C02, s13  }
0x8: {  	s7 =	smul.u32 $0x514, s7;
	s9 =	sshrl.u32 s5, $0x1;
	s8 =	sadd.s32 s6, s8  }
0x9: {  	_ =	strace $0x80000047;
	s9 =	ssub.s32 s5, s9;
	s8 =	sshrl.u32 s8, $0x3  }
0xa: {  	s7 =	sadd.s32 s7, s4;
	s8 =	sadd.s32 s8, s4;
	s4 =	sadd.s32 s6, s2  }
0xb: {  	s5 =	sadd.s32 $0x2800, s7;
	s7 =	smax.u32 s9, $0x1;
	s9 =	simm.s32 $0x2  }
0xc: {  	v0 =	vimm.f32 $0.0e+00;
	v1 =	vimm.f32 $1.000000000e+00;
	s6 =	sadd.s32 $0xCC00, s8;
	s8 =	simm.s32 $0x2EE0;
	s14 =	sshrl.u32 s4, $0x3  }
.LBB2_1:
0xd: {  	s15 =	simm.s32 $0x0  }
.LBB2_2:
0xe: {  	p0 =	sne.s32 s15, $0x9FC0  }
.Ltmp0:
0xf: {  	_ = 	snop;
	(pc) =	sbr.rel @p0 .LBB2_2-.Ltmp0, $3  }
0x10: {  	_ =	sdelay $0x1  }
0x11: {  	s16 =	sshra.s32 s15, $0x2  }
0x12: {  	s15 =	sadd.s32 $0x40, s15;
	[tilespmem:s16+$0x2EE0] =	vst v0  }
0x13: {  	s15 =	simm.s32 $0x40;
	s16 =	simm.s32 $0x0  }
.LBB2_4:
0x14: {  	p0 =	sne.s32 s15, $0x18C0;
	[tilespmem:s16+$0x28A0] =	vst v1;
	s16 =	smov.u32 s15;
	s15 =	sadd.s32 $0x40, s15  }
.Ltmp1:
0x15: {  	(pc) =	sbr.rel @p0 .LBB2_4-.Ltmp1, $2  }
0x16: {  	_ =	sdelay $0x2  }
0x17: {  	s16 =	sshra.s32 s16, $0x2  }
0x18: {  	[tilespmem:s16+$0x28A0] =	vst v1  }
0x19: {  	[spmem:s4] =	stream.linear.scatter [tilespmem:s8], [sflag:$0x2], $0x2800, $0x38;
	[tilespmem:$0x7EE0] =	vst v63  }
0x1a: {  	_ =	swait.ge [sflag:s9], $0x2800  }
0x1b: {  	[sflag:s9] =	ssyncset.done $0x0  }
0x1c: {  	s15 =	simm.s32 $0x0;
	[sflag:s9] =	ssyncadd.s32 $0xFFFFD800  }
0x1d: {  	[tilespmem:s15], [sflag:$0x2] =	stream.linear.gather [hbm4b:s5+s15], $0x28A0, $0x38;
	[tilespmem:$0x7EE0] =	vst v63  }
0x1e: {  	_ =	swait.ge [sflag:s9], $0x28A0  }
0x1f: {  	[sflag:s9] =	ssyncset.done $0x0  }
0x20: {  	[sflag:s9] =	ssyncadd.s32 $0xFFFFD760  }
0x21: {  	s28 =	simm.s32 $0x0;
	[bflag:$0x0] =	sbarrier.arrive $0xFFFF  }
0x22: {  	[spmem:s2] =	stream.indirect.scatter.add.f32 [tilespmem:s11], [sflag:$0x1], $0x10, s28, s10, $0xb8;
	[tilespmem:$0x7EE0] =	vst v63  }
0x23: {  	s29 =	simm.s32 $0x68  }
0x24: {  	[spmem:s2] =	stream.indirect.scatter.add.f32 [tilespmem:s11], [sflag:$0x1], $0x10, s29, s10, $0xb8;
	[tilespmem:$0x7EE0] =	vst v63  }
0x25: {  	s30 =	simm.s32 $0xD0  }
0x26: {  	[spmem:s2] =	stream.indirect.scatter.add.f32 [tilespmem:s11], [sflag:$0x1], $0x10, s30, s10, $0xb8;
	[tilespmem:$0x7EE0] =	vst v63  }
0x27: {  	s31 =	simm.s32 $0x138  }
0x28: {  	[spmem:s2] =	stream.indirect.scatter.add.f32 [tilespmem:s11], [sflag:$0x1], $0x10, s31, s10, $0xb8;
	[tilespmem:$0x7EE0] =	vst v63  }
0x29: {  	_ =	swait.ge [sflag:s12], $0x640  }
0x2a: {  	[sflag:s12] =	ssyncset.done $0x0  }
0x2b: {  	[sflag:s12] =	ssyncadd.s32 $0xFFFFF9C0  }
0x2c: {  	_ =	swait.ge [sflag:s12], $0x640  }
0x2d: {  	[sflag:s12] =	ssyncset.done $0x0  }
0x2e: {  	[sflag:s12] =	ssyncadd.s32 $0xFFFFF9C0  }
0x2f: {  	_ =	swait.ge [sflag:s12], $0x640  }
0x30: {  	[sflag:s12] =	ssyncset.done $0x0  }
0x31: {  	[sflag:s12] =	ssyncadd.s32 $0xFFFFF9C0  }
0x32: {  	_ =	swait.ge [sflag:s12], $0x640  }
0x33: {  	s16 =	simm.s32 $0xD00;
	s15 =	simm.s32 $0x680;
	[sflag:s12] =	ssyncset.done $0x0  }
.LBB2_6:
0x34: {  	s17 =	sshra.s32 s15, $0x2  }
0x35: {  	[sflag:s12] =	ssyncadd.s32 $0xFFFFF9C0;
	s15 =	smov.u32 s16;
	s18 =	sadd.s32 $0x680, s16  }
0x36: {  	[spmem:s2] =	stream.indirect.scatter.add.f32 [tilespmem:s11], [sflag:$0x1], $0x10, s17, s10, $0xb8;
	[tilespmem:$0x7EE0] =	vst v63  }
0x37: {  	p0 =	sne.s32 s16, $0x9C00;
	s16 =	sadd.s32 $0x68, s17  }
0x38: {  	[spmem:s2] =	stream.indirect.scatter.add.f32 [tilespmem:s11], [sflag:$0x1], $0x10, s16, s10, $0xb8;
	[tilespmem:$0x7EE0] =	vst v63  }
0x39: {  	s16 =	sadd.s32 $0xD0, s17  }
0x3a: {  	[spmem:s2] =	stream.indirect.scatter.add.f32 [tilespmem:s11], [sflag:$0x1], $0x10, s16, s10, $0xb8;
	[tilespmem:$0x7EE0] =	vst v63  }
0x3b: {  	s16 =	sadd.s32 $0x138, s17  }
0x3c: {  	[spmem:s2] =	stream.indirect.scatter.add.f32 [tilespmem:s11], [sflag:$0x1], $0x10, s16, s10, $0xb8;
	[tilespmem:$0x7EE0] =	vst v63  }
0x3d: {  	_ =	swait.ge [sflag:s12], $0x640  }
0x3e: {  	[sflag:s12] =	ssyncset.done $0x0  }
0x3f: {  	[sflag:s12] =	ssyncadd.s32 $0xFFFFF9C0  }
0x40: {  	_ =	swait.ge [sflag:s12], $0x640  }
0x41: {  	[sflag:s12] =	ssyncset.done $0x0  }
0x42: {  	[sflag:s12] =	ssyncadd.s32 $0xFFFFF9C0  }
.Ltmp2:
0x43: {  	_ =	swait.ge [sflag:s12], $0x640;
	(pc) =	sbr.rel @p0 .LBB2_6-.Ltmp2, $4  }
0x44: {  	[sflag:s12] =	ssyncset.done $0x0  }
0x45: {  	[sflag:s12] =	ssyncadd.s32 $0xFFFFF9C0  }
0x46: {  	_ =	swait.ge [sflag:s12], $0x640  }
0x47: {  	s16 =	smov.u32 s18;
	[sflag:s12] =	ssyncset.done $0x0  }
0x48: {  	s15 =	sshra.s32 s15, $0x2;
	[sflag:s12] =	ssyncadd.s32 $0xFFFFF9C0  }
0x49: {  	[spmem:s2] =	stream.indirect.scatter.add.f32 [tilespmem:s11], [sflag:$0x1], $0x10, s15, s10, $0xb8;
	[tilespmem:$0x7EE0] =	vst v63  }
0x4a: {  	s16 =	sadd.s32 $0x68, s15  }
0x4b: {  	[spmem:s2] =	stream.indirect.scatter.add.f32 [tilespmem:s11], [sflag:$0x1], $0x10, s16, s10, $0xb8;
	[tilespmem:$0x7EE0] =	vst v63  }
0x4c: {  	s31 =	sadd.s32 $0xD0, s15  }
0x4d: {  	[spmem:s2] =	stream.indirect.scatter.add.f32 [tilespmem:s11], [sflag:$0x1], $0x10, s31, s10, $0xb8;
	[tilespmem:$0x7EE0] =	vst v63  }
0x4e: {  	s15 =	sadd.s32 $0x138, s15  }
0x4f: {  	[spmem:s2] =	stream.indirect.scatter.add.f32 [tilespmem:s11], [sflag:$0x1], $0x10, s15, s10, $0xb8;
	[tilespmem:$0x7EE0] =	vst v63  }
0x50: {  	_ =	swait.ge [sflag:s12], $0x640  }
0x51: {  	[sflag:s12] =	ssyncset.done $0x0  }
0x52: {  	[sflag:s12] =	ssyncadd.s32 $0xFFFFF9C0  }
0x53: {  	_ =	swait.ge [sflag:s12], $0x640  }
0x54: {  	[sflag:s12] =	ssyncset.done $0x0  }
0x55: {  	[sflag:s12] =	ssyncadd.s32 $0xFFFFF9C0  }
0x56: {  	_ =	swait.ge [sflag:s12], $0x640  }
0x57: {  	[sflag:s12] =	ssyncset.done $0x0  }
0x58: {  	[sflag:s12] =	ssyncadd.s32 $0xFFFFF9C0  }
0x59: {  	_ =	swait.ge [sflag:s12], $0x640  }
0x5a: {  	s3 =	sadd.s32 $0x1, s3;
	[sflag:s12] =	ssyncset.done $0x0  }
0x5b: {  	p0 =	sne.s32 s3, s7;
	[sflag:s12] =	ssyncadd.s32 $0xFFFFF9C0  }
.Ltmp3:
0x5c: {  	[bflag:$0x0] =	sbarrier.arrive $0xFFFF;
	(pc) =	sbr.rel @p0 .LBB2_1-.Ltmp3, $4  }
0x5d: {  	[hbm:s6], [sflag:s13] =	dma.local [spmem:s14], $0x500  }
0x5e: {  	_ =	swait.ge [sflag:s9], $0x500  }
0x5f: {  	[sflag:s9] =	ssyncset.done $0x0  }
0x60: {  	[sflag:s9] =	ssyncadd.s32 $0xFFFFFB00  }
0x61: {  	_ =	sfence.sel $0x180000  }
0x62: {  	[bflag:$0x0] =	sbarrier.arrive $0xFFFF  }
0x63: {  	p0 =	sne.s32 s1, $0x0;
	_ =	strace $0x90000047  }
0x64: {  	s0 =	sadd.s32 @!p0 $0x100000, s0;
	[bflag:$0x2] =	sbarrier.arrive $0xFFFF  }
0x65: {  	[sflag:s0] =	ssyncadd.tile.s32 @!p0 $0x1;
	_ =	shalt  }
.Lfunc_end2:
_tile_overlayer_lowered:
.L_overlay_start_2:
0x66: {  	(tag) =	ssettag $0x2  }
0x67: {  	s0 =	rddreg [dreg:$0x0];
	s2 =	stileid.u32  }
0x68: {  	s1 =	rddreg [dreg:$0x1];
	p0 =	sne.s32 s2, $0x0  }
0x69: {  	s3 =	rddreg [dreg:$0x2];
	[bflag:$0x3] =	sbarrier.arrive $0xFFFF;
	s2 =	simm.s32 @!p0 $0x1C02  }
0x6a: {  	[timem:s3], [sflag:s2] =	dma.local @!p0 [hbm:s0], s1  }
0x6b: {  	s0 =	simm.s32 @!p0 $0x2  }
0x6c: {  	_ =	swait.ge @!p0 [sflag:s0], s1  }
0x6d: {  	s1 =	ssub.s32 @!p0 $0x0, s1;
	[sflag:s0] =	ssyncset.done @!p0 $0x0  }
0x6e: {  	[sflag:s0] =	ssyncadd.s32 @!p0 s1  }
0x6f: {  	[bflag:$0x3] =	sbarrier.arrive $0xFFFF  }
0x70: {  	_ =	shalt  }

// kernel: kernel.13.cloned.1.call-start
scs
__scs_entry_jumppad:
0x0: {  	(pc) =	sbr.rel $0x88, $3  }
0x1: {  	(tag) =	ssettag $0x0;
	lr =	simm.s32 $0x1  }
0x2: {  	[smem:$0x3F99] =	sst lr;
	_ =	strace $0xD0000000  }
0x3: {  	_ = 	snop  }
0x4: {  	_ = 	snop  }
0x5: {  	_ = 	snop  }
0x6: {  	_ = 	snop  }
0x7: {  	_ = 	snop  }
__scs_overlays_trampoline_lowered:
0x8: {  	[smem:$0x3FA8] =	sst s0  }
0x9: {  	[smem:$0x3FA9] =	sst s1  }
0xa: {  	[smem:$0x3FAA] =	sst s2  }
0xb: {  	[smem:$0x3FAB] =	sst s3  }
0xc: {  	[smem:$0x3FAC] =	sst s4  }
0xd: {  	[smem:$0x3FAD] =	sst s5  }
0xe: {  	[smem:$0x3FAE] =	sst s6  }
0xf: {  	[smem:$0x3FAF] =	sst s7  }
0x10: {  	[smem:$0x3FB0] =	sst s8  }
0x11: {  	[smem:$0x3FB1] =	sst s9;
	s0 =	simm.s32 @!p0 $0x0  }
0x12: {  	s1 =	sld [smem:$0x3F97];
	s0 =	simm.s32 @p0 $0x1  }
0x13: {  	[smem:$0x3FB2] =	sst s0;
	s0 =	simm.s32 @!p1 $0x0  }
0x14: {  	s2 =	sld [smem:$0x3F96];
	s0 =	simm.s32 @p1 $0x1  }
0x15: {  	[smem:$0x3FB3] =	sst s0;
	s0 =	simm.s32 @!p2 $0x0  }
0x16: {  	s3 =	sld [smem:$0x3FDB];
	s0 =	simm.s32 @p2 $0x1  }
0x17: {  	s4 =	simm.s32 $0x1BF5;
	[smem:$0x3FB5] =	sst s0  }
0x18: {  	s0 =	sld [smem:$0x3F98];
	_ =	swait.ge [sflag:s4], $0x0  }
0x19: {  	s7 =	sld [smem:$0x3F99]  }
0x1a: {  	s8 =	sadd.s32 $0xFFFFE003, lr  }
0x1b: {  	s9 =	sadd.s32 $0xFFFFFEF7, lr;
	s5 =	simm.s32 $0xFFFFFFFF;
	p2 =	slt.u32 s8, $0xFFFFF086  }
0x1c: {  	p1 =	slt.u32 s9, $0xF7A;
	s5 =	simm.s32 @!p2 $0x0  }
0x1d: {  	s5 =	simm.s32 @p1 $0x1;
	p0 =	seq.s32 s7, s2  }
0x1e: {  	s7 =	smul.u32 @!p0 $0xF7A, s2;
	p2 =	seq.s32 @!p0 s5, $0x0  }
0x1f: {  	s9 =	smul.u32 $0xF7A, s1;
	s8 =	simm.s32 @!p0 $0x1BF5;
	p2 =	por !p2, p0  }
0x20: {  	[sflag:s8] =	ssyncset.s32 @!p0 $0xFFFFF086;
	s6 =	sadd.s32 @!p0 s3, s7;
	s7 =	simm.s32 @!p0 $0x108  }
0x21: {  	s3 =	sadd.s32 s3, s9;
	s6 =	sadd.s32 @!p0 $0x88, s6;
	s7 =	simm.s32 @p2 $0x1082  }
0x22: {  	[simem:s7], [sflag:s8] =	dma.local @!p0 [hbm:s6], $0xF7A  }
0x23: {  	s9 =	sor.u32 $0xD0000000, s2;
	s6 =	simm.s32 $0x108;
	_ =	swait.ge @!p0 [sflag:s8], $0x0  }
0x24: {  	s3 =	sadd.s32 $0x88, s3;
	s6 =	simm.s32 @!p1 $0x1082;
	[sflag:s4] =	ssyncset.s32 $0xFFFFF086  }
0x25: {  	[simem:s6], [sflag:s4] =	dma.local [hbm:s3], $0xF7A  }
0x26: {  	[smem:$0x3F99] =	sst s1;
	(tag) =	ssettag s2;
	_ =	strace s9  }
0x27: {  	s1 =	sld [smem:$0x3FA9]  }
0x28: {  	s2 =	sld [smem:$0x3FAA]  }
0x29: {  	s4 =	sld [smem:$0x3FAC]  }
0x2a: {  	p0 =	seq.s32 s5, $0x0;
	s5 =	sld [smem:$0x3FAD]  }
0x2b: {  	s6 =	sld [smem:$0x3FAE]  }
0x2c: {  	s7 =	sld [smem:$0x3FAF]  }
0x2d: {  	s3 =	simm.s32 $0x108;
	s8 =	sld [smem:$0x3FB0]  }
0x2e: {  	s3 =	simm.s32 @!p0 $0x1082;
	s9 =	sld [smem:$0x3FB1]  }
0x2f: {  	lr =	sadd.s32 s0, s3;
	s0 =	sld [smem:$0x3FA8]  }
0x30: {  	s3 =	sld [smem:$0x3FAB]  }
0x31: {  	[smem:$0x3FB4] =	sst s10  }
0x32: {  	s10 =	sld [smem:$0x3FB2];
	_ =	sdelay $0x3  }
0x33: {  	p0 =	seq.s32 s10, $0x1;
	s10 =	sld [smem:$0x3FB4];
	_ =	sdelay $0x3  }
0x34: {  	[smem:$0x3FB4] =	sst s10  }
0x35: {  	s10 =	sld [smem:$0x3FB3];
	_ =	sdelay $0x3  }
0x36: {  	p1 =	seq.s32 s10, $0x1;
	s10 =	sld [smem:$0x3FB4];
	_ =	sdelay $0x3  }
0x37: {  	[smem:$0x3FB4] =	sst s10  }
0x38: {  	s10 =	sld [smem:$0x3FB5]  }
0x39: {  	_ = 	snop;
	(pc) =	sbr.ind lr, $3  }
0x3a: {  	_ = 	snop  }
0x3b: {  	_ = 	snop  }
0x3c: {  	p2 =	seq.s32 s10, $0x1;
	s10 =	sld [smem:$0x3FB4]  }
0x3d: {  	_ =	shalt  }
0x3e: {  	_ =	shalt  }
0x3f: {  	_ =	shalt  }
0x40: {  	_ =	shalt  }
0x41: {  	_ =	shalt  }
0x42: {  	_ =	shalt  }
0x43: {  	_ =	shalt  }
0x44: {  	_ =	shalt  }
0x45: {  	_ =	shalt  }
0x46: {  	_ =	shalt  }
0x47: {  	_ =	shalt  }
0x48: {  	_ =	shalt  }
0x49: {  	_ =	shalt  }
0x4a: {  	_ =	shalt  }
0x4b: {  	_ =	shalt  }
0x4c: {  	_ =	shalt  }
0x4d: {  	_ =	shalt  }
0x4e: {  	_ =	shalt  }
0x4f: {  	_ =	shalt  }
0x50: {  	_ =	shalt  }
0x51: {  	_ =	shalt  }
0x52: {  	_ =	shalt  }
0x53: {  	_ =	shalt  }
0x54: {  	_ =	shalt  }
0x55: {  	_ =	shalt  }
0x56: {  	_ =	shalt  }
0x57: {  	_ =	shalt  }
0x58: {  	_ =	shalt  }
0x59: {  	_ =	shalt  }
0x5a: {  	_ =	shalt  }
0x5b: {  	_ =	shalt  }
0x5c: {  	_ =	shalt  }
0x5d: {  	_ =	shalt  }
0x5e: {  	_ =	shalt  }
0x5f: {  	_ =	shalt  }
0x60: {  	_ =	shalt  }
0x61: {  	_ =	shalt  }
0x62: {  	_ =	shalt  }
0x63: {  	_ =	shalt  }
0x64: {  	_ =	shalt  }
0x65: {  	_ =	shalt  }
0x66: {  	_ =	shalt  }
0x67: {  	_ =	shalt  }
0x68: {  	_ =	shalt  }
0x69: {  	_ =	shalt  }
0x6a: {  	_ =	shalt  }
0x6b: {  	_ =	shalt  }
0x6c: {  	_ =	shalt  }
0x6d: {  	_ =	shalt  }
0x6e: {  	_ =	shalt  }
0x6f: {  	_ =	shalt  }
0x70: {  	_ =	shalt  }
0x71: {  	_ =	shalt  }
0x72: {  	_ =	shalt  }
0x73: {  	_ =	shalt  }
0x74: {  	_ =	shalt  }
0x75: {  	_ =	shalt  }
0x76: {  	_ =	shalt  }
0x77: {  	_ =	shalt  }
0x78: {  	_ =	shalt  }
0x79: {  	_ =	shalt  }
0x7a: {  	_ =	shalt  }
0x7b: {  	_ =	shalt  }
0x7c: {  	_ =	shalt  }
0x7d: {  	_ =	shalt  }
0x7e: {  	_ =	shalt  }
0x7f: {  	_ =	shalt  }
0x80: {  	_ =	shalt  }
0x81: {  	_ =	shalt  }
0x82: {  	_ =	shalt  }
0x83: {  	_ =	shalt  }
0x84: {  	_ =	shalt  }
0x85: {  	_ =	shalt  }
0x86: {  	_ =	shalt  }
0x87: {  	_ =	shalt  }
.Lfunc_end0:
.L_simem_size_0:
called_computation.1_lowered:
.L_overlay_start_0:
0x88: {  	s2 =	sld [smem:$0x3FD9]  }
0x89: {  	s3 =	sld [smem:$0x3FFE];
	_ =	sdelay $0x1  }
0x8a: {  	s1 =	srdreg.scid  }
0x8b: {  	s0 =	sand.u32 $0x1, s1  }
0x8c: {  	s16 =	sshll.u32 s0, $0xA;
	s2 =	sadd.s32 s3, s2  }
0x8d: {  	s2 =	sadd.s32 s2, s16  }
0x8e: {  	[smem:$0x3FC0] =	sst s2  }
0x8f: {  	_ = 	snop  }
0x90: {  	(tm) =	ssettm $0x1  }
0x91: {  	s17 =	sld [smem:$0x3FFB];
	_ =	sdelay $0x3  }
0x92: {  	_ =	strace s17  }
0x93: {  	s2 =	sld [smem:$0x3FFC];
	_ =	sdelay $0x3  }
0x94: {  	_ =	strace s2  }
0x95: {  	s2 =	sld [smem:$0x3FFD];
	_ =	sdelay $0x3  }
0x96: {  	_ =	strace s2  }
0x97: {  	_ =	strace $0x8FFFFFFF  }
0x98: {  	s18 =	sld [smem:$0x3FDB];
	_ =	sdelay $0x1  }
0x99: {  	s19 =	simm.s32 $_scs_section_size  }
0x9a: {  	s4 =	simm.s32 $_size__tile_overlayer_lowered;
	s5 =	simm.s32 $_tile_overlayer_lowered  }
0x9b: {  	s22 =	simm.s32 $0x1BFF;
	s21 =	sshll.u32 s5, $0x1;
	s2 =	sadd.s32 s19, s18  }
0x9c: {  	s6 =	simm.s32 $0x0;
	s20 =	sshll.u32 s4, $0x1;
	s4 =	sadd.s32 s21, s2  }
0x9d: {  	[timem:s6], [sflag:s22] =	dma.local [hbm:s4], s20  }
0x9e: {  	_ =	swait.ge [sflag:s22], s20  }
0x9f: {  	s3 =	ssub.s32 $0x0, s20;
	[sflag:s22] =	ssyncset.done $0x0  }
0xa0: {  	[sflag:s22] =	ssyncadd.s32 s3;
	_ =	sdelay $0x1  }
0xa1: {  	s23 =	simm.s32 $0x1B8B  }
0xa2: {  	_ =	swait.ge [sflag:s23], $0x1  }
0xa3: {  	[sflag:s23] =	ssyncset.done $0x0  }
0xa4: {  	s25 =	simm.s32 $0x1B8E;
	s24 =	sld [smem:$0x3FFE];
	[sflag:s23] =	ssyncadd.s32 $0xFFFFFFFF  }
0xa5: {  	s26 =	simm.s32 $execute0_lowered;
	[smem:$0x3FD2] =	sst s25  }
0xa6: {  	s4 =	sshll.u32 s26, $0x1;
	_ =	strace $0x80000049;
	[dreg:$0x1] =	wrdreg $0xFFFFFFFF  }
0xa7: {  	s28 =	simm.s32 $_size_execute0_lowered;
	s2 =	sadd.s32 s2, s4;
	[dreg:$0x0] =	wrdreg $0x0  }
0xa8: {  	s4 =	sshll.u32 s28, $0x1;
	[dreg:$0x2] =	wrdreg s2  }
0xa9: {  	[dreg:$0x3] =	wrdreg s4  }
0xaa: {  	[dreg:$0x4] =	wrdreg $0xC0  }
0xab: {  	_ =	task [dreg:s6], $0x5FFFF  }
0xac: {  	[dreg:$0x1] =	wrdreg $0xFFFFFFFF  }
0xad: {  	[dreg:$0x0] =	wrdreg $0x60  }
0xae: {  	[dreg:$0x2] =	wrdreg s24  }
0xaf: {  	[dreg:$0x3] =	wrdreg $0xA9800  }
0xb0: {  	[dreg:$0x4] =	wrdreg $0x9  }
0xb1: {  	_ =	task.clear_ibuf [dreg:s6], $0x5FFFF;
	_ =	strace $0x90000049  }
0xb2: {  	s29 =	simm.s32 $0x9;
	_ =	strace $0x8000004B  }
0xb3: {  	_ =	swait.ge [sflag:s29], $0x1  }
0xb4: {  	[sflag:s29] =	ssyncadd.s32 $0xFFFFFFFF  }
0xb5: {  	_ =	strace $0x9000004B  }
0xb6: {  	_ =	sfence  }
0xb7: {  	s30 =	sld [smem:$0x0];
	_ =	sdelay $0x2  }
0xb8: {  	s31 =	sshll.u32 s1, $0xD;
	s1 =	sshrl.u32 s1, $0x2  }
0xb9: {  	s3 =	sand.u32 $0x4000, s31;
	s1 =	sadd.s32 s1, s30  }
0xba: {  	s0 =	sor.u32 s3, s0;
	s1 =	sshll.u32 s1, $0x11  }
0xbb: {  	s0 =	sor.u32 s1, s0  }
0xbc: {  	s0 =	sadd.s32 $0x8F2B, s0  }
0xbd: {  	[sflag:s0] =	ssyncadd.remote.s32 $0x1  }
0xbe: {  	_ =	sfence.sel $0xFFFF  }
0xbf: {  	[dreg:$0x0] =	wrdreg $0xFFFFFFFF;
	(pc) =	sbr.abs _section_cstart, $3  }
0xc0: {  	[dreg:$0x1] =	wrdreg $0xFFFFFFFF  }
0xc1: {  	_ =	task.clear_ibuf [dreg:s6], $0x2FFFF;
	_ =	strace $0x9FFFFFFF  }
0xc2: {  	(tm) =	ssettm $0x7FFFFFFF  }
0xc3: {  	_ =	shalt  }
tec
execute0_lowered:
.L_overlay_start_1:
0x0: {  	(tag) =	ssettag $0x1  }
0x1: {  	s0 =	srdreg.scid  }
0x2: {  	s4 =	stileid.u32;
	s5 =	rddreg [dreg:$0x0]  }
0x3: {  	s2 =	rddreg [dreg:$0x1];
	s3 =	simm.s32 $0x0;
	s19 =	simm.s32 $0x8980  }
0x4: {  	s20 =	simm.s32 $0x3;
	s22 =	simm.s32 $0x32;
	s23 =	simm.s32 $0x5780  }
0x5: {  	s24 =	simm.s32 $0x1;
	s25 =	simm.s32 $0x7080;
	s26 =	simm.s32 $0x2  }
0x6: {  	s29 =	simm.s32 $0x5710;
	s30 =	simm.s32 $0x5748;
	s31 =	simm.s32 $0x0  }
0x7: {  	s0 =	sand.u32 $0x1, s0;
	s1 =	sshll.u32 s4, $0x1;
	s6 =	smul.u32 $0x14000, s4  }
0x8: {  	[smem:$0x7FF] =	sst s3;
	s8 =	smul.u32 $0x50000, s4;
	s4 =	sadd.s32 $0x2CC00, s5  }
0x9: {  	s1 =	sor.u32 s0, s1;
	s7 =	smul.u32 $0x140000, s0;
	_ =	strace $0x8000004A  }
0xa: {  	s0 =	ssub.s32 $0x2, s0;
	s1 =	smul.u32 $0x578, s1;
	s8 =	sshrl.u32 s8, $0x2  }
0xb: {  	s28 =	sshrl.u32 s0, $0x1;
	s7 =	sadd.s32 s6, s7;
	s14 =	sadd.s32 s8, s2  }
0xc: {  	s0 =	ssub.s32 s0, s28;
	s1 =	sadd.s32 s1, s5;
	s7 =	sshrl.u32 s7, $0x3  }
0xd: {  	s8 =	sadd.s32 $0x6000, s14;
	s9 =	sadd.s32 $0x8000, s14;
	s10 =	sadd.s32 $0xA000, s14  }
0xe: {  	s11 =	sadd.s32 $0xC000, s14;
	s12 =	sadd.s32 $0xE000, s14;
	s13 =	sadd.s32 $0x10000, s14  }
0xf: {  	s18 =	smax.u32 s0, $0x1;
	s17 =	sadd.s32 s7, s5;
	s5 =	sadd.s32 s6, s2  }
0x10: {  	s6 =	sadd.s32 $0x2000, s14;
	s7 =	sadd.s32 $0x4000, s14;
	s14 =	sadd.s32 $0x12000, s14  }
0x11: {  	v0 =	vimm.f32 $0.0e+00;
	s15 =	sadd.s32 $0x16C00, s1;
	s16 =	sadd.s32 $0x21C00, s1;
	s17 =	sadd.s32 $0x53E00, s17  }
.LBB2_1:
0x12: {  	s0 =	sand.u32 $0x7E00, s3  }
0x13: {  	s21 =	sand.u32 $0x70, s3;
	s0 =	sshrl.u32 s0, $0x2  }
0x14: {  	s1 =	simm.s32 $0x40;
	s21 =	sor.u32 s21, s0;
	s0 =	simm.s32 $0x0  }
.LBB2_2:
0x15: {  	p0 =	sne.s32 s1, $0x7FC0  }
0x16: {  	[tilespmem:s21+$0x8980] =	vst v0;
	s0 =	sadd.s32 $0x10, s0;
	s21 =	smov.u32 s1;
	s1 =	sadd.s32 $0x40, s1  }
.Ltmp0:
0x17: {  	(pc) =	sbr.rel @p0 .LBB2_2-.Ltmp0, $4  }
0x18: {  	_ = 	snop  }
0x19: {  	s21 =	sand.u32 $0x7E00, s21  }
0x1a: {  	s28 =	sand.u32 $0x70, s0;
	s21 =	sshrl.u32 s21, $0x2  }
0x1b: {  	s21 =	sor.u32 s28, s21  }
0x1c: {  	[tilespmem:s21+$0x8980] =	vst v0  }
0x1d: {  	[spmem:s5] =	stream.linear.scatter [tilespmem:s19], [sflag:$0x3], $0x2000, $0x38;
	[tilespmem:$0x1E980] =	vst v63  }
0x1e: {  	_ =	swait.ge [sflag:s20], $0x2000  }
0x1f: {  	[sflag:s20] =	ssyncset.done $0x0  }
0x20: {  	[sflag:s20] =	ssyncadd.s32 $0xFFFFE000  }
0x21: {  	[spmem:s6] =	stream.linear.scatter [tilespmem:s19], [sflag:$0x3], $0x2000, $0x38;
	[tilespmem:$0x1E980] =	vst v63  }
0x22: {  	_ =	swait.ge [sflag:s20], $0x2000  }
0x23: {  	[sflag:s20] =	ssyncset.done $0x0  }
0x24: {  	[sflag:s20] =	ssyncadd.s32 $0xFFFFE000  }
0x25: {  	[spmem:s7] =	stream.linear.scatter [tilespmem:s19], [sflag:$0x3], $0x2000, $0x38;
	[tilespmem:$0x1E980] =	vst v63  }
0x26: {  	_ =	swait.ge [sflag:s20], $0x2000  }
0x27: {  	[sflag:s20] =	ssyncset.done $0x0  }
0x28: {  	[sflag:s20] =	ssyncadd.s32 $0xFFFFE000  }
0x29: {  	[spmem:s8] =	stream.linear.scatter [tilespmem:s19], [sflag:$0x3], $0x2000, $0x38;
	[tilespmem:$0x1E980] =	vst v63  }
0x2a: {  	_ =	swait.ge [sflag:s20], $0x2000  }
0x2b: {  	[sflag:s20] =	ssyncset.done $0x0  }
0x2c: {  	[sflag:s20] =	ssyncadd.s32 $0xFFFFE000  }
0x2d: {  	[spmem:s9] =	stream.linear.scatter [tilespmem:s19], [sflag:$0x3], $0x2000, $0x38;
	[tilespmem:$0x1E980] =	vst v63  }
0x2e: {  	_ =	swait.ge [sflag:s20], $0x2000  }
0x2f: {  	[sflag:s20] =	ssyncset.done $0x0  }
0x30: {  	[sflag:s20] =	ssyncadd.s32 $0xFFFFE000  }
0x31: {  	[spmem:s10] =	stream.linear.scatter [tilespmem:s19], [sflag:$0x3], $0x2000, $0x38;
	[tilespmem:$0x1E980] =	vst v63  }
0x32: {  	_ =	swait.ge [sflag:s20], $0x2000  }
0x33: {  	[sflag:s20] =	ssyncset.done $0x0  }
0x34: {  	[sflag:s20] =	ssyncadd.s32 $0xFFFFE000  }
0x35: {  	[spmem:s11] =	stream.linear.scatter [tilespmem:s19], [sflag:$0x3], $0x2000, $0x38;
	[tilespmem:$0x1E980] =	vst v63  }
0x36: {  	_ =	swait.ge [sflag:s20], $0x2000  }
0x37: {  	[sflag:s20] =	ssyncset.done $0x0  }
0x38: {  	[sflag:s20] =	ssyncadd.s32 $0xFFFFE000  }
0x39: {  	[spmem:s12] =	stream.linear.scatter [tilespmem:s19], [sflag:$0x3], $0x2000, $0x38;
	[tilespmem:$0x1E980] =	vst v63  }
0x3a: {  	_ =	swait.ge [sflag:s20], $0x2000  }
0x3b: {  	[sflag:s20] =	ssyncset.done $0x0  }
0x3c: {  	[sflag:s20] =	ssyncadd.s32 $0xFFFFE000  }
0x3d: {  	[spmem:s13] =	stream.linear.scatter [tilespmem:s19], [sflag:$0x3], $0x2000, $0x38;
	[tilespmem:$0x1E980] =	vst v63  }
0x3e: {  	_ =	swait.ge [sflag:s20], $0x2000  }
0x3f: {  	[sflag:s20] =	ssyncset.done $0x0  }
0x40: {  	[sflag:s20] =	ssyncadd.s32 $0xFFFFE000  }
0x41: {  	[spmem:s14] =	stream.linear.scatter [tilespmem:s19], [sflag:$0x3], $0x2000, $0x38;
	[tilespmem:$0x1E980] =	vst v63  }
0x42: {  	_ =	swait.ge [sflag:s20], $0x2000  }
0x43: {  	[sflag:s20] =	ssyncset.done $0x0  }
0x44: {  	s0 =	simm.s32 $0x0;
	[sflag:s20] =	ssyncadd.s32 $0xFFFFE000  }
0x45: {  	[tilespmem:s0], [sflag:$0x3] =	stream.linear.gather [hbm4b:s15+s0], $0x2BC0, $0x38;
	[tilespmem:$0x1E980] =	vst v63  }
0x46: {  	_ =	swait.ge [sflag:s20], $0x2BC0  }
0x47: {  	[sflag:s20] =	ssyncset.done $0x0  }
0x48: {  	s1 =	simm.s32 $0x2BC0;
	[sflag:s20] =	ssyncadd.s32 $0xFFFFD440  }
0x49: {  	[tilespmem:s1], [sflag:$0x3] =	stream.linear.gather [hbm4b:s16+s0], $0x2BC0, $0x38;
	[tilespmem:$0x1E980] =	vst v63  }
0x4a: {  	_ =	swait.ge [sflag:s20], $0x2BC0  }
0x4b: {  	[sflag:s20] =	ssyncset.done $0x0  }
0x4c: {  	[sflag:s20] =	ssyncadd.s32 $0xFFFFD440  }
0x4d: {  	[bflag:$0x0] =	sbarrier.arrive $0xFFFF  }
0x4e: {  	[tilespmem:s23], [sflag:$0x1] =	stream.indirect.gather [hbm4b:s4+s22], $0x80, s0, s22, $0xb8;
	[tilespmem:$0x1E980] =	vst v63  }
0x4f: {  	_ =	swait.ge [sflag:s24], $0x1900  }
0x50: {  	[sflag:s24] =	ssyncset.done $0x0  }
0x51: {  	s28 =	simm.s32 $0x38;
	[sflag:s24] =	ssyncadd.s32 $0xFFFFE700  }
0x52: {  	[tilespmem:s25], [sflag:$0x2] =	stream.indirect.gather [hbm4b:s4+s22], $0x80, s28, s22, $0xb8;
	[tilespmem:$0x1E980] =	vst v63  }
0x53: {  	s1 =	simm.s32 $0x2BC0  }
0x54: {  	[spmem:s2] =	stream.indirect.scatter.add.f32 [tilespmem:s23], [sflag:$0x3], $0x80, s1, s22, $0xb8;
	[tilespmem:$0x1E980] =	vst v63  }
0x55: {  	_ =	swait.ge [sflag:s20], $0x1900  }
0x56: {  	[sflag:s20] =	ssyncset.done $0x0  }
0x57: {  	[sflag:s20] =	ssyncadd.s32 $0xFFFFE700  }
0x58: {  	_ =	swait.ge [sflag:s26], $0x1900  }
0x59: {  	[sflag:s26] =	ssyncset.done $0x0  }
0x5a: {  	s21 =	simm.s32 $0x70;
	[sflag:s26] =	ssyncadd.s32 $0xFFFFE700  }
0x5b: {  	[tilespmem:s23], [sflag:$0x1] =	stream.indirect.gather [hbm4b:s4+s22], $0x80, s21, s22, $0xb8;
	[tilespmem:$0x1E980] =	vst v63  }
0x5c: {  	s28 =	simm.s32 $0x2BF8  }
0x5d: {  	[spmem:s2] =	stream.indirect.scatter.add.f32 [tilespmem:s25], [sflag:$0x3], $0x80, s28, s22, $0xb8;
	[tilespmem:$0x1E980] =	vst v63  }
0x5e: {  	_ =	swait.ge [sflag:s20], $0x1900  }
0x5f: {  	s1 =	simm.s32 $0x1C0;
	[sflag:s20] =	ssyncset.done $0x0  }
.LBB2_4:
0x60: {  	p0 =	sne.s32 s1, $0xAB80  }
0x61: {  	[sflag:s20] =	ssyncadd.s32 $0xFFFFE700;
	s0 =	smov.u32 s1;
	s1 =	sadd.s32 $0x1C0, s1  }
0x62: {  	_ = 	snop  }
0x63: {  	_ =	swait.ge [sflag:s24], $0x1900  }
0x64: {  	s0 =	sshra.s32 s0, $0x2;
	[sflag:s24] =	ssyncset.done $0x0  }
0x65: {  	s21 =	sadd.s32 $0x38, s0;
	[sflag:s24] =	ssyncadd.s32 $0xFFFFE700  }
0x66: {  	[tilespmem:s25], [sflag:$0x2] =	stream.indirect.gather [hbm4b:s4+s22], $0x80, s21, s22, $0xb8;
	[tilespmem:$0x1E980] =	vst v63  }
0x67: {  	s21 =	sadd.s32 $0x2BC0, s0  }
0x68: {  	[spmem:s2] =	stream.indirect.scatter.add.f32 [tilespmem:s23], [sflag:$0x3], $0x80, s21, s22, $0xb8;
	[tilespmem:$0x1E980] =	vst v63  }
0x69: {  	_ =	swait.ge [sflag:s20], $0x1900  }
0x6a: {  	[sflag:s20] =	ssyncset.done $0x0  }
0x6b: {  	[sflag:s20] =	ssyncadd.s32 $0xFFFFE700  }
0x6c: {  	_ =	swait.ge [sflag:s26], $0x1900  }
0x6d: {  	[sflag:s26] =	ssyncset.done $0x0  }
0x6e: {  	s21 =	sadd.s32 $0x70, s0;
	[sflag:s26] =	ssyncadd.s32 $0xFFFFE700  }
0x6f: {  	[tilespmem:s23], [sflag:$0x1] =	stream.indirect.gather [hbm4b:s4+s22], $0x80, s21, s22, $0xb8;
	[tilespmem:$0x1E980] =	vst v63  }
.Ltmp1:
0x70: {  	_ = 	snop;
	(pc) =	sbr.rel @p0 .LBB2_4-.Ltmp1, $4  }
0x71: {  	s0 =	sadd.s32 $0x2BF8, s0  }
0x72: {  	[spmem:s2] =	stream.indirect.scatter.add.f32 [tilespmem:s25], [sflag:$0x3], $0x80, s0, s22, $0xb8;
	[tilespmem:$0x1E980] =	vst v63  }
0x73: {  	_ =	swait.ge [sflag:s20], $0x1900  }
0x74: {  	[sflag:s20] =	ssyncset.done $0x0  }
0x75: {  	[sflag:s20] =	ssyncadd.s32 $0xFFFFE700  }
0x76: {  	_ =	swait.ge [sflag:s24], $0x1900  }
0x77: {  	[sflag:s24] =	ssyncset.done $0x0  }
0x78: {  	s0 =	simm.s32 $0x2B88;
	[sflag:s24] =	ssyncadd.s32 $0xFFFFE700  }
0x79: {  	[tilespmem:s25], [sflag:$0x2] =	stream.indirect.gather [hbm4b:s4+s22], $0x80, s0, s22, $0xb8;
	[tilespmem:$0x1E980] =	vst v63  }
0x7a: {  	_ = 	snop  }
0x7b: {  	[spmem:s2] =	stream.indirect.scatter.add.f32 [tilespmem:s23], [sflag:$0x3], $0x80, s29, s22, $0xb8;
	[tilespmem:$0x1E980] =	vst v63  }
0x7c: {  	_ =	swait.ge [sflag:s20], $0x1900  }
0x7d: {  	[sflag:s20] =	ssyncset.done $0x0  }
0x7e: {  	[sflag:s20] =	ssyncadd.s32 $0xFFFFE700  }
0x7f: {  	_ =	swait.ge [sflag:s26], $0x1900  }
0x80: {  	[sflag:s26] =	ssyncset.done $0x0  }
0x81: {  	[sflag:s26] =	ssyncadd.s32 $0xFFFFE700  }
0x82: {  	[spmem:s2] =	stream.indirect.scatter.add.f32 [tilespmem:s25], [sflag:$0x3], $0x80, s30, s22, $0xb8;
	[tilespmem:$0x1E980] =	vst v63  }
0x83: {  	s28 =	stileid.u32;
	_ =	swait.ge [sflag:s20], $0x1900  }
0x84: {  	s1 =	sshrl.u32 s5, $0x3;
	s31 =	sadd.s32 $0x1, s31;
	[sflag:s20] =	ssyncset.done $0x0  }
0x85: {  	p0 =	sne.s32 s31, s18;
	s0 =	sshll.u32 s28, $0x6;
	[sflag:s20] =	ssyncadd.s32 $0xFFFFE700  }
.Ltmp2:
0x86: {  	s0 =	sor.u32 $0x1C03, s0;
	[bflag:$0x0] =	sbarrier.arrive $0xFFFF;
	(pc) =	sbr.rel @p0 .LBB2_1-.Ltmp2, $4  }
0x87: {  	[hbm:s17], [sflag:s0] =	dma.local [spmem:s1], $0x2800  }
0x88: {  	_ =	swait.ge [sflag:s20], $0x2800  }
0x89: {  	[sflag:s20] =	ssyncset.done $0x0  }
0x8a: {  	[sflag:s20] =	ssyncadd.s32 $0xFFFFD800  }
0x8b: {  	_ =	sfence.sel $0x180000  }
0x8c: {  	[bflag:$0x0] =	sbarrier.arrive $0xFFFF  }
0x8d: {  	_ =	strace $0x9000004A  }
0x8e: {  	s0 =	stileid.u32;
	[bflag:$0x2] =	sbarrier.arrive $0xFFFF  }
0x8f: {  	p0 =	sne.s32 s0, $0x0;
	s0 =	rddreg [dreg:$0x2]  }
0x90: {  	s0 =	sadd.s32 @!p0 $0x100000, s0  }
0x91: {  	[sflag:s0] =	ssyncadd.tile.s32 @!p0 $0x1;
	_ =	shalt  }
.Lfunc_end2:
_tile_overlayer_lowered:
.L_overlay_start_2:
0x92: {  	(tag) =	ssettag $0x2  }
0x93: {  	s0 =	rddreg [dreg:$0x0];
	s2 =	stileid.u32  }
0x94: {  	s1 =	rddreg [dreg:$0x1];
	p0 =	sne.s32 s2, $0x0  }
0x95: {  	s3 =	rddreg [dreg:$0x2];
	[bflag:$0x3] =	sbarrier.arrive $0xFFFF;
	s2 =	simm.s32 @!p0 $0x1C03  }
0x96: {  	[timem:s3], [sflag:s2] =	dma.local @!p0 [hbm:s0], s1  }
0x97: {  	s0 =	simm.s32 @!p0 $0x3  }
0x98: {  	_ =	swait.ge @!p0 [sflag:s0], s1  }
0x99: {  	s1 =	ssub.s32 @!p0 $0x0, s1;
	[sflag:s0] =	ssyncset.done @!p0 $0x0  }
0x9a: {  	[sflag:s0] =	ssyncadd.s32 @!p0 s1  }
0x9b: {  	[bflag:$0x3] =	sbarrier.arrive $0xFFFF  }
0x9c: {  	_ =	shalt  }

// kernel: kernel.16.cloned.1.call-start
scs
__scs_entry_jumppad:
0x0: {  	(pc) =	sbr.rel $0x88, $3  }
0x1: {  	(tag) =	ssettag $0x0;
	lr =	simm.s32 $0x1  }
0x2: {  	[smem:$0x3F99] =	sst lr;
	_ =	strace $0xD0000000  }
0x3: {  	_ = 	snop  }
0x4: {  	_ = 	snop  }
0x5: {  	_ = 	snop  }
0x6: {  	_ = 	snop  }
0x7: {  	_ = 	snop  }
__scs_overlays_trampoline_lowered:
0x8: {  	[smem:$0x3FA8] =	sst s0  }
0x9: {  	[smem:$0x3FA9] =	sst s1  }
0xa: {  	[smem:$0x3FAA] =	sst s2  }
0xb: {  	[smem:$0x3FAB] =	sst s3  }
0xc: {  	[smem:$0x3FAC] =	sst s4  }
0xd: {  	[smem:$0x3FAD] =	sst s5  }
0xe: {  	[smem:$0x3FAE] =	sst s6  }
0xf: {  	[smem:$0x3FAF] =	sst s7  }
0x10: {  	[smem:$0x3FB0] =	sst s8  }
0x11: {  	[smem:$0x3FB1] =	sst s9;
	s0 =	simm.s32 @!p0 $0x0  }
0x12: {  	s1 =	sld [smem:$0x3F97];
	s0 =	simm.s32 @p0 $0x1  }
0x13: {  	[smem:$0x3FB2] =	sst s0;
	s0 =	simm.s32 @!p1 $0x0  }
0x14: {  	s2 =	sld [smem:$0x3F96];
	s0 =	simm.s32 @p1 $0x1  }
0x15: {  	[smem:$0x3FB3] =	sst s0;
	s0 =	simm.s32 @!p2 $0x0  }
0x16: {  	s3 =	sld [smem:$0x3FDB];
	s0 =	simm.s32 @p2 $0x1  }
0x17: {  	s4 =	simm.s32 $0x1BF5;
	[smem:$0x3FB5] =	sst s0  }
0x18: {  	s0 =	sld [smem:$0x3F98];
	_ =	swait.ge [sflag:s4], $0x0  }
0x19: {  	s7 =	sld [smem:$0x3F99]  }
0x1a: {  	s8 =	sadd.s32 $0xFFFFE003, lr  }
0x1b: {  	s9 =	sadd.s32 $0xFFFFFEF7, lr;
	s5 =	simm.s32 $0xFFFFFFFF;
	p2 =	slt.u32 s8, $0xFFFFF086  }
0x1c: {  	p1 =	slt.u32 s9, $0xF7A;
	s5 =	simm.s32 @!p2 $0x0  }
0x1d: {  	s5 =	simm.s32 @p1 $0x1;
	p0 =	seq.s32 s7, s2  }
0x1e: {  	s7 =	smul.u32 @!p0 $0xF7A, s2;
	p2 =	seq.s32 @!p0 s5, $0x0  }
0x1f: {  	s9 =	smul.u32 $0xF7A, s1;
	s8 =	simm.s32 @!p0 $0x1BF5;
	p2 =	por !p2, p0  }
0x20: {  	[sflag:s8] =	ssyncset.s32 @!p0 $0xFFFFF086;
	s6 =	sadd.s32 @!p0 s3, s7;
	s7 =	simm.s32 @!p0 $0x108  }
0x21: {  	s3 =	sadd.s32 s3, s9;
	s6 =	sadd.s32 @!p0 $0x88, s6;
	s7 =	simm.s32 @p2 $0x1082  }
0x22: {  	[simem:s7], [sflag:s8] =	dma.local @!p0 [hbm:s6], $0xF7A  }
0x23: {  	s9 =	sor.u32 $0xD0000000, s2;
	s6 =	simm.s32 $0x108;
	_ =	swait.ge @!p0 [sflag:s8], $0x0  }
0x24: {  	s3 =	sadd.s32 $0x88, s3;
	s6 =	simm.s32 @!p1 $0x1082;
	[sflag:s4] =	ssyncset.s32 $0xFFFFF086  }
0x25: {  	[simem:s6], [sflag:s4] =	dma.local [hbm:s3], $0xF7A  }
0x26: {  	[smem:$0x3F99] =	sst s1;
	(tag) =	ssettag s2;
	_ =	strace s9  }
0x27: {  	s1 =	sld [smem:$0x3FA9]  }
0x28: {  	s2 =	sld [smem:$0x3FAA]  }
0x29: {  	s4 =	sld [smem:$0x3FAC]  }
0x2a: {  	p0 =	seq.s32 s5, $0x0;
	s5 =	sld [smem:$0x3FAD]  }
0x2b: {  	s6 =	sld [smem:$0x3FAE]  }
0x2c: {  	s7 =	sld [smem:$0x3FAF]  }
0x2d: {  	s3 =	simm.s32 $0x108;
	s8 =	sld [smem:$0x3FB0]  }
0x2e: {  	s3 =	simm.s32 @!p0 $0x1082;
	s9 =	sld [smem:$0x3FB1]  }
0x2f: {  	lr =	sadd.s32 s0, s3;
	s0 =	sld [smem:$0x3FA8]  }
0x30: {  	s3 =	sld [smem:$0x3FAB]  }
0x31: {  	[smem:$0x3FB4] =	sst s10  }
0x32: {  	s10 =	sld [smem:$0x3FB2];
	_ =	sdelay $0x3  }
0x33: {  	p0 =	seq.s32 s10, $0x1;
	s10 =	sld [smem:$0x3FB4];
	_ =	sdelay $0x3  }
0x34: {  	[smem:$0x3FB4] =	sst s10  }
0x35: {  	s10 =	sld [smem:$0x3FB3];
	_ =	sdelay $0x3  }
0x36: {  	p1 =	seq.s32 s10, $0x1;
	s10 =	sld [smem:$0x3FB4];
	_ =	sdelay $0x3  }
0x37: {  	[smem:$0x3FB4] =	sst s10  }
0x38: {  	s10 =	sld [smem:$0x3FB5]  }
0x39: {  	_ = 	snop;
	(pc) =	sbr.ind lr, $3  }
0x3a: {  	_ = 	snop  }
0x3b: {  	_ = 	snop  }
0x3c: {  	p2 =	seq.s32 s10, $0x1;
	s10 =	sld [smem:$0x3FB4]  }
0x3d: {  	_ =	shalt  }
0x3e: {  	_ =	shalt  }
0x3f: {  	_ =	shalt  }
0x40: {  	_ =	shalt  }
0x41: {  	_ =	shalt  }
0x42: {  	_ =	shalt  }
0x43: {  	_ =	shalt  }
0x44: {  	_ =	shalt  }
0x45: {  	_ =	shalt  }
0x46: {  	_ =	shalt  }
0x47: {  	_ =	shalt  }
0x48: {  	_ =	shalt  }
0x49: {  	_ =	shalt  }
0x4a: {  	_ =	shalt  }
0x4b: {  	_ =	shalt  }
0x4c: {  	_ =	shalt  }
0x4d: {  	_ =	shalt  }
0x4e: {  	_ =	shalt  }
0x4f: {  	_ =	shalt  }
0x50: {  	_ =	shalt  }
0x51: {  	_ =	shalt  }
0x52: {  	_ =	shalt  }
0x53: {  	_ =	shalt  }
0x54: {  	_ =	shalt  }
0x55: {  	_ =	shalt  }
0x56: {  	_ =	shalt  }
0x57: {  	_ =	shalt  }
0x58: {  	_ =	shalt  }
0x59: {  	_ =	shalt  }
0x5a: {  	_ =	shalt  }
0x5b: {  	_ =	shalt  }
0x5c: {  	_ =	shalt  }
0x5d: {  	_ =	shalt  }
0x5e: {  	_ =	shalt  }
0x5f: {  	_ =	shalt  }
0x60: {  	_ =	shalt  }
0x61: {  	_ =	shalt  }
0x62: {  	_ =	shalt  }
0x63: {  	_ =	shalt  }
0x64: {  	_ =	shalt  }
0x65: {  	_ =	shalt  }
0x66: {  	_ =	shalt  }
0x67: {  	_ =	shalt  }
0x68: {  	_ =	shalt  }
0x69: {  	_ =	shalt  }
0x6a: {  	_ =	shalt  }
0x6b: {  	_ =	shalt  }
0x6c: {  	_ =	shalt  }
0x6d: {  	_ =	shalt  }
0x6e: {  	_ =	shalt  }
0x6f: {  	_ =	shalt  }
0x70: {  	_ =	shalt  }
0x71: {  	_ =	shalt  }
0x72: {  	_ =	shalt  }
0x73: {  	_ =	shalt  }
0x74: {  	_ =	shalt  }
0x75: {  	_ =	shalt  }
0x76: {  	_ =	shalt  }
0x77: {  	_ =	shalt  }
0x78: {  	_ =	shalt  }
0x79: {  	_ =	shalt  }
0x7a: {  	_ =	shalt  }
0x7b: {  	_ =	shalt  }
0x7c: {  	_ =	shalt  }
0x7d: {  	_ =	shalt  }
0x7e: {  	_ =	shalt  }
0x7f: {  	_ =	shalt  }
0x80: {  	_ =	shalt  }
0x81: {  	_ =	shalt  }
0x82: {  	_ =	shalt  }
0x83: {  	_ =	shalt  }
0x84: {  	_ =	shalt  }
0x85: {  	_ =	shalt  }
0x86: {  	_ =	shalt  }
0x87: {  	_ =	shalt  }
.Lfunc_end0:
.L_simem_size_0:
called_computation.2_lowered:
.L_overlay_start_0:
0x88: {  	s2 =	sld [smem:$0x3FD9]  }
0x89: {  	s3 =	sld [smem:$0x3FFE];
	_ =	sdelay $0x1  }
0x8a: {  	s1 =	srdreg.scid  }
0x8b: {  	s0 =	sand.u32 $0x1, s1  }
0x8c: {  	s16 =	sshll.u32 s0, $0xA;
	s2 =	sadd.s32 s3, s2  }
0x8d: {  	s2 =	sadd.s32 s2, s16  }
0x8e: {  	[smem:$0x3FC0] =	sst s2  }
0x8f: {  	_ = 	snop  }
0x90: {  	(tm) =	ssettm $0x1  }
0x91: {  	s17 =	sld [smem:$0x3FFB];
	_ =	sdelay $0x3  }
0x92: {  	_ =	strace s17  }
0x93: {  	s2 =	sld [smem:$0x3FFC];
	_ =	sdelay $0x3  }
0x94: {  	_ =	strace s2  }
0x95: {  	s2 =	sld [smem:$0x3FFD];
	_ =	sdelay $0x3  }
0x96: {  	_ =	strace s2  }
0x97: {  	_ =	strace $0x8FFFFFFF  }
0x98: {  	s18 =	sld [smem:$0x3FDB];
	_ =	sdelay $0x1  }
0x99: {  	s19 =	simm.s32 $_scs_section_size  }
0x9a: {  	s4 =	simm.s32 $_size__tile_overlayer_lowered;
	s5 =	simm.s32 $_tile_overlayer_lowered  }
0x9b: {  	s22 =	simm.s32 $0x1BFF;
	s21 =	sshll.u32 s5, $0x1;
	s2 =	sadd.s32 s19, s18  }
0x9c: {  	s6 =	simm.s32 $0x0;
	s20 =	sshll.u32 s4, $0x1;
	s4 =	sadd.s32 s21, s2  }
0x9d: {  	[timem:s6], [sflag:s22] =	dma.local [hbm:s4], s20  }
0x9e: {  	_ =	swait.ge [sflag:s22], s20  }
0x9f: {  	s3 =	ssub.s32 $0x0, s20;
	[sflag:s22] =	ssyncset.done $0x0  }
0xa0: {  	[sflag:s22] =	ssyncadd.s32 s3;
	_ =	sdelay $0x1  }
0xa1: {  	s23 =	simm.s32 $0x1B8B  }
0xa2: {  	_ =	swait.ge [sflag:s23], $0x1  }
0xa3: {  	[sflag:s23] =	ssyncset.done $0x0  }
0xa4: {  	s25 =	simm.s32 $0x1B8E;
	s24 =	sld [smem:$0x3FFE];
	[sflag:s23] =	ssyncadd.s32 $0xFFFFFFFF  }
0xa5: {  	s26 =	simm.s32 $execute0_lowered;
	[smem:$0x3FD2] =	sst s25  }
0xa6: {  	s4 =	sshll.u32 s26, $0x1;
	_ =	strace $0x8000004C;
	[dreg:$0x1] =	wrdreg $0xFFFFFFFF  }
0xa7: {  	s28 =	simm.s32 $_size_execute0_lowered;
	s2 =	sadd.s32 s2, s4;
	[dreg:$0x0] =	wrdreg $0x0  }
0xa8: {  	s4 =	sshll.u32 s28, $0x1;
	[dreg:$0x2] =	wrdreg s2  }
0xa9: {  	[dreg:$0x3] =	wrdreg s4  }
0xaa: {  	[dreg:$0x4] =	wrdreg $0xC0  }
0xab: {  	_ =	task [dreg:s6], $0x5FFFF  }
0xac: {  	[dreg:$0x1] =	wrdreg $0xFFFFFFFF  }
0xad: {  	[dreg:$0x0] =	wrdreg $0x60  }
0xae: {  	[dreg:$0x2] =	wrdreg s24  }
0xaf: {  	[dreg:$0x3] =	wrdreg $0x93400  }
0xb0: {  	[dreg:$0x4] =	wrdreg $0x9  }
0xb1: {  	_ =	task.clear_ibuf [dreg:s6], $0x5FFFF;
	_ =	strace $0x9000004C  }
0xb2: {  	s29 =	simm.s32 $0x9;
	_ =	strace $0x8000004E  }
0xb3: {  	_ =	swait.ge [sflag:s29], $0x1  }
0xb4: {  	[sflag:s29] =	ssyncadd.s32 $0xFFFFFFFF  }
0xb5: {  	_ =	strace $0x9000004E  }
0xb6: {  	_ =	sfence  }
0xb7: {  	s30 =	sld [smem:$0x0];
	_ =	sdelay $0x2  }
0xb8: {  	s31 =	sshll.u32 s1, $0xD;
	s1 =	sshrl.u32 s1, $0x2  }
0xb9: {  	s3 =	sand.u32 $0x4000, s31;
	s1 =	sadd.s32 s1, s30  }
0xba: {  	s0 =	sor.u32 s3, s0;
	s1 =	sshll.u32 s1, $0x11  }
0xbb: {  	s0 =	sor.u32 s1, s0  }
0xbc: {  	s0 =	sadd.s32 $0x8F2B, s0  }
0xbd: {  	[sflag:s0] =	ssyncadd.remote.s32 $0x1  }
0xbe: {  	_ =	sfence.sel $0xFFFF  }
0xbf: {  	[dreg:$0x0] =	wrdreg $0xFFFFFFFF;
	(pc) =	sbr.abs _section_cstart, $3  }
0xc0: {  	[dreg:$0x1] =	wrdreg $0xFFFFFFFF  }
0xc1: {  	_ =	task.clear_ibuf [dreg:s6], $0x2FFFF;
	_ =	strace $0x9FFFFFFF  }
0xc2: {  	(tm) =	ssettm $0x7FFFFFFF  }
0xc3: {  	_ =	shalt  }
tec
execute0_lowered:
.L_overlay_start_1:
0x0: {  	(tag) =	ssettag $0x1  }
0x1: {  	s0 =	srdreg.scid  }
0x2: {  	s4 =	stileid.u32;
	s5 =	rddreg [dreg:$0x0]  }
0x3: {  	s2 =	rddreg [dreg:$0x1];
	s3 =	simm.s32 $0x0;
	s19 =	simm.s32 $0x8340  }
0x4: {  	s20 =	simm.s32 $0x3;
	s22 =	simm.s32 $0x64;
	s23 =	simm.s32 $0x5140  }
0x5: {  	s24 =	simm.s32 $0x1;
	s25 =	simm.s32 $0x6A40;
	s26 =	simm.s32 $0x2  }
0x6: {  	s29 =	simm.s32 $0x5070;
	s30 =	simm.s32 $0x50D8;
	s31 =	simm.s32 $0x0  }
0x7: {  	s0 =	sand.u32 $0x1, s0;
	s1 =	sshll.u32 s4, $0x1;
	s6 =	smul.u32 $0xA000, s4  }
0x8: {  	[smem:$0x7FF] =	sst s3;
	s8 =	smul.u32 $0x28000, s4;
	s4 =	sadd.s32 $0xCC00, s5  }
0x9: {  	s1 =	sor.u32 s0, s1;
	s7 =	smul.u32 $0xA0000, s0;
	_ =	strace $0x8000004D  }
0xa: {  	s0 =	ssub.s32 $0x2, s0;
	s1 =	smul.u32 $0x514, s1;
	s8 =	sshrl.u32 s8, $0x2  }
0xb: {  	s28 =	sshrl.u32 s0, $0x1;
	s7 =	sadd.s32 s6, s7;
	s14 =	sadd.s32 s8, s2  }
0xc: {  	s0 =	ssub.s32 s0, s28;
	s1 =	sadd.s32 s1, s5;
	s7 =	sshrl.u32 s7, $0x3  }
0xd: {  	s8 =	sadd.s32 $0x3000, s14;
	s9 =	sadd.s32 $0x4000, s14;
	s10 =	sadd.s32 $0x5000, s14  }
0xe: {  	s11 =	sadd.s32 $0x6000, s14;
	s12 =	sadd.s32 $0x7000, s14;
	s13 =	sadd.s32 $0x8000, s14  }
0xf: {  	s18 =	smax.u32 s0, $0x1;
	s17 =	sadd.s32 s7, s5;
	s5 =	sadd.s32 s6, s2  }
0x10: {  	s6 =	sadd.s32 $0x1000, s14;
	s7 =	sadd.s32 $0x2000, s14;
	s14 =	sadd.s32 $0x9000, s14  }
0x11: {  	v0 =	vimm.f32 $0.0e+00;
	s15 =	sadd.s32 $0xA3E00, s1;
	s16 =	sadd.s32 $0x2800, s1;
	s17 =	sadd.s32 $0x20600, s17  }
.LBB2_1:
0x12: {  	s0 =	sand.u32 $0x3F00, s3  }
0x13: {  	s21 =	sand.u32 $0x30, s3;
	s0 =	sshrl.u32 s0, $0x2  }
0x14: {  	s1 =	simm.s32 $0x40;
	s21 =	sor.u32 s21, s0;
	s0 =	simm.s32 $0x0  }
.LBB2_2:
0x15: {  	p0 =	sne.s32 s1, $0x3FC0  }
0x16: {  	[tilespmem:s21+$0x8340] =	vst v0;
	s0 =	sadd.s32 $0x10, s0;
	s21 =	smov.u32 s1;
	s1 =	sadd.s32 $0x40, s1  }
.Ltmp0:
0x17: {  	(pc) =	sbr.rel @p0 .LBB2_2-.Ltmp0, $4  }
0x18: {  	_ = 	snop  }
0x19: {  	s21 =	sand.u32 $0x3F00, s21  }
0x1a: {  	s28 =	sand.u32 $0x30, s0;
	s21 =	sshrl.u32 s21, $0x2  }
0x1b: {  	s21 =	sor.u32 s28, s21  }
0x1c: {  	[tilespmem:s21+$0x8340] =	vst v0  }
0x1d: {  	[spmem:s5] =	stream.linear.scatter [tilespmem:s19], [sflag:$0x3], $0x1000, $0x38;
	[tilespmem:$0x13340] =	vst v63  }
0x1e: {  	_ =	swait.ge [sflag:s20], $0x1000  }
0x1f: {  	[sflag:s20] =	ssyncset.done $0x0  }
0x20: {  	[sflag:s20] =	ssyncadd.s32 $0xFFFFF000  }
0x21: {  	[spmem:s6] =	stream.linear.scatter [tilespmem:s19], [sflag:$0x3], $0x1000, $0x38;
	[tilespmem:$0x13340] =	vst v63  }
0x22: {  	_ =	swait.ge [sflag:s20], $0x1000  }
0x23: {  	[sflag:s20] =	ssyncset.done $0x0  }
0x24: {  	[sflag:s20] =	ssyncadd.s32 $0xFFFFF000  }
0x25: {  	[spmem:s7] =	stream.linear.scatter [tilespmem:s19], [sflag:$0x3], $0x1000, $0x38;
	[tilespmem:$0x13340] =	vst v63  }
0x26: {  	_ =	swait.ge [sflag:s20], $0x1000  }
0x27: {  	[sflag:s20] =	ssyncset.done $0x0  }
0x28: {  	[sflag:s20] =	ssyncadd.s32 $0xFFFFF000  }
0x29: {  	[spmem:s8] =	stream.linear.scatter [tilespmem:s19], [sflag:$0x3], $0x1000, $0x38;
	[tilespmem:$0x13340] =	vst v63  }
0x2a: {  	_ =	swait.ge [sflag:s20], $0x1000  }
0x2b: {  	[sflag:s20] =	ssyncset.done $0x0  }
0x2c: {  	[sflag:s20] =	ssyncadd.s32 $0xFFFFF000  }
0x2d: {  	[spmem:s9] =	stream.linear.scatter [tilespmem:s19], [sflag:$0x3], $0x1000, $0x38;
	[tilespmem:$0x13340] =	vst v63  }
0x2e: {  	_ =	swait.ge [sflag:s20], $0x1000  }
0x2f: {  	[sflag:s20] =	ssyncset.done $0x0  }
0x30: {  	[sflag:s20] =	ssyncadd.s32 $0xFFFFF000  }
0x31: {  	[spmem:s10] =	stream.linear.scatter [tilespmem:s19], [sflag:$0x3], $0x1000, $0x38;
	[tilespmem:$0x13340] =	vst v63  }
0x32: {  	_ =	swait.ge [sflag:s20], $0x1000  }
0x33: {  	[sflag:s20] =	ssyncset.done $0x0  }
0x34: {  	[sflag:s20] =	ssyncadd.s32 $0xFFFFF000  }
0x35: {  	[spmem:s11] =	stream.linear.scatter [tilespmem:s19], [sflag:$0x3], $0x1000, $0x38;
	[tilespmem:$0x13340] =	vst v63  }
0x36: {  	_ =	swait.ge [sflag:s20], $0x1000  }
0x37: {  	[sflag:s20] =	ssyncset.done $0x0  }
0x38: {  	[sflag:s20] =	ssyncadd.s32 $0xFFFFF000  }
0x39: {  	[spmem:s12] =	stream.linear.scatter [tilespmem:s19], [sflag:$0x3], $0x1000, $0x38;
	[tilespmem:$0x13340] =	vst v63  }
0x3a: {  	_ =	swait.ge [sflag:s20], $0x1000  }
0x3b: {  	[sflag:s20] =	ssyncset.done $0x0  }
0x3c: {  	[sflag:s20] =	ssyncadd.s32 $0xFFFFF000  }
0x3d: {  	[spmem:s13] =	stream.linear.scatter [tilespmem:s19], [sflag:$0x3], $0x1000, $0x38;
	[tilespmem:$0x13340] =	vst v63  }
0x3e: {  	_ =	swait.ge [sflag:s20], $0x1000  }
0x3f: {  	[sflag:s20] =	ssyncset.done $0x0  }
0x40: {  	[sflag:s20] =	ssyncadd.s32 $0xFFFFF000  }
0x41: {  	[spmem:s14] =	stream.linear.scatter [tilespmem:s19], [sflag:$0x3], $0x1000, $0x38;
	[tilespmem:$0x13340] =	vst v63  }
0x42: {  	_ =	swait.ge [sflag:s20], $0x1000  }
0x43: {  	[sflag:s20] =	ssyncset.done $0x0  }
0x44: {  	s0 =	simm.s32 $0x0;
	[sflag:s20] =	ssyncadd.s32 $0xFFFFF000  }
0x45: {  	[tilespmem:s0], [sflag:$0x3] =	stream.linear.gather [hbm4b:s15+s0], $0x28A0, $0x38;
	[tilespmem:$0x13340] =	vst v63  }
0x46: {  	_ =	swait.ge [sflag:s20], $0x28A0  }
0x47: {  	[sflag:s20] =	ssyncset.done $0x0  }
0x48: {  	s1 =	simm.s32 $0x28A0;
	[sflag:s20] =	ssyncadd.s32 $0xFFFFD760  }
0x49: {  	[tilespmem:s1], [sflag:$0x3] =	stream.linear.gather [hbm4b:s16+s0], $0x28A0, $0x38;
	[tilespmem:$0x13340] =	vst v63  }
0x4a: {  	_ =	swait.ge [sflag:s20], $0x28A0  }
0x4b: {  	[sflag:s20] =	ssyncset.done $0x0  }
0x4c: {  	[sflag:s20] =	ssyncadd.s32 $0xFFFFD760  }
0x4d: {  	[bflag:$0x0] =	sbarrier.arrive $0xFFFF  }
0x4e: {  	[tilespmem:s23], [sflag:$0x1] =	stream.indirect.gather [hbm4b:s4+s22], $0x40, s0, s22, $0xb8;
	[tilespmem:$0x13340] =	vst v63  }
0x4f: {  	_ =	swait.ge [sflag:s24], $0x1900  }
0x50: {  	[sflag:s24] =	ssyncset.done $0x0  }
0x51: {  	s28 =	simm.s32 $0x68;
	[sflag:s24] =	ssyncadd.s32 $0xFFFFE700  }
0x52: {  	[tilespmem:s25], [sflag:$0x2] =	stream.indirect.gather [hbm4b:s4+s22], $0x40, s28, s22, $0xb8;
	[tilespmem:$0x13340] =	vst v63  }
0x53: {  	s1 =	simm.s32 $0x28A0  }
0x54: {  	[spmem:s2] =	stream.indirect.scatter.add.f32 [tilespmem:s23], [sflag:$0x3], $0x40, s1, s22, $0xb8;
	[tilespmem:$0x13340] =	vst v63  }
0x55: {  	_ =	swait.ge [sflag:s20], $0x1900  }
0x56: {  	[sflag:s20] =	ssyncset.done $0x0  }
0x57: {  	[sflag:s20] =	ssyncadd.s32 $0xFFFFE700  }
0x58: {  	_ =	swait.ge [sflag:s26], $0x1900  }
0x59: {  	[sflag:s26] =	ssyncset.done $0x0  }
0x5a: {  	s21 =	simm.s32 $0xD0;
	[sflag:s26] =	ssyncadd.s32 $0xFFFFE700  }
0x5b: {  	[tilespmem:s23], [sflag:$0x1] =	stream.indirect.gather [hbm4b:s4+s22], $0x40, s21, s22, $0xb8;
	[tilespmem:$0x13340] =	vst v63  }
0x5c: {  	s28 =	simm.s32 $0x2908  }
0x5d: {  	[spmem:s2] =	stream.indirect.scatter.add.f32 [tilespmem:s25], [sflag:$0x3], $0x40, s28, s22, $0xb8;
	[tilespmem:$0x13340] =	vst v63  }
0x5e: {  	_ =	swait.ge [sflag:s20], $0x1900  }
0x5f: {  	s1 =	simm.s32 $0x340;
	[sflag:s20] =	ssyncset.done $0x0  }
.LBB2_4:
0x60: {  	p0 =	sne.s32 s1, $0x9C00  }
0x61: {  	[sflag:s20] =	ssyncadd.s32 $0xFFFFE700;
	s0 =	smov.u32 s1;
	s1 =	sadd.s32 $0x340, s1  }
0x62: {  	_ = 	snop  }
0x63: {  	_ =	swait.ge [sflag:s24], $0x1900  }
0x64: {  	s0 =	sshra.s32 s0, $0x2;
	[sflag:s24] =	ssyncset.done $0x0  }
0x65: {  	s21 =	sadd.s32 $0x68, s0;
	[sflag:s24] =	ssyncadd.s32 $0xFFFFE700  }
0x66: {  	[tilespmem:s25], [sflag:$0x2] =	stream.indirect.gather [hbm4b:s4+s22], $0x40, s21, s22, $0xb8;
	[tilespmem:$0x13340] =	vst v63  }
0x67: {  	s21 =	sadd.s32 $0x28A0, s0  }
0x68: {  	[spmem:s2] =	stream.indirect.scatter.add.f32 [tilespmem:s23], [sflag:$0x3], $0x40, s21, s22, $0xb8;
	[tilespmem:$0x13340] =	vst v63  }
0x69: {  	_ =	swait.ge [sflag:s20], $0x1900  }
0x6a: {  	[sflag:s20] =	ssyncset.done $0x0  }
0x6b: {  	[sflag:s20] =	ssyncadd.s32 $0xFFFFE700  }
0x6c: {  	_ =	swait.ge [sflag:s26], $0x1900  }
0x6d: {  	[sflag:s26] =	ssyncset.done $0x0  }
0x6e: {  	s21 =	sadd.s32 $0xD0, s0;
	[sflag:s26] =	ssyncadd.s32 $0xFFFFE700  }
0x6f: {  	[tilespmem:s23], [sflag:$0x1] =	stream.indirect.gather [hbm4b:s4+s22], $0x40, s21, s22, $0xb8;
	[tilespmem:$0x13340] =	vst v63  }
.Ltmp1:
0x70: {  	_ = 	snop;
	(pc) =	sbr.rel @p0 .LBB2_4-.Ltmp1, $4  }
0x71: {  	s0 =	sadd.s32 $0x2908, s0  }
0x72: {  	[spmem:s2] =	stream.indirect.scatter.add.f32 [tilespmem:s25], [sflag:$0x3], $0x40, s0, s22, $0xb8;
	[tilespmem:$0x13340] =	vst v63  }
0x73: {  	_ =	swait.ge [sflag:s20], $0x1900  }
0x74: {  	[sflag:s20] =	ssyncset.done $0x0  }
0x75: {  	[sflag:s20] =	ssyncadd.s32 $0xFFFFE700  }
0x76: {  	_ =	swait.ge [sflag:s24], $0x1900  }
0x77: {  	[sflag:s24] =	ssyncset.done $0x0  }
0x78: {  	s0 =	simm.s32 $0x2838;
	[sflag:s24] =	ssyncadd.s32 $0xFFFFE700  }
0x79: {  	[tilespmem:s25], [sflag:$0x2] =	stream.indirect.gather [hbm4b:s4+s22], $0x40, s0, s22, $0xb8;
	[tilespmem:$0x13340] =	vst v63  }
0x7a: {  	_ = 	snop  }
0x7b: {  	[spmem:s2] =	stream.indirect.scatter.add.f32 [tilespmem:s23], [sflag:$0x3], $0x40, s29, s22, $0xb8;
	[tilespmem:$0x13340] =	vst v63  }
0x7c: {  	_ =	swait.ge [sflag:s20], $0x1900  }
0x7d: {  	[sflag:s20] =	ssyncset.done $0x0  }
0x7e: {  	[sflag:s20] =	ssyncadd.s32 $0xFFFFE700  }
0x7f: {  	_ =	swait.ge [sflag:s26], $0x1900  }
0x80: {  	[sflag:s26] =	ssyncset.done $0x0  }
0x81: {  	[sflag:s26] =	ssyncadd.s32 $0xFFFFE700  }
0x82: {  	[spmem:s2] =	stream.indirect.scatter.add.f32 [tilespmem:s25], [sflag:$0x3], $0x40, s30, s22, $0xb8;
	[tilespmem:$0x13340] =	vst v63  }
0x83: {  	s28 =	stileid.u32;
	_ =	swait.ge [sflag:s20], $0x1900  }
0x84: {  	s1 =	sshrl.u32 s5, $0x3;
	s31 =	sadd.s32 $0x1, s31;
	[sflag:s20] =	ssyncset.done $0x0  }
0x85: {  	p0 =	sne.s32 s31, s18;
	s0 =	sshll.u32 s28, $0x6;
	[sflag:s20] =	ssyncadd.s32 $0xFFFFE700  }
.Ltmp2:
0x86: {  	s0 =	sor.u32 $0x1C03, s0;
	[bflag:$0x0] =	sbarrier.arrive $0xFFFF;
	(pc) =	sbr.rel @p0 .LBB2_1-.Ltmp2, $4  }
0x87: {  	[hbm:s17], [sflag:s0] =	dma.local [spmem:s1], $0x1400  }
0x88: {  	_ =	swait.ge [sflag:s20], $0x1400  }
0x89: {  	[sflag:s20] =	ssyncset.done $0x0  }
0x8a: {  	[sflag:s20] =	ssyncadd.s32 $0xFFFFEC00  }
0x8b: {  	_ =	sfence.sel $0x180000  }
0x8c: {  	[bflag:$0x0] =	sbarrier.arrive $0xFFFF  }
0x8d: {  	_ =	strace $0x9000004D  }
0x8e: {  	s0 =	stileid.u32;
	[bflag:$0x2] =	sbarrier.arrive $0xFFFF  }
0x8f: {  	p0 =	sne.s32 s0, $0x0;
	s0 =	rddreg [dreg:$0x2]  }
0x90: {  	s0 =	sadd.s32 @!p0 $0x100000, s0  }
0x91: {  	[sflag:s0] =	ssyncadd.tile.s32 @!p0 $0x1;
	_ =	shalt  }
.Lfunc_end2:
_tile_overlayer_lowered:
.L_overlay_start_2:
0x92: {  	(tag) =	ssettag $0x2  }
0x93: {  	s0 =	rddreg [dreg:$0x0];
	s2 =	stileid.u32  }
0x94: {  	s1 =	rddreg [dreg:$0x1];
	p0 =	sne.s32 s2, $0x0  }
0x95: {  	s3 =	rddreg [dreg:$0x2];
	[bflag:$0x3] =	sbarrier.arrive $0xFFFF;
	s2 =	simm.s32 @!p0 $0x1C03  }
0x96: {  	[timem:s3], [sflag:s2] =	dma.local @!p0 [hbm:s0], s1  }
0x97: {  	s0 =	simm.s32 @!p0 $0x3  }
0x98: {  	_ =	swait.ge @!p0 [sflag:s0], s1  }
0x99: {  	s1 =	ssub.s32 @!p0 $0x0, s1;
	[sflag:s0] =	ssyncset.done @!p0 $0x0  }
0x9a: {  	[sflag:s0] =	ssyncadd.s32 @!p0 s1  }
0x9b: {  	[bflag:$0x3] =	sbarrier.arrive $0xFFFF  }
0x9c: {  	_ =	shalt  }

// kernel: kernel.19.cloned.1.call-start
scs
__scs_entry_jumppad:
0x0: {  	(pc) =	sbr.rel $0x88, $3  }
0x1: {  	(tag) =	ssettag $0x0;
	lr =	simm.s32 $0x1  }
0x2: {  	[smem:$0x3F99] =	sst lr;
	_ =	strace $0xD0000000  }
0x3: {  	_ = 	snop  }
0x4: {  	_ = 	snop  }
0x5: {  	_ = 	snop  }
0x6: {  	_ = 	snop  }
0x7: {  	_ = 	snop  }
__scs_overlays_trampoline_lowered:
0x8: {  	[smem:$0x3FA8] =	sst s0  }
0x9: {  	[smem:$0x3FA9] =	sst s1  }
0xa: {  	[smem:$0x3FAA] =	sst s2  }
0xb: {  	[smem:$0x3FAB] =	sst s3  }
0xc: {  	[smem:$0x3FAC] =	sst s4  }
0xd: {  	[smem:$0x3FAD] =	sst s5  }
0xe: {  	[smem:$0x3FAE] =	sst s6  }
0xf: {  	[smem:$0x3FAF] =	sst s7  }
0x10: {  	[smem:$0x3FB0] =	sst s8  }
0x11: {  	[smem:$0x3FB1] =	sst s9;
	s0 =	simm.s32 @!p0 $0x0  }
0x12: {  	s1 =	sld [smem:$0x3F97];
	s0 =	simm.s32 @p0 $0x1  }
0x13: {  	[smem:$0x3FB2] =	sst s0;
	s0 =	simm.s32 @!p1 $0x0  }
0x14: {  	s2 =	sld [smem:$0x3F96];
	s0 =	simm.s32 @p1 $0x1  }
0x15: {  	[smem:$0x3FB3] =	sst s0;
	s0 =	simm.s32 @!p2 $0x0  }
0x16: {  	s3 =	sld [smem:$0x3FDB];
	s0 =	simm.s32 @p2 $0x1  }
0x17: {  	s4 =	simm.s32 $0x1BF5;
	[smem:$0x3FB5] =	sst s0  }
0x18: {  	s0 =	sld [smem:$0x3F98];
	_ =	swait.ge [sflag:s4], $0x0  }
0x19: {  	s7 =	sld [smem:$0x3F99]  }
0x1a: {  	s8 =	sadd.s32 $0xFFFFE003, lr  }
0x1b: {  	s9 =	sadd.s32 $0xFFFFFEF7, lr;
	s5 =	simm.s32 $0xFFFFFFFF;
	p2 =	slt.u32 s8, $0xFFFFF086  }
0x1c: {  	p1 =	slt.u32 s9, $0xF7A;
	s5 =	simm.s32 @!p2 $0x0  }
0x1d: {  	s5 =	simm.s32 @p1 $0x1;
	p0 =	seq.s32 s7, s2  }
0x1e: {  	s7 =	smul.u32 @!p0 $0xF7A, s2;
	p2 =	seq.s32 @!p0 s5, $0x0  }
0x1f: {  	s9 =	smul.u32 $0xF7A, s1;
	s8 =	simm.s32 @!p0 $0x1BF5;
	p2 =	por !p2, p0  }
0x20: {  	[sflag:s8] =	ssyncset.s32 @!p0 $0xFFFFF086;
	s6 =	sadd.s32 @!p0 s3, s7;
	s7 =	simm.s32 @!p0 $0x108  }
0x21: {  	s3 =	sadd.s32 s3, s9;
	s6 =	sadd.s32 @!p0 $0x88, s6;
	s7 =	simm.s32 @p2 $0x1082  }
0x22: {  	[simem:s7], [sflag:s8] =	dma.local @!p0 [hbm:s6], $0xF7A  }
0x23: {  	s9 =	sor.u32 $0xD0000000, s2;
	s6 =	simm.s32 $0x108;
	_ =	swait.ge @!p0 [sflag:s8], $0x0  }
0x24: {  	s3 =	sadd.s32 $0x88, s3;
	s6 =	simm.s32 @!p1 $0x1082;
	[sflag:s4] =	ssyncset.s32 $0xFFFFF086  }
0x25: {  	[simem:s6], [sflag:s4] =	dma.local [hbm:s3], $0xF7A  }
0x26: {  	[smem:$0x3F99] =	sst s1;
	(tag) =	ssettag s2;
	_ =	strace s9  }
0x27: {  	s1 =	sld [smem:$0x3FA9]  }
0x28: {  	s2 =	sld [smem:$0x3FAA]  }
0x29: {  	s4 =	sld [smem:$0x3FAC]  }
0x2a: {  	p0 =	seq.s32 s5, $0x0;
	s5 =	sld [smem:$0x3FAD]  }
0x2b: {  	s6 =	sld [smem:$0x3FAE]  }
0x2c: {  	s7 =	sld [smem:$0x3FAF]  }
0x2d: {  	s3 =	simm.s32 $0x108;
	s8 =	sld [smem:$0x3FB0]  }
0x2e: {  	s3 =	simm.s32 @!p0 $0x1082;
	s9 =	sld [smem:$0x3FB1]  }
0x2f: {  	lr =	sadd.s32 s0, s3;
	s0 =	sld [smem:$0x3FA8]  }
0x30: {  	s3 =	sld [smem:$0x3FAB]  }
0x31: {  	[smem:$0x3FB4] =	sst s10  }
0x32: {  	s10 =	sld [smem:$0x3FB2];
	_ =	sdelay $0x3  }
0x33: {  	p0 =	seq.s32 s10, $0x1;
	s10 =	sld [smem:$0x3FB4];
	_ =	sdelay $0x3  }
0x34: {  	[smem:$0x3FB4] =	sst s10  }
0x35: {  	s10 =	sld [smem:$0x3FB3];
	_ =	sdelay $0x3  }
0x36: {  	p1 =	seq.s32 s10, $0x1;
	s10 =	sld [smem:$0x3FB4];
	_ =	sdelay $0x3  }
0x37: {  	[smem:$0x3FB4] =	sst s10  }
0x38: {  	s10 =	sld [smem:$0x3FB5]  }
0x39: {  	_ = 	snop;
	(pc) =	sbr.ind lr, $3  }
0x3a: {  	_ = 	snop  }
0x3b: {  	_ = 	snop  }
0x3c: {  	p2 =	seq.s32 s10, $0x1;
	s10 =	sld [smem:$0x3FB4]  }
0x3d: {  	_ =	shalt  }
0x3e: {  	_ =	shalt  }
0x3f: {  	_ =	shalt  }
0x40: {  	_ =	shalt  }
0x41: {  	_ =	shalt  }
0x42: {  	_ =	shalt  }
0x43: {  	_ =	shalt  }
0x44: {  	_ =	shalt  }
0x45: {  	_ =	shalt  }
0x46: {  	_ =	shalt  }
0x47: {  	_ =	shalt  }
0x48: {  	_ =	shalt  }
0x49: {  	_ =	shalt  }
0x4a: {  	_ =	shalt  }
0x4b: {  	_ =	shalt  }
0x4c: {  	_ =	shalt  }
0x4d: {  	_ =	shalt  }
0x4e: {  	_ =	shalt  }
0x4f: {  	_ =	shalt  }
0x50: {  	_ =	shalt  }
0x51: {  	_ =	shalt  }
0x52: {  	_ =	shalt  }
0x53: {  	_ =	shalt  }
0x54: {  	_ =	shalt  }
0x55: {  	_ =	shalt  }
0x56: {  	_ =	shalt  }
0x57: {  	_ =	shalt  }
0x58: {  	_ =	shalt  }
0x59: {  	_ =	shalt  }
0x5a: {  	_ =	shalt  }
0x5b: {  	_ =	shalt  }
0x5c: {  	_ =	shalt  }
0x5d: {  	_ =	shalt  }
0x5e: {  	_ =	shalt  }
0x5f: {  	_ =	shalt  }
0x60: {  	_ =	shalt  }
0x61: {  	_ =	shalt  }
0x62: {  	_ =	shalt  }
0x63: {  	_ =	shalt  }
0x64: {  	_ =	shalt  }
0x65: {  	_ =	shalt  }
0x66: {  	_ =	shalt  }
0x67: {  	_ =	shalt  }
0x68: {  	_ =	shalt  }
0x69: {  	_ =	shalt  }
0x6a: {  	_ =	shalt  }
0x6b: {  	_ =	shalt  }
0x6c: {  	_ =	shalt  }
0x6d: {  	_ =	shalt  }
0x6e: {  	_ =	shalt  }
0x6f: {  	_ =	shalt  }
0x70: {  	_ =	shalt  }
0x71: {  	_ =	shalt  }
0x72: {  	_ =	shalt  }
0x73: {  	_ =	shalt  }
0x74: {  	_ =	shalt  }
0x75: {  	_ =	shalt  }
0x76: {  	_ =	shalt  }
0x77: {  	_ =	shalt  }
0x78: {  	_ =	shalt  }
0x79: {  	_ =	shalt  }
0x7a: {  	_ =	shalt  }
0x7b: {  	_ =	shalt  }
0x7c: {  	_ =	shalt  }
0x7d: {  	_ =	shalt  }
0x7e: {  	_ =	shalt  }
0x7f: {  	_ =	shalt  }
0x80: {  	_ =	shalt  }
0x81: {  	_ =	shalt  }
0x82: {  	_ =	shalt  }
0x83: {  	_ =	shalt  }
0x84: {  	_ =	shalt  }
0x85: {  	_ =	shalt  }
0x86: {  	_ =	shalt  }
0x87: {  	_ =	shalt  }
.Lfunc_end0:
.L_simem_size_0:
called_computation.3_lowered:
.L_overlay_start_0:
0x88: {  	s2 =	sld [smem:$0x3FD9]  }
0x89: {  	s3 =	sld [smem:$0x3FFE];
	_ =	sdelay $0x1  }
0x8a: {  	s1 =	srdreg.scid  }
0x8b: {  	s0 =	sand.u32 $0x1, s1  }
0x8c: {  	s17 =	sshll.u32 s0, $0xA;
	s2 =	sadd.s32 s3, s2  }
0x8d: {  	s2 =	sadd.s32 s2, s17  }
0x8e: {  	[smem:$0x3FC0] =	sst s2  }
0x8f: {  	_ = 	snop  }
0x90: {  	s2 =	sld [smem:$0x3FD0];
	(tm) =	ssettm $0x1  }
0x91: {  	s18 =	sld [smem:$0x3FFB];
	_ =	sdelay $0x3  }
0x92: {  	_ =	strace s18  }
0x93: {  	s3 =	sld [smem:$0x3FFC];
	_ =	sdelay $0x3  }
0x94: {  	_ =	strace s3  }
0x95: {  	s3 =	sld [smem:$0x3FFD];
	_ =	sdelay $0x3  }
0x96: {  	_ =	strace s3  }
0x97: {  	_ =	strace $0x8FFFFFFF  }
0x98: {  	s19 =	sld [smem:$0x3FDB];
	_ =	sdelay $0x1  }
0x99: {  	s4 =	simm.s32 $_scs_section_size  }
0x9a: {  	s5 =	simm.s32 $_size__tile_overlayer_lowered;
	s6 =	simm.s32 $_tile_overlayer_lowered  }
0x9b: {  	s22 =	simm.s32 $0x1BFF;
	s21 =	sshll.u32 s6, $0x1;
	s3 =	sadd.s32 s4, s19  }
0x9c: {  	s7 =	simm.s32 $0x0;
	s20 =	sshll.u32 s5, $0x1;
	s5 =	sadd.s32 s21, s3  }
0x9d: {  	[timem:s7], [sflag:s22] =	dma.local [hbm:s5], s20  }
0x9e: {  	_ =	swait.ge [sflag:s22], s20  }
0x9f: {  	s4 =	ssub.s32 $0x0, s20;
	[sflag:s22] =	ssyncset.done $0x0  }
0xa0: {  	[sflag:s22] =	ssyncadd.s32 s4;
	_ =	sdelay $0x1  }
0xa1: {  	s23 =	simm.s32 $0x1B8B  }
0xa2: {  	_ =	swait.ge [sflag:s23], $0x1  }
0xa3: {  	[sflag:s23] =	ssyncset.done $0x0  }
0xa4: {  	s25 =	simm.s32 $0x1B8E;
	s24 =	sld [smem:$0x3FFE];
	[sflag:s23] =	ssyncadd.s32 $0xFFFFFFFF  }
0xa5: {  	s26 =	simm.s32 $execute0_lowered;
	[smem:$0x3FD2] =	sst s25  }
0xa6: {  	s5 =	sshll.u32 s26, $0x1;
	_ =	strace $0x8000004F;
	[dreg:$0x1] =	wrdreg $0xFFFFFFFF  }
0xa7: {  	s28 =	simm.s32 $_size_execute0_lowered;
	s3 =	sadd.s32 s3, s5;
	[dreg:$0x0] =	wrdreg $0x0  }
0xa8: {  	s5 =	sshll.u32 s28, $0x1;
	[dreg:$0x2] =	wrdreg s3  }
0xa9: {  	[dreg:$0x3] =	wrdreg s5  }
0xaa: {  	[dreg:$0x4] =	wrdreg $0xC0  }
0xab: {  	_ =	task [dreg:s7], $0x5FFFF  }
0xac: {  	[dreg:$0x1] =	wrdreg $0xFFFFFFFF  }
0xad: {  	[dreg:$0x0] =	wrdreg $0x60  }
0xae: {  	[dreg:$0x2] =	wrdreg s2  }
0xaf: {  	[dreg:$0x3] =	wrdreg s24  }
0xb0: {  	[dreg:$0x4] =	wrdreg $0x72400  }
0xb1: {  	[dreg:$0x5] =	wrdreg $0x9  }
0xb2: {  	_ =	task.clear_ibuf [dreg:s7], $0x6FFFF;
	_ =	strace $0x9000004F  }
0xb3: {  	s29 =	simm.s32 $0x9;
	_ =	strace $0x80000051  }
0xb4: {  	_ =	swait.ge [sflag:s29], $0x1  }
0xb5: {  	[sflag:s29] =	ssyncadd.s32 $0xFFFFFFFF  }
0xb6: {  	_ =	strace $0x90000051  }
0xb7: {  	_ =	sfence  }
0xb8: {  	s30 =	sld [smem:$0x0];
	_ =	sdelay $0x2  }
0xb9: {  	s31 =	sshll.u32 s1, $0xD;
	s1 =	sshrl.u32 s1, $0x2  }
0xba: {  	s3 =	sand.u32 $0x4000, s31;
	s1 =	sadd.s32 s1, s30  }
0xbb: {  	s0 =	sor.u32 s3, s0;
	s1 =	sshll.u32 s1, $0x11  }
0xbc: {  	s0 =	sor.u32 s1, s0  }
0xbd: {  	s0 =	sadd.s32 $0x8F2B, s0  }
0xbe: {  	[sflag:s0] =	ssyncadd.remote.s32 $0x1  }
0xbf: {  	_ =	sfence.sel $0xFFFF  }
0xc0: {  	[dreg:$0x0] =	wrdreg $0xFFFFFFFF;
	(pc) =	sbr.abs _section_cstart, $3  }
0xc1: {  	[dreg:$0x1] =	wrdreg $0xFFFFFFFF  }
0xc2: {  	_ =	task.clear_ibuf [dreg:s7], $0x2FFFF;
	_ =	strace $0x9FFFFFFF  }
0xc3: {  	(tm) =	ssettm $0x7FFFFFFF  }
tec
execute0_lowered:
.L_overlay_start_1:
0x0: {  	(tag) =	ssettag $0x1  }
0x1: {  	s2 =	rddreg [dreg:$0x0]  }
0x2: {  	s0 =	srdreg.scid;
	s5 =	rddreg [dreg:$0x1]  }
0x3: {  	s8 =	stileid.u32;
	s3 =	rddreg [dreg:$0x2];
	s4 =	simm.s32 $0x0  }
0x4: {  	s19 =	simm.s32 $0x6A40;
	s20 =	simm.s32 $0x3;
	s22 =	simm.s32 $0x64  }
0x5: {  	s23 =	simm.s32 $0x5140;
	s24 =	simm.s32 $0x1;
	s25 =	simm.s32 $0x5DC0  }
0x6: {  	s26 =	simm.s32 $0x2;
	s29 =	simm.s32 $0x5070;
	s30 =	simm.s32 $0x50D8  }
0x7: {  	s31 =	simm.s32 $0x0;
	s0 =	sand.u32 $0x1, s0;
	s6 =	smul.u32 $0x5000, s8  }
0x8: {  	s1 =	sshll.u32 s8, $0x1;
	[smem:$0x7FF] =	sst s4;
	s8 =	smul.u32 $0x14000, s8  }
0x9: {  	s1 =	sor.u32 s0, s1;
	s7 =	smul.u32 $0x50000, s0;
	_ =	strace $0x80000050  }
0xa: {  	s0 =	ssub.s32 $0x2, s0;
	s1 =	smul.u32 $0x514, s1;
	s8 =	sshrl.u32 s8, $0x2  }
0xb: {  	s28 =	sshrl.u32 s0, $0x1;
	s7 =	sadd.s32 s6, s7;
	s14 =	sadd.s32 s8, s3  }
0xc: {  	s0 =	ssub.s32 s0, s28;
	s1 =	sadd.s32 s1, s5;
	s7 =	sshrl.u32 s7, $0x3  }
0xd: {  	s8 =	sadd.s32 $0x1800, s14;
	s9 =	sadd.s32 $0x2000, s14;
	s10 =	sadd.s32 $0x2800, s14  }
0xe: {  	s11 =	sadd.s32 $0x3000, s14;
	s12 =	sadd.s32 $0x3800, s14;
	s13 =	sadd.s32 $0x4000, s14  }
0xf: {  	s18 =	smax.u32 s0, $0x1;
	s17 =	sadd.s32 s7, s5;
	s5 =	sadd.s32 s6, s3  }
0x10: {  	s6 =	sadd.s32 $0x800, s14;
	s7 =	sadd.s32 $0x1000, s14;
	s14 =	sadd.s32 $0x4800, s14  }
0x11: {  	v0 =	vimm.f32 $0.0e+00;
	s15 =	sadd.s32 $0xA3E00, s1;
	s16 =	sadd.s32 $0x2800, s1;
	s17 =	sadd.s32 $0xCC00, s17  }
.LBB2_1:
0x12: {  	s0 =	sand.u32 $0x1F80, s4  }
0x13: {  	s21 =	sand.u32 $0x10, s4;
	s0 =	sshrl.u32 s0, $0x2  }
0x14: {  	s1 =	simm.s32 $0x40;
	s21 =	sor.u32 s21, s0;
	s0 =	simm.s32 $0x0  }
.LBB2_2:
0x15: {  	p0 =	sne.s32 s1, $0x1FC0  }
0x16: {  	[tilespmem:s21+$0x6A40] =	vst v0;
	s0 =	sadd.s32 $0x10, s0;
	s21 =	smov.u32 s1;
	s1 =	sadd.s32 $0x40, s1  }
.Ltmp0:
0x17: {  	(pc) =	sbr.rel @p0 .LBB2_2-.Ltmp0, $4  }
0x18: {  	_ = 	snop  }
0x19: {  	s21 =	sand.u32 $0x1F80, s21  }
0x1a: {  	s28 =	sand.u32 $0x10, s0;
	s21 =	sshrl.u32 s21, $0x2  }
0x1b: {  	s21 =	sor.u32 s28, s21  }
0x1c: {  	[tilespmem:s21+$0x6A40] =	vst v0  }
0x1d: {  	[spmem:s5] =	stream.linear.scatter [tilespmem:s19], [sflag:$0x3], $0x800, $0x38;
	[tilespmem:$0xC240] =	vst v63  }
0x1e: {  	_ =	swait.ge [sflag:s20], $0x800  }
0x1f: {  	[sflag:s20] =	ssyncset.done $0x0  }
0x20: {  	[sflag:s20] =	ssyncadd.s32 $0xFFFFF800  }
0x21: {  	[spmem:s6] =	stream.linear.scatter [tilespmem:s19], [sflag:$0x3], $0x800, $0x38;
	[tilespmem:$0xC240] =	vst v63  }
0x22: {  	_ =	swait.ge [sflag:s20], $0x800  }
0x23: {  	[sflag:s20] =	ssyncset.done $0x0  }
0x24: {  	[sflag:s20] =	ssyncadd.s32 $0xFFFFF800  }
0x25: {  	[spmem:s7] =	stream.linear.scatter [tilespmem:s19], [sflag:$0x3], $0x800, $0x38;
	[tilespmem:$0xC240] =	vst v63  }
0x26: {  	_ =	swait.ge [sflag:s20], $0x800  }
0x27: {  	[sflag:s20] =	ssyncset.done $0x0  }
0x28: {  	[sflag:s20] =	ssyncadd.s32 $0xFFFFF800  }
0x29: {  	[spmem:s8] =	stream.linear.scatter [tilespmem:s19], [sflag:$0x3], $0x800, $0x38;
	[tilespmem:$0xC240] =	vst v63  }
0x2a: {  	_ =	swait.ge [sflag:s20], $0x800  }
0x2b: {  	[sflag:s20] =	ssyncset.done $0x0  }
0x2c: {  	[sflag:s20] =	ssyncadd.s32 $0xFFFFF800  }
0x2d: {  	[spmem:s9] =	stream.linear.scatter [tilespmem:s19], [sflag:$0x3], $0x800, $0x38;
	[tilespmem:$0xC240] =	vst v63  }
0x2e: {  	_ =	swait.ge [sflag:s20], $0x800  }
0x2f: {  	[sflag:s20] =	ssyncset.done $0x0  }
0x30: {  	[sflag:s20] =	ssyncadd.s32 $0xFFFFF800  }
0x31: {  	[spmem:s10] =	stream.linear.scatter [tilespmem:s19], [sflag:$0x3], $0x800, $0x38;
	[tilespmem:$0xC240] =	vst v63  }
0x32: {  	_ =	swait.ge [sflag:s20], $0x800  }
0x33: {  	[sflag:s20] =	ssyncset.done $0x0  }
0x34: {  	[sflag:s20] =	ssyncadd.s32 $0xFFFFF800  }
0x35: {  	[spmem:s11] =	stream.linear.scatter [tilespmem:s19], [sflag:$0x3], $0x800, $0x38;
	[tilespmem:$0xC240] =	vst v63  }
0x36: {  	_ =	swait.ge [sflag:s20], $0x800  }
0x37: {  	[sflag:s20] =	ssyncset.done $0x0  }
0x38: {  	[sflag:s20] =	ssyncadd.s32 $0xFFFFF800  }
0x39: {  	[spmem:s12] =	stream.linear.scatter [tilespmem:s19], [sflag:$0x3], $0x800, $0x38;
	[tilespmem:$0xC240] =	vst v63  }
0x3a: {  	_ =	swait.ge [sflag:s20], $0x800  }
0x3b: {  	[sflag:s20] =	ssyncset.done $0x0  }
0x3c: {  	[sflag:s20] =	ssyncadd.s32 $0xFFFFF800  }
0x3d: {  	[spmem:s13] =	stream.linear.scatter [tilespmem:s19], [sflag:$0x3], $0x800, $0x38;
	[tilespmem:$0xC240] =	vst v63  }
0x3e: {  	_ =	swait.ge [sflag:s20], $0x800  }
0x3f: {  	[sflag:s20] =	ssyncset.done $0x0  }
0x40: {  	[sflag:s20] =	ssyncadd.s32 $0xFFFFF800  }
0x41: {  	[spmem:s14] =	stream.linear.scatter [tilespmem:s19], [sflag:$0x3], $0x800, $0x38;
	[tilespmem:$0xC240] =	vst v63  }
0x42: {  	_ =	swait.ge [sflag:s20], $0x800  }
0x43: {  	[sflag:s20] =	ssyncset.done $0x0  }
0x44: {  	s0 =	simm.s32 $0x0;
	[sflag:s20] =	ssyncadd.s32 $0xFFFFF800  }
0x45: {  	[tilespmem:s0], [sflag:$0x3] =	stream.linear.gather [hbm4b:s15+s0], $0x28A0, $0x38;
	[tilespmem:$0xC240] =	vst v63  }
0x46: {  	_ =	swait.ge [sflag:s20], $0x28A0  }
0x47: {  	[sflag:s20] =	ssyncset.done $0x0  }
0x48: {  	s1 =	simm.s32 $0x28A0;
	[sflag:s20] =	ssyncadd.s32 $0xFFFFD760  }
0x49: {  	[tilespmem:s1], [sflag:$0x3] =	stream.linear.gather [hbm4b:s16+s0], $0x28A0, $0x38;
	[tilespmem:$0xC240] =	vst v63  }
0x4a: {  	_ =	swait.ge [sflag:s20], $0x28A0  }
0x4b: {  	[sflag:s20] =	ssyncset.done $0x0  }
0x4c: {  	[sflag:s20] =	ssyncadd.s32 $0xFFFFD760  }
0x4d: {  	[bflag:$0x0] =	sbarrier.arrive $0xFFFF  }
0x4e: {  	[tilespmem:s23], [sflag:$0x1] =	stream.indirect.gather [hbm4b:s2+s22], $0x20, s0, s22, $0xb8;
	[tilespmem:$0xC240] =	vst v63  }
0x4f: {  	_ =	swait.ge [sflag:s24], $0xC80  }
0x50: {  	[sflag:s24] =	ssyncset.done $0x0  }
0x51: {  	s28 =	simm.s32 $0x68;
	[sflag:s24] =	ssyncadd.s32 $0xFFFFF380  }
0x52: {  	[tilespmem:s25], [sflag:$0x2] =	stream.indirect.gather [hbm4b:s2+s22], $0x20, s28, s22, $0xb8;
	[tilespmem:$0xC240] =	vst v63  }
0x53: {  	s1 =	simm.s32 $0x28A0  }
0x54: {  	[spmem:s3] =	stream.indirect.scatter.add.f32 [tilespmem:s23], [sflag:$0x3], $0x20, s1, s22, $0xb8;
	[tilespmem:$0xC240] =	vst v63  }
0x55: {  	_ =	swait.ge [sflag:s20], $0xC80  }
0x56: {  	[sflag:s20] =	ssyncset.done $0x0  }
0x57: {  	[sflag:s20] =	ssyncadd.s32 $0xFFFFF380  }
0x58: {  	_ =	swait.ge [sflag:s26], $0xC80  }
0x59: {  	[sflag:s26] =	ssyncset.done $0x0  }
0x5a: {  	s21 =	simm.s32 $0xD0;
	[sflag:s26] =	ssyncadd.s32 $0xFFFFF380  }
0x5b: {  	[tilespmem:s23], [sflag:$0x1] =	stream.indirect.gather [hbm4b:s2+s22], $0x20, s21, s22, $0xb8;
	[tilespmem:$0xC240] =	vst v63  }
0x5c: {  	s28 =	simm.s32 $0x2908  }
0x5d: {  	[spmem:s3] =	stream.indirect.scatter.add.f32 [tilespmem:s25], [sflag:$0x3], $0x20, s28, s22, $0xb8;
	[tilespmem:$0xC240] =	vst v63  }
0x5e: {  	_ =	swait.ge [sflag:s20], $0xC80  }
0x5f: {  	s1 =	simm.s32 $0x340;
	[sflag:s20] =	ssyncset.done $0x0  }
.LBB2_4:
0x60: {  	p0 =	sne.s32 s1, $0x9C00  }
0x61: {  	[sflag:s20] =	ssyncadd.s32 $0xFFFFF380;
	s0 =	smov.u32 s1;
	s1 =	sadd.s32 $0x340, s1  }
0x62: {  	_ = 	snop  }
0x63: {  	_ =	swait.ge [sflag:s24], $0xC80  }
0x64: {  	s0 =	sshra.s32 s0, $0x2;
	[sflag:s24] =	ssyncset.done $0x0  }
0x65: {  	s21 =	sadd.s32 $0x68, s0;
	[sflag:s24] =	ssyncadd.s32 $0xFFFFF380  }
0x66: {  	[tilespmem:s25], [sflag:$0x2] =	stream.indirect.gather [hbm4b:s2+s22], $0x20, s21, s22, $0xb8;
	[tilespmem:$0xC240] =	vst v63  }
0x67: {  	s21 =	sadd.s32 $0x28A0, s0  }
0x68: {  	[spmem:s3] =	stream.indirect.scatter.add.f32 [tilespmem:s23], [sflag:$0x3], $0x20, s21, s22, $0xb8;
	[tilespmem:$0xC240] =	vst v63  }
0x69: {  	_ =	swait.ge [sflag:s20], $0xC80  }
0x6a: {  	[sflag:s20] =	ssyncset.done $0x0  }
0x6b: {  	[sflag:s20] =	ssyncadd.s32 $0xFFFFF380  }
0x6c: {  	_ =	swait.ge [sflag:s26], $0xC80  }
0x6d: {  	[sflag:s26] =	ssyncset.done $0x0  }
0x6e: {  	s21 =	sadd.s32 $0xD0, s0;
	[sflag:s26] =	ssyncadd.s32 $0xFFFFF380  }
0x6f: {  	[tilespmem:s23], [sflag:$0x1] =	stream.indirect.gather [hbm4b:s2+s22], $0x20, s21, s22, $0xb8;
	[tilespmem:$0xC240] =	vst v63  }
.Ltmp1:
0x70: {  	_ = 	snop;
	(pc) =	sbr.rel @p0 .LBB2_4-.Ltmp1, $4  }
0x71: {  	s0 =	sadd.s32 $0x2908, s0  }
0x72: {  	[spmem:s3] =	stream.indirect.scatter.add.f32 [tilespmem:s25], [sflag:$0x3], $0x20, s0, s22, $0xb8;
	[tilespmem:$0xC240] =	vst v63  }
0x73: {  	_ =	swait.ge [sflag:s20], $0xC80  }
0x74: {  	[sflag:s20] =	ssyncset.done $0x0  }
0x75: {  	[sflag:s20] =	ssyncadd.s32 $0xFFFFF380  }
0x76: {  	_ =	swait.ge [sflag:s24], $0xC80  }
0x77: {  	[sflag:s24] =	ssyncset.done $0x0  }
0x78: {  	s0 =	simm.s32 $0x2838;
	[sflag:s24] =	ssyncadd.s32 $0xFFFFF380  }
0x79: {  	[tilespmem:s25], [sflag:$0x2] =	stream.indirect.gather [hbm4b:s2+s22], $0x20, s0, s22, $0xb8;
	[tilespmem:$0xC240] =	vst v63  }
0x7a: {  	_ = 	snop  }
0x7b: {  	[spmem:s3] =	stream.indirect.scatter.add.f32 [tilespmem:s23], [sflag:$0x3], $0x20, s29, s22, $0xb8;
	[tilespmem:$0xC240] =	vst v63  }
0x7c: {  	_ =	swait.ge [sflag:s20], $0xC80  }
0x7d: {  	[sflag:s20] =	ssyncset.done $0x0  }
0x7e: {  	[sflag:s20] =	ssyncadd.s32 $0xFFFFF380  }
0x7f: {  	_ =	swait.ge [sflag:s26], $0xC80  }
0x80: {  	[sflag:s26] =	ssyncset.done $0x0  }
0x81: {  	[sflag:s26] =	ssyncadd.s32 $0xFFFFF380  }
0x82: {  	[spmem:s3] =	stream.indirect.scatter.add.f32 [tilespmem:s25], [sflag:$0x3], $0x20, s30, s22, $0xb8;
	[tilespmem:$0xC240] =	vst v63  }
0x83: {  	s28 =	stileid.u32;
	_ =	swait.ge [sflag:s20], $0xC80  }
0x84: {  	s1 =	sshrl.u32 s5, $0x3;
	s31 =	sadd.s32 $0x1, s31;
	[sflag:s20] =	ssyncset.done $0x0  }
0x85: {  	p0 =	sne.s32 s31, s18;
	s0 =	sshll.u32 s28, $0x6;
	[sflag:s20] =	ssyncadd.s32 $0xFFFFF380  }
.Ltmp2:
0x86: {  	s0 =	sor.u32 $0x1C03, s0;
	[bflag:$0x0] =	sbarrier.arrive $0xFFFF;
	(pc) =	sbr.rel @p0 .LBB2_1-.Ltmp2, $4  }
0x87: {  	[hbm:s17], [sflag:s0] =	dma.local [spmem:s1], $0xA00  }
0x88: {  	_ =	swait.ge [sflag:s20], $0xA00  }
0x89: {  	[sflag:s20] =	ssyncset.done $0x0  }
0x8a: {  	[sflag:s20] =	ssyncadd.s32 $0xFFFFF600  }
0x8b: {  	_ =	sfence.sel $0x180000  }
0x8c: {  	[bflag:$0x0] =	sbarrier.arrive $0xFFFF  }
0x8d: {  	_ =	strace $0x90000050  }
0x8e: {  	s0 =	stileid.u32;
	[bflag:$0x2] =	sbarrier.arrive $0xFFFF  }
0x8f: {  	p0 =	sne.s32 s0, $0x0;
	s0 =	rddreg [dreg:$0x3]  }
0x90: {  	s0 =	sadd.s32 @!p0 $0x100000, s0  }
0x91: {  	[sflag:s0] =	ssyncadd.tile.s32 @!p0 $0x1;
	_ =	shalt  }
.Lfunc_end2:
_tile_overlayer_lowered:
.L_overlay_start_2:
0x92: {  	(tag) =	ssettag $0x2  }
0x93: {  	s0 =	rddreg [dreg:$0x0];
	s2 =	stileid.u32  }
0x94: {  	s1 =	rddreg [dreg:$0x1];
	p0 =	sne.s32 s2, $0x0  }
0x95: {  	s3 =	rddreg [dreg:$0x2];
	[bflag:$0x3] =	sbarrier.arrive $0xFFFF;
	s2 =	simm.s32 @!p0 $0x1C03  }
0x96: {  	[timem:s3], [sflag:s2] =	dma.local @!p0 [hbm:s0], s1  }
0x97: {  	s0 =	simm.s32 @!p0 $0x3  }
0x98: {  	_ =	swait.ge @!p0 [sflag:s0], s1  }
0x99: {  	s1 =	ssub.s32 @!p0 $0x0, s1;
	[sflag:s0] =	ssyncset.done @!p0 $0x0  }
0x9a: {  	[sflag:s0] =	ssyncadd.s32 @!p0 s1  }
0x9b: {  	[bflag:$0x3] =	sbarrier.arrive $0xFFFF  }
0x9c: {  	_ =	shalt  }

</sc_bundles>
